<compile_context>
chip_gen: v7x
topology: tpu7x:2x2x1
jax: 0.10.2.dev20260603
libtpu: 0.0.44.dev20260713+nightly
codegen_flags: <defaults>
</compile_context>

<pallas_src>
import functools

import jax
import jax.numpy as jnp
from jax import lax
from jax.experimental import pallas as pl
from jax.experimental.pallas import tpu as pltpu
from jax.experimental.pallas import tpu_sc as plsc

VOCAB = 32100
NSOFT = 100
HIDDEN = 1024
BATCH = 4
SEQ = 2048
NTOK = BATCH * SEQ

NC = 2
NS = 16
L = 16
NW = NC * NS
TPW = NTOK // NW
WPR = SEQ // TPW
C = 32
NCH = TPW // C
NG = TPW // L
NBUF = 3
AHEAD = 2


def _emb_body(ids_hbm, shared_hbm, soft_hbm, out_hbm, idx_all, id2d_v,
              patch_v, rows0, rows1, rows2, gsem, wsem):
    rows = (rows0, rows1, rows2)
    wid = lax.axis_index("s") * NC + lax.axis_index("c")
    brow = wid // WPR
    col0 = (wid % WPR) * TPW

    pltpu.sync_copy(ids_hbm.at[brow, pl.ds(col0, TPW)], idx_all)

    def gather(ch):
        ds = []
        for j in range(C // L):
            v = idx_all[pl.ds(ch * C + j * L, L)]
            id2d_v[ch * (C // L) + j, pl.ds(0, L)] = v
            hv = jnp.where(v < VOCAB, v, 2)
            ds.append(
                pltpu.async_copy(
                    shared_hbm.at[hv],
                    rows[ch % NBUF].at[pl.ds(j * L, L)],
                    gsem,
                )
            )
        return ds

    def writeback(ch):
        return pltpu.async_copy(
            rows[ch % NBUF],
            out_hbm.at[brow, pl.ds(col0 + ch * C, C)],
            wsem,
        )

    gds = {}
    wds = {}
    for ch in range(AHEAD):
        gds[ch] = gather(ch)
    for ch in range(NCH):
        for d in gds.pop(ch):
            d.wait()
        nxt = ch + AHEAD
        if nxt < NCH:
            if nxt - NBUF >= 0:
                wds.pop(nxt - NBUF).wait()
            gds[nxt] = gather(nxt)
        wds[ch] = writeback(ch)
    for ch in sorted(wds):
        wds.pop(ch).wait()

    def fix_group(g, carry):
        gv = id2d_v[g, pl.ds(0, L)]
        for k in range(L):
            sid = gv[k]

            @pl.when(sid >= VOCAB)
            def _(sid=sid, k=k):
                pltpu.sync_copy(soft_hbm.at[sid - VOCAB], patch_v)
                pltpu.sync_copy(
                    patch_v, out_hbm.at[brow, col0 + g * L + k]
                )

        return carry

    lax.fori_loop(0, NG, fix_group, 0)


@functools.partial(
    pl.kernel,
    out_type=jax.ShapeDtypeStruct((BATCH, SEQ, HIDDEN), jnp.float32),
    mesh=plsc.VectorSubcoreMesh(core_axis_name="c", subcore_axis_name="s"),
    scratch_types=[
        pltpu.VMEM((TPW,), jnp.int32),
        pltpu.VMEM((NG, L), jnp.int32),
        pltpu.VMEM((HIDDEN,), jnp.float32),
        pltpu.VMEM((C, HIDDEN), jnp.float32),
        pltpu.VMEM((C, HIDDEN), jnp.float32),
        pltpu.VMEM((C, HIDDEN), jnp.float32),
        pltpu.SemaphoreType.DMA,
        pltpu.SemaphoreType.DMA,
    ],
)
def _emb_lookup(ids_hbm, shared_hbm, soft_hbm, out_hbm, idx_all, id2d_v,
                patch_v, rows0, rows1, rows2, gsem, wsem):
    _emb_body(ids_hbm, shared_hbm, soft_hbm, out_hbm, idx_all, id2d_v,
              patch_v, rows0, rows1, rows2, gsem, wsem)


def kernel(input_ids, shared, soft_embedding):
    ids = input_ids if input_ids.dtype == jnp.int32 else input_ids.astype(jnp.int32)
    return _emb_lookup(ids, shared, soft_embedding)

# --- scband reference (transcript-rebuilt; emitter-appended) ---
"""Pipeline reference for scband-model-601295422063 (READ-ONLY COPY).

The authoritative reference and input builder live on the scoring server;
editing this copy changes nothing except your own understanding.
"""

import jax, jax.numpy as jnp
import numpy as np

VOCAB_SIZE = 32100
NUM_SOFT = 100
HIDDEN = 1024
BATCH = 4
SEQ = 2048

def setup_inputs(seed: int = 0) -> dict:
    key = jax.random.key(seed)
    k1, k2, k3 = jax.random.split(key, 3)
    input_ids = jax.random.randint(k1, (BATCH, SEQ), 0, VOCAB_SIZE + NUM_SOFT, dtype=jnp.int64 if jax.config.jax_enable_x64 else jnp.int32)
    shared = jax.random.normal(k2, (VOCAB_SIZE, HIDDEN), dtype=jnp.float32) * 0.02
    soft_embedding = jax.random.normal(k3, (NUM_SOFT, HIDDEN), dtype=jnp.float32) * 0.02
    return {"input_ids": input_ids, "shared": shared, "soft_embedding": soft_embedding}

def reference(input_ids, shared, soft_embedding):
    # Faithful translation of token_id_to_embedding with num_soft_tokens > 0.
    hard_token_mask = (input_ids < VOCAB_SIZE)  # [B, S]
    # hard ids: keep id if hard token, else use id 2 (placeholder, masked out later)
    hard_ids = jnp.where(hard_token_mask, input_ids, 2)
    raw_embedding = jnp.take(shared, hard_ids, axis=0)  # [B, S, H]
    # soft ids: 0 if hard token, else id - vocab_size
    soft_ids = jnp.where(hard_token_mask, 0, input_ids - VOCAB_SIZE)
    new_embedding = jnp.take(soft_embedding, soft_ids, axis=0)  # [B, S, H]
    mask3 = hard_token_mask[:, :, None]
    out = jnp.where(mask3, raw_embedding, new_embedding)
    return out

if __name__ == "__main__":
    import jax
    _d = setup_inputs()
    print(jax.jit(kernel)(*tuple(_d.values())))

</pallas_src>

<mosaic_0001>
#map = affine_map<(d0, d1) -> (0, 0)>
#map1 = affine_map<(d0, d1) -> (0, 0, 0)>
module attributes {stable_mosaic.version = 14 : i64} {
  func.func @_emb_lookup(%arg0: i32, %arg1: i32, %arg2: memref<4x2048xi32, #tpu.memory_space<hbm>>, %arg3: memref<32100x1024xf32, #tpu.memory_space<hbm>>, %arg4: memref<100x1024xf32, #tpu.memory_space<hbm>>, %arg5: memref<4x2048x1024xf32, #tpu.memory_space<hbm>>, %arg6: memref<256xi32, #tpu.memory_space<vmem>>, %arg7: memref<16x16xi32, #tpu.memory_space<vmem>>, %arg8: memref<1024xf32, #tpu.memory_space<vmem>>, %arg9: memref<32x1024xf32, #tpu.memory_space<vmem>>, %arg10: memref<32x1024xf32, #tpu.memory_space<vmem>>, %arg11: memref<32x1024xf32, #tpu.memory_space<vmem>>, %arg12: memref<!tpu.dma_semaphore, #tpu.memory_space<semaphore_mem>>, %arg13: memref<!tpu.dma_semaphore, #tpu.memory_space<semaphore_mem>>) attributes {dimension_semantics = [#tpu.dimension_semantics<core_parallel>, #tpu.dimension_semantics<subcore_parallel>], iteration_bounds = array<i64: 2, 16>, scalar_prefetch = 0 : i64, scratch_operands = 8 : i64, tpu.core_type = #tpu.core_type<sc_vector_subcore>, window_params = [{transform_indices = #map}, {transform_indices = #map}, {transform_indices = #map}, {transform_indices = #map1}]} {
    %mul3A = arith.constant 2 : i32
    %mul3A_0 = arith.muli %arg1, %mul3A : i32
    %add3A = arith.addi %mul3A_0, %arg0 : i32
    %jit3A = arith.constant 8 : i32
    %div3A = arith.divsi %add3A, %jit3A : i32
    %sign3A = arith.constant 0 : i32
    %sign3A_1 = arith.cmpi sgt, %add3A, %sign3A : i32
    %sign3A_2 = arith.extui %sign3A_1 : i1 to i32
    %sign3A_3 = arith.constant 0 : i32
    %sign3A_4 = arith.cmpi slt, %add3A, %sign3A_3 : i32
    %sign3A_5 = arith.extui %sign3A_4 : i1 to i32
    %sign3A_6 = arith.subi %sign3A_2, %sign3A_5 : i32
    %sign3A_7 = arith.constant 0 : i32
    %sign3A_8 = arith.cmpi sgt, %jit3A, %sign3A_7 : i32
    %sign3A_9 = arith.extui %sign3A_8 : i1 to i32
    %sign3A_10 = arith.constant 0 : i32
    %sign3A_11 = arith.cmpi slt, %jit3A, %sign3A_10 : i32
    %sign3A_12 = arith.extui %sign3A_11 : i1 to i32
    %sign3A_13 = arith.subi %sign3A_9, %sign3A_12 : i32
    %ne3A = arith.cmpi ne, %sign3A_6, %sign3A_13 : i32
    %rem3A = arith.remsi %add3A, %jit3A : i32
    %ne3A_14 = arith.constant 0 : i32
    %ne3A_15 = arith.cmpi ne, %rem3A, %ne3A_14 : i32
    %and3A = arith.andi %ne3A, %ne3A_15 : i1
    %sub3A = arith.constant 1 : i32
    %sub3A_16 = arith.subi %div3A, %sub3A : i32
    %select_n3A = arith.select %and3A, %sub3A_16, %div3A : i32
    %jit3A_17 = arith.constant 8 : i32
    %eq3A = arith.constant 0 : i32
    %eq3A_18 = arith.cmpi eq, %jit3A_17, %eq3A : i32
    %jit3A_19 = arith.constant 1 : i32
    %select_n3A_20 = arith.select %eq3A_18, %jit3A_19, %jit3A_17 : i32
    %rem3A_21 = arith.remsi %add3A, %select_n3A_20 : i32
    %ne3A_22 = arith.constant 0 : i32
    %ne3A_23 = arith.cmpi ne, %rem3A_21, %ne3A_22 : i32
    %lt3A = arith.constant 0 : i32
    %lt3A_24 = arith.cmpi slt, %rem3A_21, %lt3A : i32
    %lt3A_25 = arith.constant 0 : i32
    %lt3A_26 = arith.cmpi slt, %select_n3A_20, %lt3A_25 : i32
    %ne3A_27 = arith.xori %lt3A_24, %lt3A_26 : i1
    %and3A_28 = arith.andi %ne3A_27, %ne3A_23 : i1
    %add3A_29 = arith.addi %rem3A_21, %select_n3A_20 : i32
    %select_n3A_30 = arith.select %and3A_28, %add3A_29, %rem3A_21 : i32
    %mul3A_31 = arith.constant 256 : i32
    %mul3A_32 = arith.muli %select_n3A_30, %mul3A_31 : i32
    "tpu.region"() ({
      %run_scoped3A = tpu.sem_alloc : memref<!tpu.dma_semaphore, #tpu.memory_space<semaphore_mem>>
      %dma_start3A_577 = tpu.memref_slice %arg2[%select_n3A, %mul3A_32] : memref<4x2048xi32, #tpu.memory_space<hbm>> -> memref<1x256xi32, #tpu.memory_space<hbm>>
      %dma_start3A_578 = tpu.memref_squeeze %dma_start3A_577 : memref<1x256xi32, #tpu.memory_space<hbm>> -> memref<256xi32, #tpu.memory_space<hbm>>
      %dma_start3A_579 = tpu.memref_slice %arg2[%select_n3A, %mul3A_32] : memref<4x2048xi32, #tpu.memory_space<hbm>> -> memref<1x256xi32, #tpu.memory_space<hbm>>
      %dma_start3A_580 = tpu.memref_squeeze %dma_start3A_579 : memref<1x256xi32, #tpu.memory_space<hbm>> -> memref<256xi32, #tpu.memory_space<hbm>>
      tpu.enqueue_dma source(%dma_start3A_580 : memref<256xi32, #tpu.memory_space<hbm>>) target(%arg6 : memref<256xi32, #tpu.memory_space<vmem>>) target_semaphore(%run_scoped3A : memref<!tpu.dma_semaphore, #tpu.memory_space<semaphore_mem>>)
      %dma_wait3A_581 = tpu.memref_slice %arg2[%select_n3A, %mul3A_32] : memref<4x2048xi32, #tpu.memory_space<hbm>> -> memref<1x256xi32, #tpu.memory_space<hbm>>
      %dma_wait3A_582 = tpu.memref_squeeze %dma_wait3A_581 : memref<1x256xi32, #tpu.memory_space<hbm>> -> memref<256xi32, #tpu.memory_space<hbm>>
      %dma_wait3A_583 = tpu.memref_slice %arg2[%select_n3A, %mul3A_32] : memref<4x2048xi32, #tpu.memory_space<hbm>> -> memref<1x256xi32, #tpu.memory_space<hbm>>
      %dma_wait3A_584 = tpu.memref_squeeze %dma_wait3A_583 : memref<1x256xi32, #tpu.memory_space<hbm>> -> memref<256xi32, #tpu.memory_space<hbm>>
      tpu.wait_dma2 semaphore(%run_scoped3A : memref<!tpu.dma_semaphore, #tpu.memory_space<semaphore_mem>>) src(%dma_wait3A_584 : memref<256xi32, #tpu.memory_space<hbm>>) dst(%arg6 : memref<256xi32, #tpu.memory_space<vmem>>)
      tpu.yield
    }) : () -> ()
    %get3A = arith.constant 0 : index
    %get3A_33 = tpu.vector_load %arg6[%get3A] {strides = array<i32>} : memref<256xi32, #tpu.memory_space<vmem>>, vector<16xi32>,
    %get3A_34 = vector.shape_cast %get3A_33 : vector<16xi32> to vector<16xi32>
    %swap3A = arith.constant 0 : i32
    %swap3A_35 = arith.index_cast %swap3A : i32 to index
    %swap3A_36 = arith.constant 0 : index
    %swap3A_37 = tpu.vector_load %arg7[%swap3A_35, %swap3A_36] {strides = array<i32>} : memref<16x16xi32, #tpu.memory_space<vmem>>, vector<1x16xi32>,
    %swap3A_38 = vector.shape_cast %swap3A_37 : vector<1x16xi32> to vector<16xi32>
    %swap3A_39 = vector.shape_cast %get3A_34 : vector<16xi32> to vector<1x16xi32>
    tpu.vector_store %arg7[%swap3A_35, %swap3A_36], %swap3A_39 {strides = array<i32>} : memref<16x16xi32, #tpu.memory_space<vmem>>, vector<1x16xi32>,
    %lt3A_40 = arith.constant 32100 : i32
    %lt3A_41 = vector.broadcast %lt3A_40 : i32 to vector<16xi32>
    %lt3A_42 = arith.cmpi slt, %get3A_34, %lt3A_41 : vector<16xi32>
    %jit3A_43 = arith.constant 2 : i32
    %broadcast_in_dim3A = vector.broadcast %jit3A_43 : i32 to vector<16xi32>
    %select_n3A_44 = arith.select %lt3A_42, %get3A_34, %broadcast_in_dim3A : vector<16xi1>, vector<16xi32>
    %dma_start3A = arith.constant 0 : i32
    %dma_start3A_45 = arith.constant 0 : i32
    %dma_start3A_46 = tpu.memref_slice %arg9[%dma_start3A, %dma_start3A_45] : memref<32x1024xf32, #tpu.memory_space<vmem>> -> memref<16x1024xf32, #tpu.memory_space<vmem>>
    %dma_start3A_47 = arith.constant 0 : i32
    %dma_start3A_48 = arith.constant 0 : i32
    %dma_start3A_49 = tpu.memref_slice %arg3[%dma_start3A_47, %dma_start3A_48] : memref<32100x1024xf32, #tpu.memory_space<hbm>> -> memref<32100x1024xf32, #tpu.memory_space<hbm>>
    tpu.enqueue_indirect_dma source(%dma_start3A_49 : memref<32100x1024xf32, #tpu.memory_space<hbm>>) target(%dma_start3A_46 : memref<16x1024xf32, #tpu.memory_space<vmem>>) offsets(%select_n3A_44 : vector<16xi32>) semaphore(%arg12 : memref<!tpu.dma_semaphore, #tpu.memory_space<semaphore_mem>>)
    %get3A_50 = arith.constant 16 : index
    %get3A_51 = tpu.vector_load %arg6[%get3A_50] {strides = array<i32>} : memref<256xi32, #tpu.memory_space<vmem>>, vector<16xi32>,
    %get3A_52 = vector.shape_cast %get3A_51 : vector<16xi32> to vector<16xi32>
    %swap3A_53 = arith.constant 1 : i32
    %swap3A_54 = arith.index_cast %swap3A_53 : i32 to index
    %swap3A_55 = arith.constant 0 : index
    %swap3A_56 = tpu.vector_load %arg7[%swap3A_54, %swap3A_55] {strides = array<i32>} : memref<16x16xi32, #tpu.memory_space<vmem>>, vector<1x16xi32>,
    %swap3A_57 = vector.shape_cast %swap3A_56 : vector<1x16xi32> to vector<16xi32>
    %swap3A_58 = vector.shape_cast %get3A_52 : vector<16xi32> to vector<1x16xi32>
    tpu.vector_store %arg7[%swap3A_54, %swap3A_55], %swap3A_58 {strides = array<i32>} : memref<16x16xi32, #tpu.memory_space<vmem>>, vector<1x16xi32>,
    %lt3A_59 = arith.constant 32100 : i32
    %lt3A_60 = vector.broadcast %lt3A_59 : i32 to vector<16xi32>
    %lt3A_61 = arith.cmpi slt, %get3A_52, %lt3A_60 : vector<16xi32>
    %jit3A_62 = arith.constant 2 : i32
    %broadcast_in_dim3A_63 = vector.broadcast %jit3A_62 : i32 to vector<16xi32>
    %select_n3A_64 = arith.select %lt3A_61, %get3A_52, %broadcast_in_dim3A_63 : vector<16xi1>, vector<16xi32>
    %dma_start3A_65 = arith.constant 16 : i32
    %dma_start3A_66 = arith.constant 0 : i32
    %dma_start3A_67 = tpu.memref_slice %arg9[%dma_start3A_65, %dma_start3A_66] : memref<32x1024xf32, #tpu.memory_space<vmem>> -> memref<16x1024xf32, #tpu.memory_space<vmem>>
    %dma_start3A_68 = arith.constant 0 : i32
    %dma_start3A_69 = arith.constant 0 : i32
    %dma_start3A_70 = tpu.memref_slice %arg3[%dma_start3A_68, %dma_start3A_69] : memref<32100x1024xf32, #tpu.memory_space<hbm>> -> memref<32100x1024xf32, #tpu.memory_space<hbm>>
    tpu.enqueue_indirect_dma source(%dma_start3A_70 : memref<32100x1024xf32, #tpu.memory_space<hbm>>) target(%dma_start3A_67 : memref<16x1024xf32, #tpu.memory_space<vmem>>) offsets(%select_n3A_64 : vector<16xi32>) semaphore(%arg12 : memref<!tpu.dma_semaphore, #tpu.memory_space<semaphore_mem>>)
    %get3A_71 = arith.constant 32 : index
    %get3A_72 = tpu.vector_load %arg6[%get3A_71] {strides = array<i32>} : memref<256xi32, #tpu.memory_space<vmem>>, vector<16xi32>,
    %get3A_73 = vector.shape_cast %get3A_72 : vector<16xi32> to vector<16xi32>
    %swap3A_74 = arith.constant 2 : i32
    %swap3A_75 = arith.index_cast %swap3A_74 : i32 to index
    %swap3A_76 = arith.constant 0 : index
    %swap3A_77 = tpu.vector_load %arg7[%swap3A_75, %swap3A_76] {strides = array<i32>} : memref<16x16xi32, #tpu.memory_space<vmem>>, vector<1x16xi32>,
    %swap3A_78 = vector.shape_cast %swap3A_77 : vector<1x16xi32> to vector<16xi32>
    %swap3A_79 = vector.shape_cast %get3A_73 : vector<16xi32> to vector<1x16xi32>
    tpu.vector_store %arg7[%swap3A_75, %swap3A_76], %swap3A_79 {strides = array<i32>} : memref<16x16xi32, #tpu.memory_space<vmem>>, vector<1x16xi32>,
    %lt3A_80 = arith.constant 32100 : i32
    %lt3A_81 = vector.broadcast %lt3A_80 : i32 to vector<16xi32>
    %lt3A_82 = arith.cmpi slt, %get3A_73, %lt3A_81 : vector<16xi32>
    %jit3A_83 = arith.constant 2 : i32
    %broadcast_in_dim3A_84 = vector.broadcast %jit3A_83 : i32 to vector<16xi32>
    %select_n3A_85 = arith.select %lt3A_82, %get3A_73, %broadcast_in_dim3A_84 : vector<16xi1>, vector<16xi32>
    %dma_start3A_86 = arith.constant 0 : i32
    %dma_start3A_87 = arith.constant 0 : i32
    %dma_start3A_88 = tpu.memref_slice %arg10[%dma_start3A_86, %dma_start3A_87] : memref<32x1024xf32, #tpu.memory_space<vmem>> -> memref<16x1024xf32, #tpu.memory_space<vmem>>
    %dma_start3A_89 = arith.constant 0 : i32
    %dma_start3A_90 = arith.constant 0 : i32
    %dma_start3A_91 = tpu.memref_slice %arg3[%dma_start3A_89, %dma_start3A_90] : memref<32100x1024xf32, #tpu.memory_space<hbm>> -> memref<32100x1024xf32, #tpu.memory_space<hbm>>
    tpu.enqueue_indirect_dma source(%dma_start3A_91 : memref<32100x1024xf32, #tpu.memory_space<hbm>>) target(%dma_start3A_88 : memref<16x1024xf32, #tpu.memory_space<vmem>>) offsets(%select_n3A_85 : vector<16xi32>) semaphore(%arg12 : memref<!tpu.dma_semaphore, #tpu.memory_space<semaphore_mem>>)
    %get3A_92 = arith.constant 48 : index
    %get3A_93 = tpu.vector_load %arg6[%get3A_92] {strides = array<i32>} : memref<256xi32, #tpu.memory_space<vmem>>, vector<16xi32>,
    %get3A_94 = vector.shape_cast %get3A_93 : vector<16xi32> to vector<16xi32>
    %swap3A_95 = arith.constant 3 : i32
    %swap3A_96 = arith.index_cast %swap3A_95 : i32 to index
    %swap3A_97 = arith.constant 0 : index
    %swap3A_98 = tpu.vector_load %arg7[%swap3A_96, %swap3A_97] {strides = array<i32>} : memref<16x16xi32, #tpu.memory_space<vmem>>, vector<1x16xi32>,
    %swap3A_99 = vector.shape_cast %swap3A_98 : vector<1x16xi32> to vector<16xi32>
    %swap3A_100 = vector.shape_cast %get3A_94 : vector<16xi32> to vector<1x16xi32>
    tpu.vector_store %arg7[%swap3A_96, %swap3A_97], %swap3A_100 {strides = array<i32>} : memref<16x16xi32, #tpu.memory_space<vmem>>, vector<1x16xi32>,
    %lt3A_101 = arith.constant 32100 : i32
    %lt3A_102 = vector.broadcast %lt3A_101 : i32 to vector<16xi32>
    %lt3A_103 = arith.cmpi slt, %get3A_94, %lt3A_102 : vector<16xi32>
    %jit3A_104 = arith.constant 2 : i32
    %broadcast_in_dim3A_105 = vector.broadcast %jit3A_104 : i32 to vector<16xi32>
    %select_n3A_106 = arith.select %lt3A_103, %get3A_94, %broadcast_in_dim3A_105 : vector<16xi1>, vector<16xi32>
    %dma_start3A_107 = arith.constant 16 : i32
    %dma_start3A_108 = arith.constant 0 : i32
    %dma_start3A_109 = tpu.memref_slice %arg10[%dma_start3A_107, %dma_start3A_108] : memref<32x1024xf32, #tpu.memory_space<vmem>> -> memref<16x1024xf32, #tpu.memory_space<vmem>>
    %dma_start3A_110 = arith.constant 0 : i32
    %dma_start3A_111 = arith.constant 0 : i32
    %dma_start3A_112 = tpu.memref_slice %arg3[%dma_start3A_110, %dma_start3A_111] : memref<32100x1024xf32, #tpu.memory_space<hbm>> -> memref<32100x1024xf32, #tpu.memory_space<hbm>>
    tpu.enqueue_indirect_dma source(%dma_start3A_112 : memref<32100x1024xf32, #tpu.memory_space<hbm>>) target(%dma_start3A_109 : memref<16x1024xf32, #tpu.memory_space<vmem>>) offsets(%select_n3A_106 : vector<16xi32>) semaphore(%arg12 : memref<!tpu.dma_semaphore, #tpu.memory_space<semaphore_mem>>)
    %dma_wait3A = arith.constant 0 : i32
    %dma_wait3A_113 = arith.constant 0 : i32
    %dma_wait3A_114 = tpu.memref_slice %arg9[%dma_wait3A, %dma_wait3A_113] : memref<32x1024xf32, #tpu.memory_space<vmem>> -> memref<16x1024xf32, #tpu.memory_space<vmem>>
    %dma_wait3A_115 = arith.constant 0 : i32
    %dma_wait3A_116 = arith.constant 0 : i32
    %dma_wait3A_117 = tpu.memref_slice %arg3[%dma_wait3A_115, %dma_wait3A_116] : memref<32100x1024xf32, #tpu.memory_space<hbm>> -> memref<32100x1024xf32, #tpu.memory_space<hbm>>
    tpu.wait_indirect_dma semaphore(%arg12 : memref<!tpu.dma_semaphore, #tpu.memory_space<semaphore_mem>>) src(%dma_wait3A_117 : memref<32100x1024xf32, #tpu.memory_space<hbm>>) dst(%dma_wait3A_114 : memref<16x1024xf32, #tpu.memory_space<vmem>>)
    %dma_wait3A_118 = arith.constant 16 : i32
    %dma_wait3A_119 = arith.constant 0 : i32
    %dma_wait3A_120 = tpu.memref_slice %arg9[%dma_wait3A_118, %dma_wait3A_119] : memref<32x1024xf32, #tpu.memory_space<vmem>> -> memref<16x1024xf32, #tpu.memory_space<vmem>>
    %dma_wait3A_121 = arith.constant 0 : i32
    %dma_wait3A_122 = arith.constant 0 : i32
    %dma_wait3A_123 = tpu.memref_slice %arg3[%dma_wait3A_121, %dma_wait3A_122] : memref<32100x1024xf32, #tpu.memory_space<hbm>> -> memref<32100x1024xf32, #tpu.memory_space<hbm>>
    tpu.wait_indirect_dma semaphore(%arg12 : memref<!tpu.dma_semaphore, #tpu.memory_space<semaphore_mem>>) src(%dma_wait3A_123 : memref<32100x1024xf32, #tpu.memory_space<hbm>>) dst(%dma_wait3A_120 : memref<16x1024xf32, #tpu.memory_space<vmem>>)
    %get3A_124 = arith.constant 64 : index
    %get3A_125 = tpu.vector_load %arg6[%get3A_124] {strides = array<i32>} : memref<256xi32, #tpu.memory_space<vmem>>, vector<16xi32>,
    %get3A_126 = vector.shape_cast %get3A_125 : vector<16xi32> to vector<16xi32>
    %swap3A_127 = arith.constant 4 : i32
    %swap3A_128 = arith.index_cast %swap3A_127 : i32 to index
    %swap3A_129 = arith.constant 0 : index
    %swap3A_130 = tpu.vector_load %arg7[%swap3A_128, %swap3A_129] {strides = array<i32>} : memref<16x16xi32, #tpu.memory_space<vmem>>, vector<1x16xi32>,
    %swap3A_131 = vector.shape_cast %swap3A_130 : vector<1x16xi32> to vector<16xi32>
    %swap3A_132 = vector.shape_cast %get3A_126 : vector<16xi32> to vector<1x16xi32>
    tpu.vector_store %arg7[%swap3A_128, %swap3A_129], %swap3A_132 {strides = array<i32>} : memref<16x16xi32, #tpu.memory_space<vmem>>, vector<1x16xi32>,
    %lt3A_133 = arith.constant 32100 : i32
    %lt3A_134 = vector.broadcast %lt3A_133 : i32 to vector<16xi32>
    %lt3A_135 = arith.cmpi slt, %get3A_126, %lt3A_134 : vector<16xi32>
    %jit3A_136 = arith.constant 2 : i32
    %broadcast_in_dim3A_137 = vector.broadcast %jit3A_136 : i32 to vector<16xi32>
    %select_n3A_138 = arith.select %lt3A_135, %get3A_126, %broadcast_in_dim3A_137 : vector<16xi1>, vector<16xi32>
    %dma_start3A_139 = arith.constant 0 : i32
    %dma_start3A_140 = arith.constant 0 : i32
    %dma_start3A_141 = tpu.memref_slice %arg11[%dma_start3A_139, %dma_start3A_140] : memref<32x1024xf32, #tpu.memory_space<vmem>> -> memref<16x1024xf32, #tpu.memory_space<vmem>>
    %dma_start3A_142 = arith.constant 0 : i32
    %dma_start3A_143 = arith.constant 0 : i32
    %dma_start3A_144 = tpu.memref_slice %arg3[%dma_start3A_142, %dma_start3A_143] : memref<32100x1024xf32, #tpu.memory_space<hbm>> -> memref<32100x1024xf32, #tpu.memory_space<hbm>>
    tpu.enqueue_indirect_dma source(%dma_start3A_144 : memref<32100x1024xf32, #tpu.memory_space<hbm>>) target(%dma_start3A_141 : memref<16x1024xf32, #tpu.memory_space<vmem>>) offsets(%select_n3A_138 : vector<16xi32>) semaphore(%arg12 : memref<!tpu.dma_semaphore, #tpu.memory_space<semaphore_mem>>)
    %get3A_145 = arith.constant 80 : index
    %get3A_146 = tpu.vector_load %arg6[%get3A_145] {strides = array<i32>} : memref<256xi32, #tpu.memory_space<vmem>>, vector<16xi32>,
    %get3A_147 = vector.shape_cast %get3A_146 : vector<16xi32> to vector<16xi32>
    %swap3A_148 = arith.constant 5 : i32
    %swap3A_149 = arith.index_cast %swap3A_148 : i32 to index
    %swap3A_150 = arith.constant 0 : index
    %swap3A_151 = tpu.vector_load %arg7[%swap3A_149, %swap3A_150] {strides = array<i32>} : memref<16x16xi32, #tpu.memory_space<vmem>>, vector<1x16xi32>,
    %swap3A_152 = vector.shape_cast %swap3A_151 : vector<1x16xi32> to vector<16xi32>
    %swap3A_153 = vector.shape_cast %get3A_147 : vector<16xi32> to vector<1x16xi32>
    tpu.vector_store %arg7[%swap3A_149, %swap3A_150], %swap3A_153 {strides = array<i32>} : memref<16x16xi32, #tpu.memory_space<vmem>>, vector<1x16xi32>,
    %lt3A_154 = arith.constant 32100 : i32
    %lt3A_155 = vector.broadcast %lt3A_154 : i32 to vector<16xi32>
    %lt3A_156 = arith.cmpi slt, %get3A_147, %lt3A_155 : vector<16xi32>
    %jit3A_157 = arith.constant 2 : i32
    %broadcast_in_dim3A_158 = vector.broadcast %jit3A_157 : i32 to vector<16xi32>
    %select_n3A_159 = arith.select %lt3A_156, %get3A_147, %broadcast_in_dim3A_158 : vector<16xi1>, vector<16xi32>
    %dma_start3A_160 = arith.constant 16 : i32
    %dma_start3A_161 = arith.constant 0 : i32
    %dma_start3A_162 = tpu.memref_slice %arg11[%dma_start3A_160, %dma_start3A_161] : memref<32x1024xf32, #tpu.memory_space<vmem>> -> memref<16x1024xf32, #tpu.memory_space<vmem>>
    %dma_start3A_163 = arith.constant 0 : i32
    %dma_start3A_164 = arith.constant 0 : i32
    %dma_start3A_165 = tpu.memref_slice %arg3[%dma_start3A_163, %dma_start3A_164] : memref<32100x1024xf32, #tpu.memory_space<hbm>> -> memref<32100x1024xf32, #tpu.memory_space<hbm>>
    tpu.enqueue_indirect_dma source(%dma_start3A_165 : memref<32100x1024xf32, #tpu.memory_space<hbm>>) target(%dma_start3A_162 : memref<16x1024xf32, #tpu.memory_space<vmem>>) offsets(%select_n3A_159 : vector<16xi32>) semaphore(%arg12 : memref<!tpu.dma_semaphore, #tpu.memory_space<semaphore_mem>>)
    %add3A_166 = arith.constant 0 : i32
    %add3A_167 = arith.addi %mul3A_32, %add3A_166 : i32
    %dma_start3A_168 = arith.constant 0 : i32
    %dma_start3A_169 = tpu.memref_slice %arg5[%select_n3A, %add3A_167, %dma_start3A_168] : memref<4x2048x1024xf32, #tpu.memory_space<hbm>> -> memref<1x32x1024xf32, #tpu.memory_space<hbm>>
    %dma_start3A_170 = tpu.memref_squeeze %dma_start3A_169 : memref<1x32x1024xf32, #tpu.memory_space<hbm>> -> memref<32x1024xf32, #tpu.memory_space<hbm>>
    %dma_start3A_171 = arith.constant 0 : i32
    %dma_start3A_172 = tpu.memref_slice %arg5[%select_n3A, %add3A_167, %dma_start3A_171] : memref<4x2048x1024xf32, #tpu.memory_space<hbm>> -> memref<1x32x1024xf32, #tpu.memory_space<hbm>>
    %dma_start3A_173 = tpu.memref_squeeze %dma_start3A_172 : memref<1x32x1024xf32, #tpu.memory_space<hbm>> -> memref<32x1024xf32, #tpu.memory_space<hbm>>
    tpu.enqueue_dma source(%arg9 : memref<32x1024xf32, #tpu.memory_space<vmem>>) target(%dma_start3A_173 : memref<32x1024xf32, #tpu.memory_space<hbm>>) target_semaphore(%arg13 : memref<!tpu.dma_semaphore, #tpu.memory_space<semaphore_mem>>)
    %dma_wait3A_174 = arith.constant 0 : i32
    %dma_wait3A_175 = arith.constant 0 : i32
    %dma_wait3A_176 = tpu.memref_slice %arg10[%dma_wait3A_174, %dma_wait3A_175] : memref<32x1024xf32, #tpu.memory_space<vmem>> -> memref<16x1024xf32, #tpu.memory_space<vmem>>
    %dma_wait3A_177 = arith.constant 0 : i32
    %dma_wait3A_178 = arith.constant 0 : i32
    %dma_wait3A_179 = tpu.memref_slice %arg3[%dma_wait3A_177, %dma_wait3A_178] : memref<32100x1024xf32, #tpu.memory_space<hbm>> -> memref<32100x1024xf32, #tpu.memory_space<hbm>>
    tpu.wait_indirect_dma semaphore(%arg12 : memref<!tpu.dma_semaphore, #tpu.memory_space<semaphore_mem>>) src(%dma_wait3A_179 : memref<32100x1024xf32, #tpu.memory_space<hbm>>) dst(%dma_wait3A_176 : memref<16x1024xf32, #tpu.memory_space<vmem>>)
    %dma_wait3A_180 = arith.constant 16 : i32
    %dma_wait3A_181 = arith.constant 0 : i32
    %dma_wait3A_182 = tpu.memref_slice %arg10[%dma_wait3A_180, %dma_wait3A_181] : memref<32x1024xf32, #tpu.memory_space<vmem>> -> memref<16x1024xf32, #tpu.memory_space<vmem>>
    %dma_wait3A_183 = arith.constant 0 : i32
    %dma_wait3A_184 = arith.constant 0 : i32
    %dma_wait3A_185 = tpu.memref_slice %arg3[%dma_wait3A_183, %dma_wait3A_184] : memref<32100x1024xf32, #tpu.memory_space<hbm>> -> memref<32100x1024xf32, #tpu.memory_space<hbm>>
    tpu.wait_indirect_dma semaphore(%arg12 : memref<!tpu.dma_semaphore, #tpu.memory_space<semaphore_mem>>) src(%dma_wait3A_185 : memref<32100x1024xf32, #tpu.memory_space<hbm>>) dst(%dma_wait3A_182 : memref<16x1024xf32, #tpu.memory_space<vmem>>)
    %dma_wait3A_186 = arith.constant 0 : i32
    %dma_wait3A_187 = tpu.memref_slice %arg5[%select_n3A, %add3A_167, %dma_wait3A_186] : memref<4x2048x1024xf32, #tpu.memory_space<hbm>> -> memref<1x32x1024xf32, #tpu.memory_space<hbm>>
    %dma_wait3A_188 = tpu.memref_squeeze %dma_wait3A_187 : memref<1x32x1024xf32, #tpu.memory_space<hbm>> -> memref<32x1024xf32, #tpu.memory_space<hbm>>
    %dma_wait3A_189 = arith.constant 0 : i32
    %dma_wait3A_190 = tpu.memref_slice %arg5[%select_n3A, %add3A_167, %dma_wait3A_189] : memref<4x2048x1024xf32, #tpu.memory_space<hbm>> -> memref<1x32x1024xf32, #tpu.memory_space<hbm>>
    %dma_wait3A_191 = tpu.memref_squeeze %dma_wait3A_190 : memref<1x32x1024xf32, #tpu.memory_space<hbm>> -> memref<32x1024xf32, #tpu.memory_space<hbm>>
    tpu.wait_dma2 semaphore(%arg13 : memref<!tpu.dma_semaphore, #tpu.memory_space<semaphore_mem>>) src(%arg9 : memref<32x1024xf32, #tpu.memory_space<vmem>>) dst(%dma_wait3A_191 : memref<32x1024xf32, #tpu.memory_space<hbm>>)
    %get3A_192 = arith.constant 96 : index
    %get3A_193 = tpu.vector_load %arg6[%get3A_192] {strides = array<i32>} : memref<256xi32, #tpu.memory_space<vmem>>, vector<16xi32>,
    %get3A_194 = vector.shape_cast %get3A_193 : vector<16xi32> to vector<16xi32>
    %swap3A_195 = arith.constant 6 : i32
    %swap3A_196 = arith.index_cast %swap3A_195 : i32 to index
    %swap3A_197 = arith.constant 0 : index
    %swap3A_198 = tpu.vector_load %arg7[%swap3A_196, %swap3A_197] {strides = array<i32>} : memref<16x16xi32, #tpu.memory_space<vmem>>, vector<1x16xi32>,
    %swap3A_199 = vector.shape_cast %swap3A_198 : vector<1x16xi32> to vector<16xi32>
    %swap3A_200 = vector.shape_cast %get3A_194 : vector<16xi32> to vector<1x16xi32>
    tpu.vector_store %arg7[%swap3A_196, %swap3A_197], %swap3A_200 {strides = array<i32>} : memref<16x16xi32, #tpu.memory_space<vmem>>, vector<1x16xi32>,
    %lt3A_201 = arith.constant 32100 : i32
    %lt3A_202 = vector.broadcast %lt3A_201 : i32 to vector<16xi32>
    %lt3A_203 = arith.cmpi slt, %get3A_194, %lt3A_202 : vector<16xi32>
    %jit3A_204 = arith.constant 2 : i32
    %broadcast_in_dim3A_205 = vector.broadcast %jit3A_204 : i32 to vector<16xi32>
    %select_n3A_206 = arith.select %lt3A_203, %get3A_194, %broadcast_in_dim3A_205 : vector<16xi1>, vector<16xi32>
    %dma_start3A_207 = arith.constant 0 : i32
    %dma_start3A_208 = arith.constant 0 : i32
    %dma_start3A_209 = tpu.memref_slice %arg9[%dma_start3A_207, %dma_start3A_208] : memref<32x1024xf32, #tpu.memory_space<vmem>> -> memref<16x1024xf32, #tpu.memory_space<vmem>>
    %dma_start3A_210 = arith.constant 0 : i32
    %dma_start3A_211 = arith.constant 0 : i32
    %dma_start3A_212 = tpu.memref_slice %arg3[%dma_start3A_210, %dma_start3A_211] : memref<32100x1024xf32, #tpu.memory_space<hbm>> -> memref<32100x1024xf32, #tpu.memory_space<hbm>>
    tpu.enqueue_indirect_dma source(%dma_start3A_212 : memref<32100x1024xf32, #tpu.memory_space<hbm>>) target(%dma_start3A_209 : memref<16x1024xf32, #tpu.memory_space<vmem>>) offsets(%select_n3A_206 : vector<16xi32>) semaphore(%arg12 : memref<!tpu.dma_semaphore, #tpu.memory_space<semaphore_mem>>)
    %get3A_213 = arith.constant 112 : index
    %get3A_214 = tpu.vector_load %arg6[%get3A_213] {strides = array<i32>} : memref<256xi32, #tpu.memory_space<vmem>>, vector<16xi32>,
    %get3A_215 = vector.shape_cast %get3A_214 : vector<16xi32> to vector<16xi32>
    %swap3A_216 = arith.constant 7 : i32
    %swap3A_217 = arith.index_cast %swap3A_216 : i32 to index
    %swap3A_218 = arith.constant 0 : index
    %swap3A_219 = tpu.vector_load %arg7[%swap3A_217, %swap3A_218] {strides = array<i32>} : memref<16x16xi32, #tpu.memory_space<vmem>>, vector<1x16xi32>,
    %swap3A_220 = vector.shape_cast %swap3A_219 : vector<1x16xi32> to vector<16xi32>
    %swap3A_221 = vector.shape_cast %get3A_215 : vector<16xi32> to vector<1x16xi32>
    tpu.vector_store %arg7[%swap3A_217, %swap3A_218], %swap3A_221 {strides = array<i32>} : memref<16x16xi32, #tpu.memory_space<vmem>>, vector<1x16xi32>,
    %lt3A_222 = arith.constant 32100 : i32
    %lt3A_223 = vector.broadcast %lt3A_222 : i32 to vector<16xi32>
    %lt3A_224 = arith.cmpi slt, %get3A_215, %lt3A_223 : vector<16xi32>
    %jit3A_225 = arith.constant 2 : i32
    %broadcast_in_dim3A_226 = vector.broadcast %jit3A_225 : i32 to vector<16xi32>
    %select_n3A_227 = arith.select %lt3A_224, %get3A_215, %broadcast_in_dim3A_226 : vector<16xi1>, vector<16xi32>
    %dma_start3A_228 = arith.constant 16 : i32
    %dma_start3A_229 = arith.constant 0 : i32
    %dma_start3A_230 = tpu.memref_slice %arg9[%dma_start3A_228, %dma_start3A_229] : memref<32x1024xf32, #tpu.memory_space<vmem>> -> memref<16x1024xf32, #tpu.memory_space<vmem>>
    %dma_start3A_231 = arith.constant 0 : i32
    %dma_start3A_232 = arith.constant 0 : i32
    %dma_start3A_233 = tpu.memref_slice %arg3[%dma_start3A_231, %dma_start3A_232] : memref<32100x1024xf32, #tpu.memory_space<hbm>> -> memref<32100x1024xf32, #tpu.memory_space<hbm>>
    tpu.enqueue_indirect_dma source(%dma_start3A_233 : memref<32100x1024xf32, #tpu.memory_space<hbm>>) target(%dma_start3A_230 : memref<16x1024xf32, #tpu.memory_space<vmem>>) offsets(%select_n3A_227 : vector<16xi32>) semaphore(%arg12 : memref<!tpu.dma_semaphore, #tpu.memory_space<semaphore_mem>>)
    %add3A_234 = arith.constant 32 : i32
    %add3A_235 = arith.addi %mul3A_32, %add3A_234 : i32
    %dma_start3A_236 = arith.constant 0 : i32
    %dma_start3A_237 = tpu.memref_slice %arg5[%select_n3A, %add3A_235, %dma_start3A_236] : memref<4x2048x1024xf32, #tpu.memory_space<hbm>> -> memref<1x32x1024xf32, #tpu.memory_space<hbm>>
    %dma_start3A_238 = tpu.memref_squeeze %dma_start3A_237 : memref<1x32x1024xf32, #tpu.memory_space<hbm>> -> memref<32x1024xf32, #tpu.memory_space<hbm>>
    %dma_start3A_239 = arith.constant 0 : i32
    %dma_start3A_240 = tpu.memref_slice %arg5[%select_n3A, %add3A_235, %dma_start3A_239] : memref<4x2048x1024xf32, #tpu.memory_space<hbm>> -> memref<1x32x1024xf32, #tpu.memory_space<hbm>>
    %dma_start3A_241 = tpu.memref_squeeze %dma_start3A_240 : memref<1x32x1024xf32, #tpu.memory_space<hbm>> -> memref<32x1024xf32, #tpu.memory_space<hbm>>
    tpu.enqueue_dma source(%arg10 : memref<32x1024xf32, #tpu.memory_space<vmem>>) target(%dma_start3A_241 : memref<32x1024xf32, #tpu.memory_space<hbm>>) target_semaphore(%arg13 : memref<!tpu.dma_semaphore, #tpu.memory_space<semaphore_mem>>)
    %dma_wait3A_242 = arith.constant 0 : i32
    %dma_wait3A_243 = arith.constant 0 : i32
    %dma_wait3A_244 = tpu.memref_slice %arg11[%dma_wait3A_242, %dma_wait3A_243] : memref<32x1024xf32, #tpu.memory_space<vmem>> -> memref<16x1024xf32, #tpu.memory_space<vmem>>
    %dma_wait3A_245 = arith.constant 0 : i32
    %dma_wait3A_246 = arith.constant 0 : i32
    %dma_wait3A_247 = tpu.memref_slice %arg3[%dma_wait3A_245, %dma_wait3A_246] : memref<32100x1024xf32, #tpu.memory_space<hbm>> -> memref<32100x1024xf32, #tpu.memory_space<hbm>>
    tpu.wait_indirect_dma semaphore(%arg12 : memref<!tpu.dma_semaphore, #tpu.memory_space<semaphore_mem>>) src(%dma_wait3A_247 : memref<32100x1024xf32, #tpu.memory_space<hbm>>) dst(%dma_wait3A_244 : memref<16x1024xf32, #tpu.memory_space<vmem>>)
    %dma_wait3A_248 = arith.constant 16 : i32
    %dma_wait3A_249 = arith.constant 0 : i32
    %dma_wait3A_250 = tpu.memref_slice %arg11[%dma_wait3A_248, %dma_wait3A_249] : memref<32x1024xf32, #tpu.memory_space<vmem>> -> memref<16x1024xf32, #tpu.memory_space<vmem>>
    %dma_wait3A_251 = arith.constant 0 : i32
    %dma_wait3A_252 = arith.constant 0 : i32
    %dma_wait3A_253 = tpu.memref_slice %arg3[%dma_wait3A_251, %dma_wait3A_252] : memref<32100x1024xf32, #tpu.memory_space<hbm>> -> memref<32100x1024xf32, #tpu.memory_space<hbm>>
    tpu.wait_indirect_dma semaphore(%arg12 : memref<!tpu.dma_semaphore, #tpu.memory_space<semaphore_mem>>) src(%dma_wait3A_253 : memref<32100x1024xf32, #tpu.memory_space<hbm>>) dst(%dma_wait3A_250 : memref<16x1024xf32, #tpu.memory_space<vmem>>)
    %dma_wait3A_254 = arith.constant 0 : i32
    %dma_wait3A_255 = tpu.memref_slice %arg5[%select_n3A, %add3A_235, %dma_wait3A_254] : memref<4x2048x1024xf32, #tpu.memory_space<hbm>> -> memref<1x32x1024xf32, #tpu.memory_space<hbm>>
    %dma_wait3A_256 = tpu.memref_squeeze %dma_wait3A_255 : memref<1x32x1024xf32, #tpu.memory_space<hbm>> -> memref<32x1024xf32, #tpu.memory_space<hbm>>
    %dma_wait3A_257 = arith.constant 0 : i32
    %dma_wait3A_258 = tpu.memref_slice %arg5[%select_n3A, %add3A_235, %dma_wait3A_257] : memref<4x2048x1024xf32, #tpu.memory_space<hbm>> -> memref<1x32x1024xf32, #tpu.memory_space<hbm>>
    %dma_wait3A_259 = tpu.memref_squeeze %dma_wait3A_258 : memref<1x32x1024xf32, #tpu.memory_space<hbm>> -> memref<32x1024xf32, #tpu.memory_space<hbm>>
    tpu.wait_dma2 semaphore(%arg13 : memref<!tpu.dma_semaphore, #tpu.memory_space<semaphore_mem>>) src(%arg10 : memref<32x1024xf32, #tpu.memory_space<vmem>>) dst(%dma_wait3A_259 : memref<32x1024xf32, #tpu.memory_space<hbm>>)
    %get3A_260 = arith.constant 128 : index
    %get3A_261 = tpu.vector_load %arg6[%get3A_260] {strides = array<i32>} : memref<256xi32, #tpu.memory_space<vmem>>, vector<16xi32>,
    %get3A_262 = vector.shape_cast %get3A_261 : vector<16xi32> to vector<16xi32>
    %swap3A_263 = arith.constant 8 : i32
    %swap3A_264 = arith.index_cast %swap3A_263 : i32 to index
    %swap3A_265 = arith.constant 0 : index
    %swap3A_266 = tpu.vector_load %arg7[%swap3A_264, %swap3A_265] {strides = array<i32>} : memref<16x16xi32, #tpu.memory_space<vmem>>, vector<1x16xi32>,
    %swap3A_267 = vector.shape_cast %swap3A_266 : vector<1x16xi32> to vector<16xi32>
    %swap3A_268 = vector.shape_cast %get3A_262 : vector<16xi32> to vector<1x16xi32>
    tpu.vector_store %arg7[%swap3A_264, %swap3A_265], %swap3A_268 {strides = array<i32>} : memref<16x16xi32, #tpu.memory_space<vmem>>, vector<1x16xi32>,
    %lt3A_269 = arith.constant 32100 : i32
    %lt3A_270 = vector.broadcast %lt3A_269 : i32 to vector<16xi32>
    %lt3A_271 = arith.cmpi slt, %get3A_262, %lt3A_270 : vector<16xi32>
    %jit3A_272 = arith.constant 2 : i32
    %broadcast_in_dim3A_273 = vector.broadcast %jit3A_272 : i32 to vector<16xi32>
    %select_n3A_274 = arith.select %lt3A_271, %get3A_262, %broadcast_in_dim3A_273 : vector<16xi1>, vector<16xi32>
    %dma_start3A_275 = arith.constant 0 : i32
    %dma_start3A_276 = arith.constant 0 : i32
    %dma_start3A_277 = tpu.memref_slice %arg10[%dma_start3A_275, %dma_start3A_276] : memref<32x1024xf32, #tpu.memory_space<vmem>> -> memref<16x1024xf32, #tpu.memory_space<vmem>>
    %dma_start3A_278 = arith.constant 0 : i32
    %dma_start3A_279 = arith.constant 0 : i32
    %dma_start3A_280 = tpu.memref_slice %arg3[%dma_start3A_278, %dma_start3A_279] : memref<32100x1024xf32, #tpu.memory_space<hbm>> -> memref<32100x1024xf32, #tpu.memory_space<hbm>>
    tpu.enqueue_indirect_dma source(%dma_start3A_280 : memref<32100x1024xf32, #tpu.memory_space<hbm>>) target(%dma_start3A_277 : memref<16x1024xf32, #tpu.memory_space<vmem>>) offsets(%select_n3A_274 : vector<16xi32>) semaphore(%arg12 : memref<!tpu.dma_semaphore, #tpu.memory_space<semaphore_mem>>)
    %get3A_281 = arith.constant 144 : index
    %get3A_282 = tpu.vector_load %arg6[%get3A_281] {strides = array<i32>} : memref<256xi32, #tpu.memory_space<vmem>>, vector<16xi32>,
    %get3A_283 = vector.shape_cast %get3A_282 : vector<16xi32> to vector<16xi32>
    %swap3A_284 = arith.constant 9 : i32
    %swap3A_285 = arith.index_cast %swap3A_284 : i32 to index
    %swap3A_286 = arith.constant 0 : index
    %swap3A_287 = tpu.vector_load %arg7[%swap3A_285, %swap3A_286] {strides = array<i32>} : memref<16x16xi32, #tpu.memory_space<vmem>>, vector<1x16xi32>,
    %swap3A_288 = vector.shape_cast %swap3A_287 : vector<1x16xi32> to vector<16xi32>
    %swap3A_289 = vector.shape_cast %get3A_283 : vector<16xi32> to vector<1x16xi32>
    tpu.vector_store %arg7[%swap3A_285, %swap3A_286], %swap3A_289 {strides = array<i32>} : memref<16x16xi32, #tpu.memory_space<vmem>>, vector<1x16xi32>,
    %lt3A_290 = arith.constant 32100 : i32
    %lt3A_291 = vector.broadcast %lt3A_290 : i32 to vector<16xi32>
    %lt3A_292 = arith.cmpi slt, %get3A_283, %lt3A_291 : vector<16xi32>
    %jit3A_293 = arith.constant 2 : i32
    %broadcast_in_dim3A_294 = vector.broadcast %jit3A_293 : i32 to vector<16xi32>
    %select_n3A_295 = arith.select %lt3A_292, %get3A_283, %broadcast_in_dim3A_294 : vector<16xi1>, vector<16xi32>
    %dma_start3A_296 = arith.constant 16 : i32
    %dma_start3A_297 = arith.constant 0 : i32
    %dma_start3A_298 = tpu.memref_slice %arg10[%dma_start3A_296, %dma_start3A_297] : memref<32x1024xf32, #tpu.memory_space<vmem>> -> memref<16x1024xf32, #tpu.memory_space<vmem>>
    %dma_start3A_299 = arith.constant 0 : i32
    %dma_start3A_300 = arith.constant 0 : i32
    %dma_start3A_301 = tpu.memref_slice %arg3[%dma_start3A_299, %dma_start3A_300] : memref<32100x1024xf32, #tpu.memory_space<hbm>> -> memref<32100x1024xf32, #tpu.memory_space<hbm>>
    tpu.enqueue_indirect_dma source(%dma_start3A_301 : memref<32100x1024xf32, #tpu.memory_space<hbm>>) target(%dma_start3A_298 : memref<16x1024xf32, #tpu.memory_space<vmem>>) offsets(%select_n3A_295 : vector<16xi32>) semaphore(%arg12 : memref<!tpu.dma_semaphore, #tpu.memory_space<semaphore_mem>>)
    %add3A_302 = arith.constant 64 : i32
    %add3A_303 = arith.addi %mul3A_32, %add3A_302 : i32
    %dma_start3A_304 = arith.constant 0 : i32
    %dma_start3A_305 = tpu.memref_slice %arg5[%select_n3A, %add3A_303, %dma_start3A_304] : memref<4x2048x1024xf32, #tpu.memory_space<hbm>> -> memref<1x32x1024xf32, #tpu.memory_space<hbm>>
    %dma_start3A_306 = tpu.memref_squeeze %dma_start3A_305 : memref<1x32x1024xf32, #tpu.memory_space<hbm>> -> memref<32x1024xf32, #tpu.memory_space<hbm>>
    %dma_start3A_307 = arith.constant 0 : i32
    %dma_start3A_308 = tpu.memref_slice %arg5[%select_n3A, %add3A_303, %dma_start3A_307] : memref<4x2048x1024xf32, #tpu.memory_space<hbm>> -> memref<1x32x1024xf32, #tpu.memory_space<hbm>>
    %dma_start3A_309 = tpu.memref_squeeze %dma_start3A_308 : memref<1x32x1024xf32, #tpu.memory_space<hbm>> -> memref<32x1024xf32, #tpu.memory_space<hbm>>
    tpu.enqueue_dma source(%arg11 : memref<32x1024xf32, #tpu.memory_space<vmem>>) target(%dma_start3A_309 : memref<32x1024xf32, #tpu.memory_space<hbm>>) target_semaphore(%arg13 : memref<!tpu.dma_semaphore, #tpu.memory_space<semaphore_mem>>)
    %dma_wait3A_310 = arith.constant 0 : i32
    %dma_wait3A_311 = arith.constant 0 : i32
    %dma_wait3A_312 = tpu.memref_slice %arg9[%dma_wait3A_310, %dma_wait3A_311] : memref<32x1024xf32, #tpu.memory_space<vmem>> -> memref<16x1024xf32, #tpu.memory_space<vmem>>
    %dma_wait3A_313 = arith.constant 0 : i32
    %dma_wait3A_314 = arith.constant 0 : i32
    %dma_wait3A_315 = tpu.memref_slice %arg3[%dma_wait3A_313, %dma_wait3A_314] : memref<32100x1024xf32, #tpu.memory_space<hbm>> -> memref<32100x1024xf32, #tpu.memory_space<hbm>>
    tpu.wait_indirect_dma semaphore(%arg12 : memref<!tpu.dma_semaphore, #tpu.memory_space<semaphore_mem>>) src(%dma_wait3A_315 : memref<32100x1024xf32, #tpu.memory_space<hbm>>) dst(%dma_wait3A_312 : memref<16x1024xf32, #tpu.memory_space<vmem>>)
    %dma_wait3A_316 = arith.constant 16 : i32
    %dma_wait3A_317 = arith.constant 0 : i32
    %dma_wait3A_318 = tpu.memref_slice %arg9[%dma_wait3A_316, %dma_wait3A_317] : memref<32x1024xf32, #tpu.memory_space<vmem>> -> memref<16x1024xf32, #tpu.memory_space<vmem>>
    %dma_wait3A_319 = arith.constant 0 : i32
    %dma_wait3A_320 = arith.constant 0 : i32
    %dma_wait3A_321 = tpu.memref_slice %arg3[%dma_wait3A_319, %dma_wait3A_320] : memref<32100x1024xf32, #tpu.memory_space<hbm>> -> memref<32100x1024xf32, #tpu.memory_space<hbm>>
    tpu.wait_indirect_dma semaphore(%arg12 : memref<!tpu.dma_semaphore, #tpu.memory_space<semaphore_mem>>) src(%dma_wait3A_321 : memref<32100x1024xf32, #tpu.memory_space<hbm>>) dst(%dma_wait3A_318 : memref<16x1024xf32, #tpu.memory_space<vmem>>)
    %dma_wait3A_322 = arith.constant 0 : i32
    %dma_wait3A_323 = tpu.memref_slice %arg5[%select_n3A, %add3A_303, %dma_wait3A_322] : memref<4x2048x1024xf32, #tpu.memory_space<hbm>> -> memref<1x32x1024xf32, #tpu.memory_space<hbm>>
    %dma_wait3A_324 = tpu.memref_squeeze %dma_wait3A_323 : memref<1x32x1024xf32, #tpu.memory_space<hbm>> -> memref<32x1024xf32, #tpu.memory_space<hbm>>
    %dma_wait3A_325 = arith.constant 0 : i32
    %dma_wait3A_326 = tpu.memref_slice %arg5[%select_n3A, %add3A_303, %dma_wait3A_325] : memref<4x2048x1024xf32, #tpu.memory_space<hbm>> -> memref<1x32x1024xf32, #tpu.memory_space<hbm>>
    %dma_wait3A_327 = tpu.memref_squeeze %dma_wait3A_326 : memref<1x32x1024xf32, #tpu.memory_space<hbm>> -> memref<32x1024xf32, #tpu.memory_space<hbm>>
    tpu.wait_dma2 semaphore(%arg13 : memref<!tpu.dma_semaphore, #tpu.memory_space<semaphore_mem>>) src(%arg11 : memref<32x1024xf32, #tpu.memory_space<vmem>>) dst(%dma_wait3A_327 : memref<32x1024xf32, #tpu.memory_space<hbm>>)
    %get3A_328 = arith.constant 160 : index
    %get3A_329 = tpu.vector_load %arg6[%get3A_328] {strides = array<i32>} : memref<256xi32, #tpu.memory_space<vmem>>, vector<16xi32>,
    %get3A_330 = vector.shape_cast %get3A_329 : vector<16xi32> to vector<16xi32>
    %swap3A_331 = arith.constant 10 : i32
    %swap3A_332 = arith.index_cast %swap3A_331 : i32 to index
    %swap3A_333 = arith.constant 0 : index
    %swap3A_334 = tpu.vector_load %arg7[%swap3A_332, %swap3A_333] {strides = array<i32>} : memref<16x16xi32, #tpu.memory_space<vmem>>, vector<1x16xi32>,
    %swap3A_335 = vector.shape_cast %swap3A_334 : vector<1x16xi32> to vector<16xi32>
    %swap3A_336 = vector.shape_cast %get3A_330 : vector<16xi32> to vector<1x16xi32>
    tpu.vector_store %arg7[%swap3A_332, %swap3A_333], %swap3A_336 {strides = array<i32>} : memref<16x16xi32, #tpu.memory_space<vmem>>, vector<1x16xi32>,
    %lt3A_337 = arith.constant 32100 : i32
    %lt3A_338 = vector.broadcast %lt3A_337 : i32 to vector<16xi32>
    %lt3A_339 = arith.cmpi slt, %get3A_330, %lt3A_338 : vector<16xi32>
    %jit3A_340 = arith.constant 2 : i32
    %broadcast_in_dim3A_341 = vector.broadcast %jit3A_340 : i32 to vector<16xi32>
    %select_n3A_342 = arith.select %lt3A_339, %get3A_330, %broadcast_in_dim3A_341 : vector<16xi1>, vector<16xi32>
    %dma_start3A_343 = arith.constant 0 : i32
    %dma_start3A_344 = arith.constant 0 : i32
    %dma_start3A_345 = tpu.memref_slice %arg11[%dma_start3A_343, %dma_start3A_344] : memref<32x1024xf32, #tpu.memory_space<vmem>> -> memref<16x1024xf32, #tpu.memory_space<vmem>>
    %dma_start3A_346 = arith.constant 0 : i32
    %dma_start3A_347 = arith.constant 0 : i32
    %dma_start3A_348 = tpu.memref_slice %arg3[%dma_start3A_346, %dma_start3A_347] : memref<32100x1024xf32, #tpu.memory_space<hbm>> -> memref<32100x1024xf32, #tpu.memory_space<hbm>>
    tpu.enqueue_indirect_dma source(%dma_start3A_348 : memref<32100x1024xf32, #tpu.memory_space<hbm>>) target(%dma_start3A_345 : memref<16x1024xf32, #tpu.memory_space<vmem>>) offsets(%select_n3A_342 : vector<16xi32>) semaphore(%arg12 : memref<!tpu.dma_semaphore, #tpu.memory_space<semaphore_mem>>)
    %get3A_349 = arith.constant 176 : index
    %get3A_350 = tpu.vector_load %arg6[%get3A_349] {strides = array<i32>} : memref<256xi32, #tpu.memory_space<vmem>>, vector<16xi32>,
    %get3A_351 = vector.shape_cast %get3A_350 : vector<16xi32> to vector<16xi32>
    %swap3A_352 = arith.constant 11 : i32
    %swap3A_353 = arith.index_cast %swap3A_352 : i32 to index
    %swap3A_354 = arith.constant 0 : index
    %swap3A_355 = tpu.vector_load %arg7[%swap3A_353, %swap3A_354] {strides = array<i32>} : memref<16x16xi32, #tpu.memory_space<vmem>>, vector<1x16xi32>,
    %swap3A_356 = vector.shape_cast %swap3A_355 : vector<1x16xi32> to vector<16xi32>
    %swap3A_357 = vector.shape_cast %get3A_351 : vector<16xi32> to vector<1x16xi32>
    tpu.vector_store %arg7[%swap3A_353, %swap3A_354], %swap3A_357 {strides = array<i32>} : memref<16x16xi32, #tpu.memory_space<vmem>>, vector<1x16xi32>,
    %lt3A_358 = arith.constant 32100 : i32
    %lt3A_359 = vector.broadcast %lt3A_358 : i32 to vector<16xi32>
    %lt3A_360 = arith.cmpi slt, %get3A_351, %lt3A_359 : vector<16xi32>
    %jit3A_361 = arith.constant 2 : i32
    %broadcast_in_dim3A_362 = vector.broadcast %jit3A_361 : i32 to vector<16xi32>
    %select_n3A_363 = arith.select %lt3A_360, %get3A_351, %broadcast_in_dim3A_362 : vector<16xi1>, vector<16xi32>
    %dma_start3A_364 = arith.constant 16 : i32
    %dma_start3A_365 = arith.constant 0 : i32
    %dma_start3A_366 = tpu.memref_slice %arg11[%dma_start3A_364, %dma_start3A_365] : memref<32x1024xf32, #tpu.memory_space<vmem>> -> memref<16x1024xf32, #tpu.memory_space<vmem>>
    %dma_start3A_367 = arith.constant 0 : i32
    %dma_start3A_368 = arith.constant 0 : i32
    %dma_start3A_369 = tpu.memref_slice %arg3[%dma_start3A_367, %dma_start3A_368] : memref<32100x1024xf32, #tpu.memory_space<hbm>> -> memref<32100x1024xf32, #tpu.memory_space<hbm>>
    tpu.enqueue_indirect_dma source(%dma_start3A_369 : memref<32100x1024xf32, #tpu.memory_space<hbm>>) target(%dma_start3A_366 : memref<16x1024xf32, #tpu.memory_space<vmem>>) offsets(%select_n3A_363 : vector<16xi32>) semaphore(%arg12 : memref<!tpu.dma_semaphore, #tpu.memory_space<semaphore_mem>>)
    %add3A_370 = arith.constant 96 : i32
    %add3A_371 = arith.addi %mul3A_32, %add3A_370 : i32
    %dma_start3A_372 = arith.constant 0 : i32
    %dma_start3A_373 = tpu.memref_slice %arg5[%select_n3A, %add3A_371, %dma_start3A_372] : memref<4x2048x1024xf32, #tpu.memory_space<hbm>> -> memref<1x32x1024xf32, #tpu.memory_space<hbm>>
    %dma_start3A_374 = tpu.memref_squeeze %dma_start3A_373 : memref<1x32x1024xf32, #tpu.memory_space<hbm>> -> memref<32x1024xf32, #tpu.memory_space<hbm>>
    %dma_start3A_375 = arith.constant 0 : i32
    %dma_start3A_376 = tpu.memref_slice %arg5[%select_n3A, %add3A_371, %dma_start3A_375] : memref<4x2048x1024xf32, #tpu.memory_space<hbm>> -> memref<1x32x1024xf32, #tpu.memory_space<hbm>>
    %dma_start3A_377 = tpu.memref_squeeze %dma_start3A_376 : memref<1x32x1024xf32, #tpu.memory_space<hbm>> -> memref<32x1024xf32, #tpu.memory_space<hbm>>
    tpu.enqueue_dma source(%arg9 : memref<32x1024xf32, #tpu.memory_space<vmem>>) target(%dma_start3A_377 : memref<32x1024xf32, #tpu.memory_space<hbm>>) target_semaphore(%arg13 : memref<!tpu.dma_semaphore, #tpu.memory_space<semaphore_mem>>)
    %dma_wait3A_378 = arith.constant 0 : i32
    %dma_wait3A_379 = arith.constant 0 : i32
    %dma_wait3A_380 = tpu.memref_slice %arg10[%dma_wait3A_378, %dma_wait3A_379] : memref<32x1024xf32, #tpu.memory_space<vmem>> -> memref<16x1024xf32, #tpu.memory_space<vmem>>
    %dma_wait3A_381 = arith.constant 0 : i32
    %dma_wait3A_382 = arith.constant 0 : i32
    %dma_wait3A_383 = tpu.memref_slice %arg3[%dma_wait3A_381, %dma_wait3A_382] : memref<32100x1024xf32, #tpu.memory_space<hbm>> -> memref<32100x1024xf32, #tpu.memory_space<hbm>>
    tpu.wait_indirect_dma semaphore(%arg12 : memref<!tpu.dma_semaphore, #tpu.memory_space<semaphore_mem>>) src(%dma_wait3A_383 : memref<32100x1024xf32, #tpu.memory_space<hbm>>) dst(%dma_wait3A_380 : memref<16x1024xf32, #tpu.memory_space<vmem>>)
    %dma_wait3A_384 = arith.constant 16 : i32
    %dma_wait3A_385 = arith.constant 0 : i32
    %dma_wait3A_386 = tpu.memref_slice %arg10[%dma_wait3A_384, %dma_wait3A_385] : memref<32x1024xf32, #tpu.memory_space<vmem>> -> memref<16x1024xf32, #tpu.memory_space<vmem>>
    %dma_wait3A_387 = arith.constant 0 : i32
    %dma_wait3A_388 = arith.constant 0 : i32
    %dma_wait3A_389 = tpu.memref_slice %arg3[%dma_wait3A_387, %dma_wait3A_388] : memref<32100x1024xf32, #tpu.memory_space<hbm>> -> memref<32100x1024xf32, #tpu.memory_space<hbm>>
    tpu.wait_indirect_dma semaphore(%arg12 : memref<!tpu.dma_semaphore, #tpu.memory_space<semaphore_mem>>) src(%dma_wait3A_389 : memref<32100x1024xf32, #tpu.memory_space<hbm>>) dst(%dma_wait3A_386 : memref<16x1024xf32, #tpu.memory_space<vmem>>)
    %dma_wait3A_390 = arith.constant 0 : i32
    %dma_wait3A_391 = tpu.memref_slice %arg5[%select_n3A, %add3A_371, %dma_wait3A_390] : memref<4x2048x1024xf32, #tpu.memory_space<hbm>> -> memref<1x32x1024xf32, #tpu.memory_space<hbm>>
    %dma_wait3A_392 = tpu.memref_squeeze %dma_wait3A_391 : memref<1x32x1024xf32, #tpu.memory_space<hbm>> -> memref<32x1024xf32, #tpu.memory_space<hbm>>
    %dma_wait3A_393 = arith.constant 0 : i32
    %dma_wait3A_394 = tpu.memref_slice %arg5[%select_n3A, %add3A_371, %dma_wait3A_393] : memref<4x2048x1024xf32, #tpu.memory_space<hbm>> -> memref<1x32x1024xf32, #tpu.memory_space<hbm>>
    %dma_wait3A_395 = tpu.memref_squeeze %dma_wait3A_394 : memref<1x32x1024xf32, #tpu.memory_space<hbm>> -> memref<32x1024xf32, #tpu.memory_space<hbm>>
    tpu.wait_dma2 semaphore(%arg13 : memref<!tpu.dma_semaphore, #tpu.memory_space<semaphore_mem>>) src(%arg9 : memref<32x1024xf32, #tpu.memory_space<vmem>>) dst(%dma_wait3A_395 : memref<32x1024xf32, #tpu.memory_space<hbm>>)
    %get3A_396 = arith.constant 192 : index
    %get3A_397 = tpu.vector_load %arg6[%get3A_396] {strides = array<i32>} : memref<256xi32, #tpu.memory_space<vmem>>, vector<16xi32>,
    %get3A_398 = vector.shape_cast %get3A_397 : vector<16xi32> to vector<16xi32>
    %swap3A_399 = arith.constant 12 : i32
    %swap3A_400 = arith.index_cast %swap3A_399 : i32 to index
    %swap3A_401 = arith.constant 0 : index
    %swap3A_402 = tpu.vector_load %arg7[%swap3A_400, %swap3A_401] {strides = array<i32>} : memref<16x16xi32, #tpu.memory_space<vmem>>, vector<1x16xi32>,
    %swap3A_403 = vector.shape_cast %swap3A_402 : vector<1x16xi32> to vector<16xi32>
    %swap3A_404 = vector.shape_cast %get3A_398 : vector<16xi32> to vector<1x16xi32>
    tpu.vector_store %arg7[%swap3A_400, %swap3A_401], %swap3A_404 {strides = array<i32>} : memref<16x16xi32, #tpu.memory_space<vmem>>, vector<1x16xi32>,
    %lt3A_405 = arith.constant 32100 : i32
    %lt3A_406 = vector.broadcast %lt3A_405 : i32 to vector<16xi32>
    %lt3A_407 = arith.cmpi slt, %get3A_398, %lt3A_406 : vector<16xi32>
    %jit3A_408 = arith.constant 2 : i32
    %broadcast_in_dim3A_409 = vector.broadcast %jit3A_408 : i32 to vector<16xi32>
    %select_n3A_410 = arith.select %lt3A_407, %get3A_398, %broadcast_in_dim3A_409 : vector<16xi1>, vector<16xi32>
    %dma_start3A_411 = arith.constant 0 : i32
    %dma_start3A_412 = arith.constant 0 : i32
    %dma_start3A_413 = tpu.memref_slice %arg9[%dma_start3A_411, %dma_start3A_412] : memref<32x1024xf32, #tpu.memory_space<vmem>> -> memref<16x1024xf32, #tpu.memory_space<vmem>>
    %dma_start3A_414 = arith.constant 0 : i32
    %dma_start3A_415 = arith.constant 0 : i32
    %dma_start3A_416 = tpu.memref_slice %arg3[%dma_start3A_414, %dma_start3A_415] : memref<32100x1024xf32, #tpu.memory_space<hbm>> -> memref<32100x1024xf32, #tpu.memory_space<hbm>>
    tpu.enqueue_indirect_dma source(%dma_start3A_416 : memref<32100x1024xf32, #tpu.memory_space<hbm>>) target(%dma_start3A_413 : memref<16x1024xf32, #tpu.memory_space<vmem>>) offsets(%select_n3A_410 : vector<16xi32>) semaphore(%arg12 : memref<!tpu.dma_semaphore, #tpu.memory_space<semaphore_mem>>)
    %get3A_417 = arith.constant 208 : index
    %get3A_418 = tpu.vector_load %arg6[%get3A_417] {strides = array<i32>} : memref<256xi32, #tpu.memory_space<vmem>>, vector<16xi32>,
    %get3A_419 = vector.shape_cast %get3A_418 : vector<16xi32> to vector<16xi32>
    %swap3A_420 = arith.constant 13 : i32
    %swap3A_421 = arith.index_cast %swap3A_420 : i32 to index
    %swap3A_422 = arith.constant 0 : index
    %swap3A_423 = tpu.vector_load %arg7[%swap3A_421, %swap3A_422] {strides = array<i32>} : memref<16x16xi32, #tpu.memory_space<vmem>>, vector<1x16xi32>,
    %swap3A_424 = vector.shape_cast %swap3A_423 : vector<1x16xi32> to vector<16xi32>
    %swap3A_425 = vector.shape_cast %get3A_419 : vector<16xi32> to vector<1x16xi32>
    tpu.vector_store %arg7[%swap3A_421, %swap3A_422], %swap3A_425 {strides = array<i32>} : memref<16x16xi32, #tpu.memory_space<vmem>>, vector<1x16xi32>,
    %lt3A_426 = arith.constant 32100 : i32
    %lt3A_427 = vector.broadcast %lt3A_426 : i32 to vector<16xi32>
    %lt3A_428 = arith.cmpi slt, %get3A_419, %lt3A_427 : vector<16xi32>
    %jit3A_429 = arith.constant 2 : i32
    %broadcast_in_dim3A_430 = vector.broadcast %jit3A_429 : i32 to vector<16xi32>
    %select_n3A_431 = arith.select %lt3A_428, %get3A_419, %broadcast_in_dim3A_430 : vector<16xi1>, vector<16xi32>
    %dma_start3A_432 = arith.constant 16 : i32
    %dma_start3A_433 = arith.constant 0 : i32
    %dma_start3A_434 = tpu.memref_slice %arg9[%dma_start3A_432, %dma_start3A_433] : memref<32x1024xf32, #tpu.memory_space<vmem>> -> memref<16x1024xf32, #tpu.memory_space<vmem>>
    %dma_start3A_435 = arith.constant 0 : i32
    %dma_start3A_436 = arith.constant 0 : i32
    %dma_start3A_437 = tpu.memref_slice %arg3[%dma_start3A_435, %dma_start3A_436] : memref<32100x1024xf32, #tpu.memory_space<hbm>> -> memref<32100x1024xf32, #tpu.memory_space<hbm>>
    tpu.enqueue_indirect_dma source(%dma_start3A_437 : memref<32100x1024xf32, #tpu.memory_space<hbm>>) target(%dma_start3A_434 : memref<16x1024xf32, #tpu.memory_space<vmem>>) offsets(%select_n3A_431 : vector<16xi32>) semaphore(%arg12 : memref<!tpu.dma_semaphore, #tpu.memory_space<semaphore_mem>>)
    %add3A_438 = arith.constant 128 : i32
    %add3A_439 = arith.addi %mul3A_32, %add3A_438 : i32
    %dma_start3A_440 = arith.constant 0 : i32
    %dma_start3A_441 = tpu.memref_slice %arg5[%select_n3A, %add3A_439, %dma_start3A_440] : memref<4x2048x1024xf32, #tpu.memory_space<hbm>> -> memref<1x32x1024xf32, #tpu.memory_space<hbm>>
    %dma_start3A_442 = tpu.memref_squeeze %dma_start3A_441 : memref<1x32x1024xf32, #tpu.memory_space<hbm>> -> memref<32x1024xf32, #tpu.memory_space<hbm>>
    %dma_start3A_443 = arith.constant 0 : i32
    %dma_start3A_444 = tpu.memref_slice %arg5[%select_n3A, %add3A_439, %dma_start3A_443] : memref<4x2048x1024xf32, #tpu.memory_space<hbm>> -> memref<1x32x1024xf32, #tpu.memory_space<hbm>>
    %dma_start3A_445 = tpu.memref_squeeze %dma_start3A_444 : memref<1x32x1024xf32, #tpu.memory_space<hbm>> -> memref<32x1024xf32, #tpu.memory_space<hbm>>
    tpu.enqueue_dma source(%arg10 : memref<32x1024xf32, #tpu.memory_space<vmem>>) target(%dma_start3A_445 : memref<32x1024xf32, #tpu.memory_space<hbm>>) target_semaphore(%arg13 : memref<!tpu.dma_semaphore, #tpu.memory_space<semaphore_mem>>)
    %dma_wait3A_446 = arith.constant 0 : i32
    %dma_wait3A_447 = arith.constant 0 : i32
    %dma_wait3A_448 = tpu.memref_slice %arg11[%dma_wait3A_446, %dma_wait3A_447] : memref<32x1024xf32, #tpu.memory_space<vmem>> -> memref<16x1024xf32, #tpu.memory_space<vmem>>
    %dma_wait3A_449 = arith.constant 0 : i32
    %dma_wait3A_450 = arith.constant 0 : i32
    %dma_wait3A_451 = tpu.memref_slice %arg3[%dma_wait3A_449, %dma_wait3A_450] : memref<32100x1024xf32, #tpu.memory_space<hbm>> -> memref<32100x1024xf32, #tpu.memory_space<hbm>>
    tpu.wait_indirect_dma semaphore(%arg12 : memref<!tpu.dma_semaphore, #tpu.memory_space<semaphore_mem>>) src(%dma_wait3A_451 : memref<32100x1024xf32, #tpu.memory_space<hbm>>) dst(%dma_wait3A_448 : memref<16x1024xf32, #tpu.memory_space<vmem>>)
    %dma_wait3A_452 = arith.constant 16 : i32
    %dma_wait3A_453 = arith.constant 0 : i32
    %dma_wait3A_454 = tpu.memref_slice %arg11[%dma_wait3A_452, %dma_wait3A_453] : memref<32x1024xf32, #tpu.memory_space<vmem>> -> memref<16x1024xf32, #tpu.memory_space<vmem>>
    %dma_wait3A_455 = arith.constant 0 : i32
    %dma_wait3A_456 = arith.constant 0 : i32
    %dma_wait3A_457 = tpu.memref_slice %arg3[%dma_wait3A_455, %dma_wait3A_456] : memref<32100x1024xf32, #tpu.memory_space<hbm>> -> memref<32100x1024xf32, #tpu.memory_space<hbm>>
    tpu.wait_indirect_dma semaphore(%arg12 : memref<!tpu.dma_semaphore, #tpu.memory_space<semaphore_mem>>) src(%dma_wait3A_457 : memref<32100x1024xf32, #tpu.memory_space<hbm>>) dst(%dma_wait3A_454 : memref<16x1024xf32, #tpu.memory_space<vmem>>)
    %dma_wait3A_458 = arith.constant 0 : i32
    %dma_wait3A_459 = tpu.memref_slice %arg5[%select_n3A, %add3A_439, %dma_wait3A_458] : memref<4x2048x1024xf32, #tpu.memory_space<hbm>> -> memref<1x32x1024xf32, #tpu.memory_space<hbm>>
    %dma_wait3A_460 = tpu.memref_squeeze %dma_wait3A_459 : memref<1x32x1024xf32, #tpu.memory_space<hbm>> -> memref<32x1024xf32, #tpu.memory_space<hbm>>
    %dma_wait3A_461 = arith.constant 0 : i32
    %dma_wait3A_462 = tpu.memref_slice %arg5[%select_n3A, %add3A_439, %dma_wait3A_461] : memref<4x2048x1024xf32, #tpu.memory_space<hbm>> -> memref<1x32x1024xf32, #tpu.memory_space<hbm>>
    %dma_wait3A_463 = tpu.memref_squeeze %dma_wait3A_462 : memref<1x32x1024xf32, #tpu.memory_space<hbm>> -> memref<32x1024xf32, #tpu.memory_space<hbm>>
    tpu.wait_dma2 semaphore(%arg13 : memref<!tpu.dma_semaphore, #tpu.memory_space<semaphore_mem>>) src(%arg10 : memref<32x1024xf32, #tpu.memory_space<vmem>>) dst(%dma_wait3A_463 : memref<32x1024xf32, #tpu.memory_space<hbm>>)
    %get3A_464 = arith.constant 224 : index
    %get3A_465 = tpu.vector_load %arg6[%get3A_464] {strides = array<i32>} : memref<256xi32, #tpu.memory_space<vmem>>, vector<16xi32>,
    %get3A_466 = vector.shape_cast %get3A_465 : vector<16xi32> to vector<16xi32>
    %swap3A_467 = arith.constant 14 : i32
    %swap3A_468 = arith.index_cast %swap3A_467 : i32 to index
    %swap3A_469 = arith.constant 0 : index
    %swap3A_470 = tpu.vector_load %arg7[%swap3A_468, %swap3A_469] {strides = array<i32>} : memref<16x16xi32, #tpu.memory_space<vmem>>, vector<1x16xi32>,
    %swap3A_471 = vector.shape_cast %swap3A_470 : vector<1x16xi32> to vector<16xi32>
    %swap3A_472 = vector.shape_cast %get3A_466 : vector<16xi32> to vector<1x16xi32>
    tpu.vector_store %arg7[%swap3A_468, %swap3A_469], %swap3A_472 {strides = array<i32>} : memref<16x16xi32, #tpu.memory_space<vmem>>, vector<1x16xi32>,
    %lt3A_473 = arith.constant 32100 : i32
    %lt3A_474 = vector.broadcast %lt3A_473 : i32 to vector<16xi32>
    %lt3A_475 = arith.cmpi slt, %get3A_466, %lt3A_474 : vector<16xi32>
    %jit3A_476 = arith.constant 2 : i32
    %broadcast_in_dim3A_477 = vector.broadcast %jit3A_476 : i32 to vector<16xi32>
    %select_n3A_478 = arith.select %lt3A_475, %get3A_466, %broadcast_in_dim3A_477 : vector<16xi1>, vector<16xi32>
    %dma_start3A_479 = arith.constant 0 : i32
    %dma_start3A_480 = arith.constant 0 : i32
    %dma_start3A_481 = tpu.memref_slice %arg10[%dma_start3A_479, %dma_start3A_480] : memref<32x1024xf32, #tpu.memory_space<vmem>> -> memref<16x1024xf32, #tpu.memory_space<vmem>>
    %dma_start3A_482 = arith.constant 0 : i32
    %dma_start3A_483 = arith.constant 0 : i32
    %dma_start3A_484 = tpu.memref_slice %arg3[%dma_start3A_482, %dma_start3A_483] : memref<32100x1024xf32, #tpu.memory_space<hbm>> -> memref<32100x1024xf32, #tpu.memory_space<hbm>>
    tpu.enqueue_indirect_dma source(%dma_start3A_484 : memref<32100x1024xf32, #tpu.memory_space<hbm>>) target(%dma_start3A_481 : memref<16x1024xf32, #tpu.memory_space<vmem>>) offsets(%select_n3A_478 : vector<16xi32>) semaphore(%arg12 : memref<!tpu.dma_semaphore, #tpu.memory_space<semaphore_mem>>)
    %get3A_485 = arith.constant 240 : index
    %get3A_486 = tpu.vector_load %arg6[%get3A_485] {strides = array<i32>} : memref<256xi32, #tpu.memory_space<vmem>>, vector<16xi32>,
    %get3A_487 = vector.shape_cast %get3A_486 : vector<16xi32> to vector<16xi32>
    %swap3A_488 = arith.constant 15 : i32
    %swap3A_489 = arith.index_cast %swap3A_488 : i32 to index
    %swap3A_490 = arith.constant 0 : index
    %swap3A_491 = tpu.vector_load %arg7[%swap3A_489, %swap3A_490] {strides = array<i32>} : memref<16x16xi32, #tpu.memory_space<vmem>>, vector<1x16xi32>,
    %swap3A_492 = vector.shape_cast %swap3A_491 : vector<1x16xi32> to vector<16xi32>
    %swap3A_493 = vector.shape_cast %get3A_487 : vector<16xi32> to vector<1x16xi32>
    tpu.vector_store %arg7[%swap3A_489, %swap3A_490], %swap3A_493 {strides = array<i32>} : memref<16x16xi32, #tpu.memory_space<vmem>>, vector<1x16xi32>,
    %lt3A_494 = arith.constant 32100 : i32
    %lt3A_495 = vector.broadcast %lt3A_494 : i32 to vector<16xi32>
    %lt3A_496 = arith.cmpi slt, %get3A_487, %lt3A_495 : vector<16xi32>
    %jit3A_497 = arith.constant 2 : i32
    %broadcast_in_dim3A_498 = vector.broadcast %jit3A_497 : i32 to vector<16xi32>
    %select_n3A_499 = arith.select %lt3A_496, %get3A_487, %broadcast_in_dim3A_498 : vector<16xi1>, vector<16xi32>
    %dma_start3A_500 = arith.constant 16 : i32
    %dma_start3A_501 = arith.constant 0 : i32
    %dma_start3A_502 = tpu.memref_slice %arg10[%dma_start3A_500, %dma_start3A_501] : memref<32x1024xf32, #tpu.memory_space<vmem>> -> memref<16x1024xf32, #tpu.memory_space<vmem>>
    %dma_start3A_503 = arith.constant 0 : i32
    %dma_start3A_504 = arith.constant 0 : i32
    %dma_start3A_505 = tpu.memref_slice %arg3[%dma_start3A_503, %dma_start3A_504] : memref<32100x1024xf32, #tpu.memory_space<hbm>> -> memref<32100x1024xf32, #tpu.memory_space<hbm>>
    tpu.enqueue_indirect_dma source(%dma_start3A_505 : memref<32100x1024xf32, #tpu.memory_space<hbm>>) target(%dma_start3A_502 : memref<16x1024xf32, #tpu.memory_space<vmem>>) offsets(%select_n3A_499 : vector<16xi32>) semaphore(%arg12 : memref<!tpu.dma_semaphore, #tpu.memory_space<semaphore_mem>>)
    %add3A_506 = arith.constant 160 : i32
    %add3A_507 = arith.addi %mul3A_32, %add3A_506 : i32
    %dma_start3A_508 = arith.constant 0 : i32
    %dma_start3A_509 = tpu.memref_slice %arg5[%select_n3A, %add3A_507, %dma_start3A_508] : memref<4x2048x1024xf32, #tpu.memory_space<hbm>> -> memref<1x32x1024xf32, #tpu.memory_space<hbm>>
    %dma_start3A_510 = tpu.memref_squeeze %dma_start3A_509 : memref<1x32x1024xf32, #tpu.memory_space<hbm>> -> memref<32x1024xf32, #tpu.memory_space<hbm>>
    %dma_start3A_511 = arith.constant 0 : i32
    %dma_start3A_512 = tpu.memref_slice %arg5[%select_n3A, %add3A_507, %dma_start3A_511] : memref<4x2048x1024xf32, #tpu.memory_space<hbm>> -> memref<1x32x1024xf32, #tpu.memory_space<hbm>>
    %dma_start3A_513 = tpu.memref_squeeze %dma_start3A_512 : memref<1x32x1024xf32, #tpu.memory_space<hbm>> -> memref<32x1024xf32, #tpu.memory_space<hbm>>
    tpu.enqueue_dma source(%arg11 : memref<32x1024xf32, #tpu.memory_space<vmem>>) target(%dma_start3A_513 : memref<32x1024xf32, #tpu.memory_space<hbm>>) target_semaphore(%arg13 : memref<!tpu.dma_semaphore, #tpu.memory_space<semaphore_mem>>)
    %dma_wait3A_514 = arith.constant 0 : i32
    %dma_wait3A_515 = arith.constant 0 : i32
    %dma_wait3A_516 = tpu.memref_slice %arg9[%dma_wait3A_514, %dma_wait3A_515] : memref<32x1024xf32, #tpu.memory_space<vmem>> -> memref<16x1024xf32, #tpu.memory_space<vmem>>
    %dma_wait3A_517 = arith.constant 0 : i32
    %dma_wait3A_518 = arith.constant 0 : i32
    %dma_wait3A_519 = tpu.memref_slice %arg3[%dma_wait3A_517, %dma_wait3A_518] : memref<32100x1024xf32, #tpu.memory_space<hbm>> -> memref<32100x1024xf32, #tpu.memory_space<hbm>>
    tpu.wait_indirect_dma semaphore(%arg12 : memref<!tpu.dma_semaphore, #tpu.memory_space<semaphore_mem>>) src(%dma_wait3A_519 : memref<32100x1024xf32, #tpu.memory_space<hbm>>) dst(%dma_wait3A_516 : memref<16x1024xf32, #tpu.memory_space<vmem>>)
    %dma_wait3A_520 = arith.constant 16 : i32
    %dma_wait3A_521 = arith.constant 0 : i32
    %dma_wait3A_522 = tpu.memref_slice %arg9[%dma_wait3A_520, %dma_wait3A_521] : memref<32x1024xf32, #tpu.memory_space<vmem>> -> memref<16x1024xf32, #tpu.memory_space<vmem>>
    %dma_wait3A_523 = arith.constant 0 : i32
    %dma_wait3A_524 = arith.constant 0 : i32
    %dma_wait3A_525 = tpu.memref_slice %arg3[%dma_wait3A_523, %dma_wait3A_524] : memref<32100x1024xf32, #tpu.memory_space<hbm>> -> memref<32100x1024xf32, #tpu.memory_space<hbm>>
    tpu.wait_indirect_dma semaphore(%arg12 : memref<!tpu.dma_semaphore, #tpu.memory_space<semaphore_mem>>) src(%dma_wait3A_525 : memref<32100x1024xf32, #tpu.memory_space<hbm>>) dst(%dma_wait3A_522 : memref<16x1024xf32, #tpu.memory_space<vmem>>)
    %add3A_526 = arith.constant 192 : i32
    %add3A_527 = arith.addi %mul3A_32, %add3A_526 : i32
    %dma_start3A_528 = arith.constant 0 : i32
    %dma_start3A_529 = tpu.memref_slice %arg5[%select_n3A, %add3A_527, %dma_start3A_528] : memref<4x2048x1024xf32, #tpu.memory_space<hbm>> -> memref<1x32x1024xf32, #tpu.memory_space<hbm>>
    %dma_start3A_530 = tpu.memref_squeeze %dma_start3A_529 : memref<1x32x1024xf32, #tpu.memory_space<hbm>> -> memref<32x1024xf32, #tpu.memory_space<hbm>>
    %dma_start3A_531 = arith.constant 0 : i32
    %dma_start3A_532 = tpu.memref_slice %arg5[%select_n3A, %add3A_527, %dma_start3A_531] : memref<4x2048x1024xf32, #tpu.memory_space<hbm>> -> memref<1x32x1024xf32, #tpu.memory_space<hbm>>
    %dma_start3A_533 = tpu.memref_squeeze %dma_start3A_532 : memref<1x32x1024xf32, #tpu.memory_space<hbm>> -> memref<32x1024xf32, #tpu.memory_space<hbm>>
    tpu.enqueue_dma source(%arg9 : memref<32x1024xf32, #tpu.memory_space<vmem>>) target(%dma_start3A_533 : memref<32x1024xf32, #tpu.memory_space<hbm>>) target_semaphore(%arg13 : memref<!tpu.dma_semaphore, #tpu.memory_space<semaphore_mem>>)
    %dma_wait3A_534 = arith.constant 0 : i32
    %dma_wait3A_535 = arith.constant 0 : i32
    %dma_wait3A_536 = tpu.memref_slice %arg10[%dma_wait3A_534, %dma_wait3A_535] : memref<32x1024xf32, #tpu.memory_space<vmem>> -> memref<16x1024xf32, #tpu.memory_space<vmem>>
    %dma_wait3A_537 = arith.constant 0 : i32
    %dma_wait3A_538 = arith.constant 0 : i32
    %dma_wait3A_539 = tpu.memref_slice %arg3[%dma_wait3A_537, %dma_wait3A_538] : memref<32100x1024xf32, #tpu.memory_space<hbm>> -> memref<32100x1024xf32, #tpu.memory_space<hbm>>
    tpu.wait_indirect_dma semaphore(%arg12 : memref<!tpu.dma_semaphore, #tpu.memory_space<semaphore_mem>>) src(%dma_wait3A_539 : memref<32100x1024xf32, #tpu.memory_space<hbm>>) dst(%dma_wait3A_536 : memref<16x1024xf32, #tpu.memory_space<vmem>>)
    %dma_wait3A_540 = arith.constant 16 : i32
    %dma_wait3A_541 = arith.constant 0 : i32
    %dma_wait3A_542 = tpu.memref_slice %arg10[%dma_wait3A_540, %dma_wait3A_541] : memref<32x1024xf32, #tpu.memory_space<vmem>> -> memref<16x1024xf32, #tpu.memory_space<vmem>>
    %dma_wait3A_543 = arith.constant 0 : i32
    %dma_wait3A_544 = arith.constant 0 : i32
    %dma_wait3A_545 = tpu.memref_slice %arg3[%dma_wait3A_543, %dma_wait3A_544] : memref<32100x1024xf32, #tpu.memory_space<hbm>> -> memref<32100x1024xf32, #tpu.memory_space<hbm>>
    tpu.wait_indirect_dma semaphore(%arg12 : memref<!tpu.dma_semaphore, #tpu.memory_space<semaphore_mem>>) src(%dma_wait3A_545 : memref<32100x1024xf32, #tpu.memory_space<hbm>>) dst(%dma_wait3A_542 : memref<16x1024xf32, #tpu.memory_space<vmem>>)
    %add3A_546 = arith.constant 224 : i32
    %add3A_547 = arith.addi %mul3A_32, %add3A_546 : i32
    %dma_start3A_548 = arith.constant 0 : i32
    %dma_start3A_549 = tpu.memref_slice %arg5[%select_n3A, %add3A_547, %dma_start3A_548] : memref<4x2048x1024xf32, #tpu.memory_space<hbm>> -> memref<1x32x1024xf32, #tpu.memory_space<hbm>>
    %dma_start3A_550 = tpu.memref_squeeze %dma_start3A_549 : memref<1x32x1024xf32, #tpu.memory_space<hbm>> -> memref<32x1024xf32, #tpu.memory_space<hbm>>
    %dma_start3A_551 = arith.constant 0 : i32
    %dma_start3A_552 = tpu.memref_slice %arg5[%select_n3A, %add3A_547, %dma_start3A_551] : memref<4x2048x1024xf32, #tpu.memory_space<hbm>> -> memref<1x32x1024xf32, #tpu.memory_space<hbm>>
    %dma_start3A_553 = tpu.memref_squeeze %dma_start3A_552 : memref<1x32x1024xf32, #tpu.memory_space<hbm>> -> memref<32x1024xf32, #tpu.memory_space<hbm>>
    tpu.enqueue_dma source(%arg10 : memref<32x1024xf32, #tpu.memory_space<vmem>>) target(%dma_start3A_553 : memref<32x1024xf32, #tpu.memory_space<hbm>>) target_semaphore(%arg13 : memref<!tpu.dma_semaphore, #tpu.memory_space<semaphore_mem>>)
    %dma_wait3A_554 = arith.constant 0 : i32
    %dma_wait3A_555 = tpu.memref_slice %arg5[%select_n3A, %add3A_507, %dma_wait3A_554] : memref<4x2048x1024xf32, #tpu.memory_space<hbm>> -> memref<1x32x1024xf32, #tpu.memory_space<hbm>>
    %dma_wait3A_556 = tpu.memref_squeeze %dma_wait3A_555 : memref<1x32x1024xf32, #tpu.memory_space<hbm>> -> memref<32x1024xf32, #tpu.memory_space<hbm>>
    %dma_wait3A_557 = arith.constant 0 : i32
    %dma_wait3A_558 = tpu.memref_slice %arg5[%select_n3A, %add3A_507, %dma_wait3A_557] : memref<4x2048x1024xf32, #tpu.memory_space<hbm>> -> memref<1x32x1024xf32, #tpu.memory_space<hbm>>
    %dma_wait3A_559 = tpu.memref_squeeze %dma_wait3A_558 : memref<1x32x1024xf32, #tpu.memory_space<hbm>> -> memref<32x1024xf32, #tpu.memory_space<hbm>>
    tpu.wait_dma2 semaphore(%arg13 : memref<!tpu.dma_semaphore, #tpu.memory_space<semaphore_mem>>) src(%arg11 : memref<32x1024xf32, #tpu.memory_space<vmem>>) dst(%dma_wait3A_559 : memref<32x1024xf32, #tpu.memory_space<hbm>>)
    %dma_wait3A_560 = arith.constant 0 : i32
    %dma_wait3A_561 = tpu.memref_slice %arg5[%select_n3A, %add3A_527, %dma_wait3A_560] : memref<4x2048x1024xf32, #tpu.memory_space<hbm>> -> memref<1x32x1024xf32, #tpu.memory_space<hbm>>
    %dma_wait3A_562 = tpu.memref_squeeze %dma_wait3A_561 : memref<1x32x1024xf32, #tpu.memory_space<hbm>> -> memref<32x1024xf32, #tpu.memory_space<hbm>>
    %dma_wait3A_563 = arith.constant 0 : i32
    %dma_wait3A_564 = tpu.memref_slice %arg5[%select_n3A, %add3A_527, %dma_wait3A_563] : memref<4x2048x1024xf32, #tpu.memory_space<hbm>> -> memref<1x32x1024xf32, #tpu.memory_space<hbm>>
    %dma_wait3A_565 = tpu.memref_squeeze %dma_wait3A_564 : memref<1x32x1024xf32, #tpu.memory_space<hbm>> -> memref<32x1024xf32, #tpu.memory_space<hbm>>
    tpu.wait_dma2 semaphore(%arg13 : memref<!tpu.dma_semaphore, #tpu.memory_space<semaphore_mem>>) src(%arg9 : memref<32x1024xf32, #tpu.memory_space<vmem>>) dst(%dma_wait3A_565 : memref<32x1024xf32, #tpu.memory_space<hbm>>)
    %dma_wait3A_566 = arith.constant 0 : i32
    %dma_wait3A_567 = tpu.memref_slice %arg5[%select_n3A, %add3A_547, %dma_wait3A_566] : memref<4x2048x1024xf32, #tpu.memory_space<hbm>> -> memref<1x32x1024xf32, #tpu.memory_space<hbm>>
    %dma_wait3A_568 = tpu.memref_squeeze %dma_wait3A_567 : memref<1x32x1024xf32, #tpu.memory_space<hbm>> -> memref<32x1024xf32, #tpu.memory_space<hbm>>
    %dma_wait3A_569 = arith.constant 0 : i32
    %dma_wait3A_570 = tpu.memref_slice %arg5[%select_n3A, %add3A_547, %dma_wait3A_569] : memref<4x2048x1024xf32, #tpu.memory_space<hbm>> -> memref<1x32x1024xf32, #tpu.memory_space<hbm>>
    %dma_wait3A_571 = tpu.memref_squeeze %dma_wait3A_570 : memref<1x32x1024xf32, #tpu.memory_space<hbm>> -> memref<32x1024xf32, #tpu.memory_space<hbm>>
    tpu.wait_dma2 semaphore(%arg13 : memref<!tpu.dma_semaphore, #tpu.memory_space<semaphore_mem>>) src(%arg10 : memref<32x1024xf32, #tpu.memory_space<vmem>>) dst(%dma_wait3A_571 : memref<32x1024xf32, #tpu.memory_space<hbm>>)
    %scan3A = arith.constant 0 : i32
    %scan3A_572 = arith.constant 0 : i32
    %scan3A_573 = arith.constant 16 : i32
    %scan3A_574 = arith.addi %scan3A_572, %scan3A_573 : i32
    %scan3A_575 = arith.constant 1 : i32
    scf.for %scan3A_577 = %scan3A_572 to %scan3A_574 step %scan3A_575  : i32 {
      %get3A_578 = arith.index_cast %scan3A_577 : i32 to index
      %get3A_579 = arith.constant 0 : index
      %get3A_580 = tpu.vector_load %arg7[%get3A_578, %get3A_579] {strides = array<i32>} : memref<16x16xi32, #tpu.memory_space<vmem>>, vector<1x16xi32>,
      %get3A_581 = vector.shape_cast %get3A_580 : vector<1x16xi32> to vector<16xi32>
      %slice3A = vector.extract_strided_slice %get3A_581 {offsets = [0], sizes = [1], strides = [1]} : vector<16xi32> to vector<1xi32>
      %squeeze3A = vector.extract %slice3A[0] : i32 from vector<1xi32>
      %ge3A = arith.constant 32100 : i32
      %ge3A_582 = arith.cmpi sge, %squeeze3A, %ge3A : i32
      %convert_element_type3A = arith.extui %ge3A_582 : i1 to i32
      %cond3A = arith.constant 0 : i32
      %cond3A_583 = arith.cmpi ne, %convert_element_type3A, %cond3A : i32
      scf.if %cond3A_583 {
        %sub3A_689 = arith.constant 32100 : i32
        %sub3A_690 = arith.subi %squeeze3A, %sub3A_689 : i32
        "tpu.region"() ({
          %run_scoped3A = tpu.sem_alloc : memref<!tpu.dma_semaphore, #tpu.memory_space<semaphore_mem>>
          %dma_start3A_696 = arith.constant 0 : i32
          %dma_start3A_697 = tpu.memref_slice %arg4[%sub3A_690, %dma_start3A_696] : memref<100x1024xf32, #tpu.memory_space<hbm>> -> memref<1x1024xf32, #tpu.memory_space<hbm>>
          %dma_start3A_698 = tpu.memref_squeeze %dma_start3A_697 : memref<1x1024xf32, #tpu.memory_space<hbm>> -> memref<1024xf32, #tpu.memory_space<hbm>>
          %dma_start3A_699 = arith.constant 0 : i32
          %dma_start3A_700 = tpu.memref_slice %arg4[%sub3A_690, %dma_start3A_699] : memref<100x1024xf32, #tpu.memory_space<hbm>> -> memref<1x1024xf32, #tpu.memory_space<hbm>>
          %dma_start3A_701 = tpu.memref_squeeze %dma_start3A_700 : memref<1x1024xf32, #tpu.memory_space<hbm>> -> memref<1024xf32, #tpu.memory_space<hbm>>
          tpu.enqueue_dma source(%dma_start3A_701 : memref<1024xf32, #tpu.memory_space<hbm>>) target(%arg8 : memref<1024xf32, #tpu.memory_space<vmem>>) target_semaphore(%run_scoped3A : memref<!tpu.dma_semaphore, #tpu.memory_space<semaphore_mem>>)
          %dma_wait3A_702 = arith.constant 0 : i32
          %dma_wait3A_703 = tpu.memref_slice %arg4[%sub3A_690, %dma_wait3A_702] : memref<100x1024xf32, #tpu.memory_space<hbm>> -> memref<1x1024xf32, #tpu.memory_space<hbm>>
          %dma_wait3A_704 = tpu.memref_squeeze %dma_wait3A_703 : memref<1x1024xf32, #tpu.memory_space<hbm>> -> memref<1024xf32, #tpu.memory_space<hbm>>
          %dma_wait3A_705 = arith.constant 0 : i32
          %dma_wait3A_706 = tpu.memref_slice %arg4[%sub3A_690, %dma_wait3A_705] : memref<100x1024xf32, #tpu.memory_space<hbm>> -> memref<1x1024xf32, #tpu.memory_space<hbm>>
          %dma_wait3A_707 = tpu.memref_squeeze %dma_wait3A_706 : memref<1x1024xf32, #tpu.memory_space<hbm>> -> memref<1024xf32, #tpu.memory_space<hbm>>
          tpu.wait_dma2 semaphore(%run_scoped3A : memref<!tpu.dma_semaphore, #tpu.memory_space<semaphore_mem>>) src(%dma_wait3A_707 : memref<1024xf32, #tpu.memory_space<hbm>>) dst(%arg8 : memref<1024xf32, #tpu.memory_space<vmem>>)
          tpu.yield
        }) : () -> ()
        %mul3A_691 = arith.constant 16 : i32
        %mul3A_692 = arith.muli %scan3A_577, %mul3A_691 : i32
        %add3A_693 = arith.addi %mul3A_32, %mul3A_692 : i32
        %add3A_694 = arith.constant 0 : i32
        %add3A_695 = arith.addi %add3A_693, %add3A_694 : i32
        "tpu.region"() ({
          %run_scoped3A = tpu.sem_alloc : memref<!tpu.dma_semaphore, #tpu.memory_space<semaphore_mem>>
          %dma_start3A_696 = arith.constant 0 : i32
          %dma_start3A_697 = tpu.memref_slice %arg5[%select_n3A, %add3A_695, %dma_start3A_696] : memref<4x2048x1024xf32, #tpu.memory_space<hbm>> -> memref<1x1x1024xf32, #tpu.memory_space<hbm>>
          %dma_start3A_698 = tpu.memref_squeeze %dma_start3A_697 : memref<1x1x1024xf32, #tpu.memory_space<hbm>> -> memref<1024xf32, #tpu.memory_space<hbm>>
          %dma_start3A_699 = arith.constant 0 : i32
          %dma_start3A_700 = tpu.memref_slice %arg5[%select_n3A, %add3A_695, %dma_start3A_699] : memref<4x2048x1024xf32, #tpu.memory_space<hbm>> -> memref<1x1x1024xf32, #tpu.memory_space<hbm>>
          %dma_start3A_701 = tpu.memref_squeeze %dma_start3A_700 : memref<1x1x1024xf32, #tpu.memory_space<hbm>> -> memref<1024xf32, #tpu.memory_space<hbm>>
          tpu.enqueue_dma source(%arg8 : memref<1024xf32, #tpu.memory_space<vmem>>) target(%dma_start3A_701 : memref<1024xf32, #tpu.memory_space<hbm>>) target_semaphore(%run_scoped3A : memref<!tpu.dma_semaphore, #tpu.memory_space<semaphore_mem>>)
          %dma_wait3A_702 = arith.constant 0 : i32
          %dma_wait3A_703 = tpu.memref_slice %arg5[%select_n3A, %add3A_695, %dma_wait3A_702] : memref<4x2048x1024xf32, #tpu.memory_space<hbm>> -> memref<1x1x1024xf32, #tpu.memory_space<hbm>>
          %dma_wait3A_704 = tpu.memref_squeeze %dma_wait3A_703 : memref<1x1x1024xf32, #tpu.memory_space<hbm>> -> memref<1024xf32, #tpu.memory_space<hbm>>
          %dma_wait3A_705 = arith.constant 0 : i32
          %dma_wait3A_706 = tpu.memref_slice %arg5[%select_n3A, %add3A_695, %dma_wait3A_705] : memref<4x2048x1024xf32, #tpu.memory_space<hbm>> -> memref<1x1x1024xf32, #tpu.memory_space<hbm>>
          %dma_wait3A_707 = tpu.memref_squeeze %dma_wait3A_706 : memref<1x1x1024xf32, #tpu.memory_space<hbm>> -> memref<1024xf32, #tpu.memory_space<hbm>>
          tpu.wait_dma2 semaphore(%run_scoped3A : memref<!tpu.dma_semaphore, #tpu.memory_space<semaphore_mem>>) src(%arg8 : memref<1024xf32, #tpu.memory_space<vmem>>) dst(%dma_wait3A_707 : memref<1024xf32, #tpu.memory_space<hbm>>)
          tpu.yield
        }) : () -> ()
      } else {
      }
      %slice3A_584 = vector.extract_strided_slice %get3A_581 {offsets = [1], sizes = [1], strides = [1]} : vector<16xi32> to vector<1xi32>
      %squeeze3A_585 = vector.extract %slice3A_584[0] : i32 from vector<1xi32>
      %ge3A_586 = arith.constant 32100 : i32
      %ge3A_587 = arith.cmpi sge, %squeeze3A_585, %ge3A_586 : i32
      %convert_element_type3A_588 = arith.extui %ge3A_587 : i1 to i32
      %cond3A_589 = arith.constant 0 : i32
      %cond3A_590 = arith.cmpi ne, %convert_element_type3A_588, %cond3A_589 : i32
      scf.if %cond3A_590 {
        %sub3A_689 = arith.constant 32100 : i32
        %sub3A_690 = arith.subi %squeeze3A_585, %sub3A_689 : i32
        "tpu.region"() ({
          %run_scoped3A = tpu.sem_alloc : memref<!tpu.dma_semaphore, #tpu.memory_space<semaphore_mem>>
          %dma_start3A_696 = arith.constant 0 : i32
          %dma_start3A_697 = tpu.memref_slice %arg4[%sub3A_690, %dma_start3A_696] : memref<100x1024xf32, #tpu.memory_space<hbm>> -> memref<1x1024xf32, #tpu.memory_space<hbm>>
          %dma_start3A_698 = tpu.memref_squeeze %dma_start3A_697 : memref<1x1024xf32, #tpu.memory_space<hbm>> -> memref<1024xf32, #tpu.memory_space<hbm>>
          %dma_start3A_699 = arith.constant 0 : i32
          %dma_start3A_700 = tpu.memref_slice %arg4[%sub3A_690, %dma_start3A_699] : memref<100x1024xf32, #tpu.memory_space<hbm>> -> memref<1x1024xf32, #tpu.memory_space<hbm>>
          %dma_start3A_701 = tpu.memref_squeeze %dma_start3A_700 : memref<1x1024xf32, #tpu.memory_space<hbm>> -> memref<1024xf32, #tpu.memory_space<hbm>>
          tpu.enqueue_dma source(%dma_start3A_701 : memref<1024xf32, #tpu.memory_space<hbm>>) target(%arg8 : memref<1024xf32, #tpu.memory_space<vmem>>) target_semaphore(%run_scoped3A : memref<!tpu.dma_semaphore, #tpu.memory_space<semaphore_mem>>)
          %dma_wait3A_702 = arith.constant 0 : i32
          %dma_wait3A_703 = tpu.memref_slice %arg4[%sub3A_690, %dma_wait3A_702] : memref<100x1024xf32, #tpu.memory_space<hbm>> -> memref<1x1024xf32, #tpu.memory_space<hbm>>
          %dma_wait3A_704 = tpu.memref_squeeze %dma_wait3A_703 : memref<1x1024xf32, #tpu.memory_space<hbm>> -> memref<1024xf32, #tpu.memory_space<hbm>>
          %dma_wait3A_705 = arith.constant 0 : i32
          %dma_wait3A_706 = tpu.memref_slice %arg4[%sub3A_690, %dma_wait3A_705] : memref<100x1024xf32, #tpu.memory_space<hbm>> -> memref<1x1024xf32, #tpu.memory_space<hbm>>
          %dma_wait3A_707 = tpu.memref_squeeze %dma_wait3A_706 : memref<1x1024xf32, #tpu.memory_space<hbm>> -> memref<1024xf32, #tpu.memory_space<hbm>>
          tpu.wait_dma2 semaphore(%run_scoped3A : memref<!tpu.dma_semaphore, #tpu.memory_space<semaphore_mem>>) src(%dma_wait3A_707 : memref<1024xf32, #tpu.memory_space<hbm>>) dst(%arg8 : memref<1024xf32, #tpu.memory_space<vmem>>)
          tpu.yield
        }) : () -> ()
        %mul3A_691 = arith.constant 16 : i32
        %mul3A_692 = arith.muli %scan3A_577, %mul3A_691 : i32
        %add3A_693 = arith.addi %mul3A_32, %mul3A_692 : i32
        %add3A_694 = arith.constant 1 : i32
        %add3A_695 = arith.addi %add3A_693, %add3A_694 : i32
        "tpu.region"() ({
          %run_scoped3A = tpu.sem_alloc : memref<!tpu.dma_semaphore, #tpu.memory_space<semaphore_mem>>
          %dma_start3A_696 = arith.constant 0 : i32
          %dma_start3A_697 = tpu.memref_slice %arg5[%select_n3A, %add3A_695, %dma_start3A_696] : memref<4x2048x1024xf32, #tpu.memory_space<hbm>> -> memref<1x1x1024xf32, #tpu.memory_space<hbm>>
          %dma_start3A_698 = tpu.memref_squeeze %dma_start3A_697 : memref<1x1x1024xf32, #tpu.memory_space<hbm>> -> memref<1024xf32, #tpu.memory_space<hbm>>
          %dma_start3A_699 = arith.constant 0 : i32
          %dma_start3A_700 = tpu.memref_slice %arg5[%select_n3A, %add3A_695, %dma_start3A_699] : memref<4x2048x1024xf32, #tpu.memory_space<hbm>> -> memref<1x1x1024xf32, #tpu.memory_space<hbm>>
          %dma_start3A_701 = tpu.memref_squeeze %dma_start3A_700 : memref<1x1x1024xf32, #tpu.memory_space<hbm>> -> memref<1024xf32, #tpu.memory_space<hbm>>
          tpu.enqueue_dma source(%arg8 : memref<1024xf32, #tpu.memory_space<vmem>>) target(%dma_start3A_701 : memref<1024xf32, #tpu.memory_space<hbm>>) target_semaphore(%run_scoped3A : memref<!tpu.dma_semaphore, #tpu.memory_space<semaphore_mem>>)
          %dma_wait3A_702 = arith.constant 0 : i32
          %dma_wait3A_703 = tpu.memref_slice %arg5[%select_n3A, %add3A_695, %dma_wait3A_702] : memref<4x2048x1024xf32, #tpu.memory_space<hbm>> -> memref<1x1x1024xf32, #tpu.memory_space<hbm>>
          %dma_wait3A_704 = tpu.memref_squeeze %dma_wait3A_703 : memref<1x1x1024xf32, #tpu.memory_space<hbm>> -> memref<1024xf32, #tpu.memory_space<hbm>>
          %dma_wait3A_705 = arith.constant 0 : i32
          %dma_wait3A_706 = tpu.memref_slice %arg5[%select_n3A, %add3A_695, %dma_wait3A_705] : memref<4x2048x1024xf32, #tpu.memory_space<hbm>> -> memref<1x1x1024xf32, #tpu.memory_space<hbm>>
          %dma_wait3A_707 = tpu.memref_squeeze %dma_wait3A_706 : memref<1x1x1024xf32, #tpu.memory_space<hbm>> -> memref<1024xf32, #tpu.memory_space<hbm>>
          tpu.wait_dma2 semaphore(%run_scoped3A : memref<!tpu.dma_semaphore, #tpu.memory_space<semaphore_mem>>) src(%arg8 : memref<1024xf32, #tpu.memory_space<vmem>>) dst(%dma_wait3A_707 : memref<1024xf32, #tpu.memory_space<hbm>>)
          tpu.yield
        }) : () -> ()
      } else {
      }
      %slice3A_591 = vector.extract_strided_slice %get3A_581 {offsets = [2], sizes = [1], strides = [1]} : vector<16xi32> to vector<1xi32>
      %squeeze3A_592 = vector.extract %slice3A_591[0] : i32 from vector<1xi32>
      %ge3A_593 = arith.constant 32100 : i32
      %ge3A_594 = arith.cmpi sge, %squeeze3A_592, %ge3A_593 : i32
      %convert_element_type3A_595 = arith.extui %ge3A_594 : i1 to i32
      %cond3A_596 = arith.constant 0 : i32
      %cond3A_597 = arith.cmpi ne, %convert_element_type3A_595, %cond3A_596 : i32
      scf.if %cond3A_597 {
        %sub3A_689 = arith.constant 32100 : i32
        %sub3A_690 = arith.subi %squeeze3A_592, %sub3A_689 : i32
        "tpu.region"() ({
          %run_scoped3A = tpu.sem_alloc : memref<!tpu.dma_semaphore, #tpu.memory_space<semaphore_mem>>
          %dma_start3A_696 = arith.constant 0 : i32
          %dma_start3A_697 = tpu.memref_slice %arg4[%sub3A_690, %dma_start3A_696] : memref<100x1024xf32, #tpu.memory_space<hbm>> -> memref<1x1024xf32, #tpu.memory_space<hbm>>
          %dma_start3A_698 = tpu.memref_squeeze %dma_start3A_697 : memref<1x1024xf32, #tpu.memory_space<hbm>> -> memref<1024xf32, #tpu.memory_space<hbm>>
          %dma_start3A_699 = arith.constant 0 : i32
          %dma_start3A_700 = tpu.memref_slice %arg4[%sub3A_690, %dma_start3A_699] : memref<100x1024xf32, #tpu.memory_space<hbm>> -> memref<1x1024xf32, #tpu.memory_space<hbm>>
          %dma_start3A_701 = tpu.memref_squeeze %dma_start3A_700 : memref<1x1024xf32, #tpu.memory_space<hbm>> -> memref<1024xf32, #tpu.memory_space<hbm>>
          tpu.enqueue_dma source(%dma_start3A_701 : memref<1024xf32, #tpu.memory_space<hbm>>) target(%arg8 : memref<1024xf32, #tpu.memory_space<vmem>>) target_semaphore(%run_scoped3A : memref<!tpu.dma_semaphore, #tpu.memory_space<semaphore_mem>>)
          %dma_wait3A_702 = arith.constant 0 : i32
          %dma_wait3A_703 = tpu.memref_slice %arg4[%sub3A_690, %dma_wait3A_702] : memref<100x1024xf32, #tpu.memory_space<hbm>> -> memref<1x1024xf32, #tpu.memory_space<hbm>>
          %dma_wait3A_704 = tpu.memref_squeeze %dma_wait3A_703 : memref<1x1024xf32, #tpu.memory_space<hbm>> -> memref<1024xf32, #tpu.memory_space<hbm>>
          %dma_wait3A_705 = arith.constant 0 : i32
          %dma_wait3A_706 = tpu.memref_slice %arg4[%sub3A_690, %dma_wait3A_705] : memref<100x1024xf32, #tpu.memory_space<hbm>> -> memref<1x1024xf32, #tpu.memory_space<hbm>>
          %dma_wait3A_707 = tpu.memref_squeeze %dma_wait3A_706 : memref<1x1024xf32, #tpu.memory_space<hbm>> -> memref<1024xf32, #tpu.memory_space<hbm>>
          tpu.wait_dma2 semaphore(%run_scoped3A : memref<!tpu.dma_semaphore, #tpu.memory_space<semaphore_mem>>) src(%dma_wait3A_707 : memref<1024xf32, #tpu.memory_space<hbm>>) dst(%arg8 : memref<1024xf32, #tpu.memory_space<vmem>>)
          tpu.yield
        }) : () -> ()
        %mul3A_691 = arith.constant 16 : i32
        %mul3A_692 = arith.muli %scan3A_577, %mul3A_691 : i32
        %add3A_693 = arith.addi %mul3A_32, %mul3A_692 : i32
        %add3A_694 = arith.constant 2 : i32
        %add3A_695 = arith.addi %add3A_693, %add3A_694 : i32
        "tpu.region"() ({
          %run_scoped3A = tpu.sem_alloc : memref<!tpu.dma_semaphore, #tpu.memory_space<semaphore_mem>>
          %dma_start3A_696 = arith.constant 0 : i32
          %dma_start3A_697 = tpu.memref_slice %arg5[%select_n3A, %add3A_695, %dma_start3A_696] : memref<4x2048x1024xf32, #tpu.memory_space<hbm>> -> memref<1x1x1024xf32, #tpu.memory_space<hbm>>
          %dma_start3A_698 = tpu.memref_squeeze %dma_start3A_697 : memref<1x1x1024xf32, #tpu.memory_space<hbm>> -> memref<1024xf32, #tpu.memory_space<hbm>>
          %dma_start3A_699 = arith.constant 0 : i32
          %dma_start3A_700 = tpu.memref_slice %arg5[%select_n3A, %add3A_695, %dma_start3A_699] : memref<4x2048x1024xf32, #tpu.memory_space<hbm>> -> memref<1x1x1024xf32, #tpu.memory_space<hbm>>
          %dma_start3A_701 = tpu.memref_squeeze %dma_start3A_700 : memref<1x1x1024xf32, #tpu.memory_space<hbm>> -> memref<1024xf32, #tpu.memory_space<hbm>>
          tpu.enqueue_dma source(%arg8 : memref<1024xf32, #tpu.memory_space<vmem>>) target(%dma_start3A_701 : memref<1024xf32, #tpu.memory_space<hbm>>) target_semaphore(%run_scoped3A : memref<!tpu.dma_semaphore, #tpu.memory_space<semaphore_mem>>)
          %dma_wait3A_702 = arith.constant 0 : i32
          %dma_wait3A_703 = tpu.memref_slice %arg5[%select_n3A, %add3A_695, %dma_wait3A_702] : memref<4x2048x1024xf32, #tpu.memory_space<hbm>> -> memref<1x1x1024xf32, #tpu.memory_space<hbm>>
          %dma_wait3A_704 = tpu.memref_squeeze %dma_wait3A_703 : memref<1x1x1024xf32, #tpu.memory_space<hbm>> -> memref<1024xf32, #tpu.memory_space<hbm>>
          %dma_wait3A_705 = arith.constant 0 : i32
          %dma_wait3A_706 = tpu.memref_slice %arg5[%select_n3A, %add3A_695, %dma_wait3A_705] : memref<4x2048x1024xf32, #tpu.memory_space<hbm>> -> memref<1x1x1024xf32, #tpu.memory_space<hbm>>
          %dma_wait3A_707 = tpu.memref_squeeze %dma_wait3A_706 : memref<1x1x1024xf32, #tpu.memory_space<hbm>> -> memref<1024xf32, #tpu.memory_space<hbm>>
          tpu.wait_dma2 semaphore(%run_scoped3A : memref<!tpu.dma_semaphore, #tpu.memory_space<semaphore_mem>>) src(%arg8 : memref<1024xf32, #tpu.memory_space<vmem>>) dst(%dma_wait3A_707 : memref<1024xf32, #tpu.memory_space<hbm>>)
          tpu.yield
        }) : () -> ()
      } else {
      }
      %slice3A_598 = vector.extract_strided_slice %get3A_581 {offsets = [3], sizes = [1], strides = [1]} : vector<16xi32> to vector<1xi32>
      %squeeze3A_599 = vector.extract %slice3A_598[0] : i32 from vector<1xi32>
      %ge3A_600 = arith.constant 32100 : i32
      %ge3A_601 = arith.cmpi sge, %squeeze3A_599, %ge3A_600 : i32
      %convert_element_type3A_602 = arith.extui %ge3A_601 : i1 to i32
      %cond3A_603 = arith.constant 0 : i32
      %cond3A_604 = arith.cmpi ne, %convert_element_type3A_602, %cond3A_603 : i32
      scf.if %cond3A_604 {
        %sub3A_689 = arith.constant 32100 : i32
        %sub3A_690 = arith.subi %squeeze3A_599, %sub3A_689 : i32
        "tpu.region"() ({
          %run_scoped3A = tpu.sem_alloc : memref<!tpu.dma_semaphore, #tpu.memory_space<semaphore_mem>>
          %dma_start3A_696 = arith.constant 0 : i32
          %dma_start3A_697 = tpu.memref_slice %arg4[%sub3A_690, %dma_start3A_696] : memref<100x1024xf32, #tpu.memory_space<hbm>> -> memref<1x1024xf32, #tpu.memory_space<hbm>>
          %dma_start3A_698 = tpu.memref_squeeze %dma_start3A_697 : memref<1x1024xf32, #tpu.memory_space<hbm>> -> memref<1024xf32, #tpu.memory_space<hbm>>
          %dma_start3A_699 = arith.constant 0 : i32
          %dma_start3A_700 = tpu.memref_slice %arg4[%sub3A_690, %dma_start3A_699] : memref<100x1024xf32, #tpu.memory_space<hbm>> -> memref<1x1024xf32, #tpu.memory_space<hbm>>
          %dma_start3A_701 = tpu.memref_squeeze %dma_start3A_700 : memref<1x1024xf32, #tpu.memory_space<hbm>> -> memref<1024xf32, #tpu.memory_space<hbm>>
          tpu.enqueue_dma source(%dma_start3A_701 : memref<1024xf32, #tpu.memory_space<hbm>>) target(%arg8 : memref<1024xf32, #tpu.memory_space<vmem>>) target_semaphore(%run_scoped3A : memref<!tpu.dma_semaphore, #tpu.memory_space<semaphore_mem>>)
          %dma_wait3A_702 = arith.constant 0 : i32
          %dma_wait3A_703 = tpu.memref_slice %arg4[%sub3A_690, %dma_wait3A_702] : memref<100x1024xf32, #tpu.memory_space<hbm>> -> memref<1x1024xf32, #tpu.memory_space<hbm>>
          %dma_wait3A_704 = tpu.memref_squeeze %dma_wait3A_703 : memref<1x1024xf32, #tpu.memory_space<hbm>> -> memref<1024xf32, #tpu.memory_space<hbm>>
          %dma_wait3A_705 = arith.constant 0 : i32
          %dma_wait3A_706 = tpu.memref_slice %arg4[%sub3A_690, %dma_wait3A_705] : memref<100x1024xf32, #tpu.memory_space<hbm>> -> memref<1x1024xf32, #tpu.memory_space<hbm>>
          %dma_wait3A_707 = tpu.memref_squeeze %dma_wait3A_706 : memref<1x1024xf32, #tpu.memory_space<hbm>> -> memref<1024xf32, #tpu.memory_space<hbm>>
          tpu.wait_dma2 semaphore(%run_scoped3A : memref<!tpu.dma_semaphore, #tpu.memory_space<semaphore_mem>>) src(%dma_wait3A_707 : memref<1024xf32, #tpu.memory_space<hbm>>) dst(%arg8 : memref<1024xf32, #tpu.memory_space<vmem>>)
          tpu.yield
        }) : () -> ()
        %mul3A_691 = arith.constant 16 : i32
        %mul3A_692 = arith.muli %scan3A_577, %mul3A_691 : i32
        %add3A_693 = arith.addi %mul3A_32, %mul3A_692 : i32
        %add3A_694 = arith.constant 3 : i32
        %add3A_695 = arith.addi %add3A_693, %add3A_694 : i32
        "tpu.region"() ({
          %run_scoped3A = tpu.sem_alloc : memref<!tpu.dma_semaphore, #tpu.memory_space<semaphore_mem>>
          %dma_start3A_696 = arith.constant 0 : i32
          %dma_start3A_697 = tpu.memref_slice %arg5[%select_n3A, %add3A_695, %dma_start3A_696] : memref<4x2048x1024xf32, #tpu.memory_space<hbm>> -> memref<1x1x1024xf32, #tpu.memory_space<hbm>>
          %dma_start3A_698 = tpu.memref_squeeze %dma_start3A_697 : memref<1x1x1024xf32, #tpu.memory_space<hbm>> -> memref<1024xf32, #tpu.memory_space<hbm>>
          %dma_start3A_699 = arith.constant 0 : i32
          %dma_start3A_700 = tpu.memref_slice %arg5[%select_n3A, %add3A_695, %dma_start3A_699] : memref<4x2048x1024xf32, #tpu.memory_space<hbm>> -> memref<1x1x1024xf32, #tpu.memory_space<hbm>>
          %dma_start3A_701 = tpu.memref_squeeze %dma_start3A_700 : memref<1x1x1024xf32, #tpu.memory_space<hbm>> -> memref<1024xf32, #tpu.memory_space<hbm>>
          tpu.enqueue_dma source(%arg8 : memref<1024xf32, #tpu.memory_space<vmem>>) target(%dma_start3A_701 : memref<1024xf32, #tpu.memory_space<hbm>>) target_semaphore(%run_scoped3A : memref<!tpu.dma_semaphore, #tpu.memory_space<semaphore_mem>>)
          %dma_wait3A_702 = arith.constant 0 : i32
          %dma_wait3A_703 = tpu.memref_slice %arg5[%select_n3A, %add3A_695, %dma_wait3A_702] : memref<4x2048x1024xf32, #tpu.memory_space<hbm>> -> memref<1x1x1024xf32, #tpu.memory_space<hbm>>
          %dma_wait3A_704 = tpu.memref_squeeze %dma_wait3A_703 : memref<1x1x1024xf32, #tpu.memory_space<hbm>> -> memref<1024xf32, #tpu.memory_space<hbm>>
          %dma_wait3A_705 = arith.constant 0 : i32
          %dma_wait3A_706 = tpu.memref_slice %arg5[%select_n3A, %add3A_695, %dma_wait3A_705] : memref<4x2048x1024xf32, #tpu.memory_space<hbm>> -> memref<1x1x1024xf32, #tpu.memory_space<hbm>>
          %dma_wait3A_707 = tpu.memref_squeeze %dma_wait3A_706 : memref<1x1x1024xf32, #tpu.memory_space<hbm>> -> memref<1024xf32, #tpu.memory_space<hbm>>
          tpu.wait_dma2 semaphore(%run_scoped3A : memref<!tpu.dma_semaphore, #tpu.memory_space<semaphore_mem>>) src(%arg8 : memref<1024xf32, #tpu.memory_space<vmem>>) dst(%dma_wait3A_707 : memref<1024xf32, #tpu.memory_space<hbm>>)
          tpu.yield
        }) : () -> ()
      } else {
      }
      %slice3A_605 = vector.extract_strided_slice %get3A_581 {offsets = [4], sizes = [1], strides = [1]} : vector<16xi32> to vector<1xi32>
      %squeeze3A_606 = vector.extract %slice3A_605[0] : i32 from vector<1xi32>
      %ge3A_607 = arith.constant 32100 : i32
      %ge3A_608 = arith.cmpi sge, %squeeze3A_606, %ge3A_607 : i32
      %convert_element_type3A_609 = arith.extui %ge3A_608 : i1 to i32
      %cond3A_610 = arith.constant 0 : i32
      %cond3A_611 = arith.cmpi ne, %convert_element_type3A_609, %cond3A_610 : i32
      scf.if %cond3A_611 {
        %sub3A_689 = arith.constant 32100 : i32
        %sub3A_690 = arith.subi %squeeze3A_606, %sub3A_689 : i32
        "tpu.region"() ({
          %run_scoped3A = tpu.sem_alloc : memref<!tpu.dma_semaphore, #tpu.memory_space<semaphore_mem>>
          %dma_start3A_696 = arith.constant 0 : i32
          %dma_start3A_697 = tpu.memref_slice %arg4[%sub3A_690, %dma_start3A_696] : memref<100x1024xf32, #tpu.memory_space<hbm>> -> memref<1x1024xf32, #tpu.memory_space<hbm>>
          %dma_start3A_698 = tpu.memref_squeeze %dma_start3A_697 : memref<1x1024xf32, #tpu.memory_space<hbm>> -> memref<1024xf32, #tpu.memory_space<hbm>>
          %dma_start3A_699 = arith.constant 0 : i32
          %dma_start3A_700 = tpu.memref_slice %arg4[%sub3A_690, %dma_start3A_699] : memref<100x1024xf32, #tpu.memory_space<hbm>> -> memref<1x1024xf32, #tpu.memory_space<hbm>>
          %dma_start3A_701 = tpu.memref_squeeze %dma_start3A_700 : memref<1x1024xf32, #tpu.memory_space<hbm>> -> memref<1024xf32, #tpu.memory_space<hbm>>
          tpu.enqueue_dma source(%dma_start3A_701 : memref<1024xf32, #tpu.memory_space<hbm>>) target(%arg8 : memref<1024xf32, #tpu.memory_space<vmem>>) target_semaphore(%run_scoped3A : memref<!tpu.dma_semaphore, #tpu.memory_space<semaphore_mem>>)
          %dma_wait3A_702 = arith.constant 0 : i32
          %dma_wait3A_703 = tpu.memref_slice %arg4[%sub3A_690, %dma_wait3A_702] : memref<100x1024xf32, #tpu.memory_space<hbm>> -> memref<1x1024xf32, #tpu.memory_space<hbm>>
          %dma_wait3A_704 = tpu.memref_squeeze %dma_wait3A_703 : memref<1x1024xf32, #tpu.memory_space<hbm>> -> memref<1024xf32, #tpu.memory_space<hbm>>
          %dma_wait3A_705 = arith.constant 0 : i32
          %dma_wait3A_706 = tpu.memref_slice %arg4[%sub3A_690, %dma_wait3A_705] : memref<100x1024xf32, #tpu.memory_space<hbm>> -> memref<1x1024xf32, #tpu.memory_space<hbm>>
          %dma_wait3A_707 = tpu.memref_squeeze %dma_wait3A_706 : memref<1x1024xf32, #tpu.memory_space<hbm>> -> memref<1024xf32, #tpu.memory_space<hbm>>
          tpu.wait_dma2 semaphore(%run_scoped3A : memref<!tpu.dma_semaphore, #tpu.memory_space<semaphore_mem>>) src(%dma_wait3A_707 : memref<1024xf32, #tpu.memory_space<hbm>>) dst(%arg8 : memref<1024xf32, #tpu.memory_space<vmem>>)
          tpu.yield
        }) : () -> ()
        %mul3A_691 = arith.constant 16 : i32
        %mul3A_692 = arith.muli %scan3A_577, %mul3A_691 : i32
        %add3A_693 = arith.addi %mul3A_32, %mul3A_692 : i32
        %add3A_694 = arith.constant 4 : i32
        %add3A_695 = arith.addi %add3A_693, %add3A_694 : i32
        "tpu.region"() ({
          %run_scoped3A = tpu.sem_alloc : memref<!tpu.dma_semaphore, #tpu.memory_space<semaphore_mem>>
          %dma_start3A_696 = arith.constant 0 : i32
          %dma_start3A_697 = tpu.memref_slice %arg5[%select_n3A, %add3A_695, %dma_start3A_696] : memref<4x2048x1024xf32, #tpu.memory_space<hbm>> -> memref<1x1x1024xf32, #tpu.memory_space<hbm>>
          %dma_start3A_698 = tpu.memref_squeeze %dma_start3A_697 : memref<1x1x1024xf32, #tpu.memory_space<hbm>> -> memref<1024xf32, #tpu.memory_space<hbm>>
          %dma_start3A_699 = arith.constant 0 : i32
          %dma_start3A_700 = tpu.memref_slice %arg5[%select_n3A, %add3A_695, %dma_start3A_699] : memref<4x2048x1024xf32, #tpu.memory_space<hbm>> -> memref<1x1x1024xf32, #tpu.memory_space<hbm>>
          %dma_start3A_701 = tpu.memref_squeeze %dma_start3A_700 : memref<1x1x1024xf32, #tpu.memory_space<hbm>> -> memref<1024xf32, #tpu.memory_space<hbm>>
          tpu.enqueue_dma source(%arg8 : memref<1024xf32, #tpu.memory_space<vmem>>) target(%dma_start3A_701 : memref<1024xf32, #tpu.memory_space<hbm>>) target_semaphore(%run_scoped3A : memref<!tpu.dma_semaphore, #tpu.memory_space<semaphore_mem>>)
          %dma_wait3A_702 = arith.constant 0 : i32
          %dma_wait3A_703 = tpu.memref_slice %arg5[%select_n3A, %add3A_695, %dma_wait3A_702] : memref<4x2048x1024xf32, #tpu.memory_space<hbm>> -> memref<1x1x1024xf32, #tpu.memory_space<hbm>>
          %dma_wait3A_704 = tpu.memref_squeeze %dma_wait3A_703 : memref<1x1x1024xf32, #tpu.memory_space<hbm>> -> memref<1024xf32, #tpu.memory_space<hbm>>
          %dma_wait3A_705 = arith.constant 0 : i32
          %dma_wait3A_706 = tpu.memref_slice %arg5[%select_n3A, %add3A_695, %dma_wait3A_705] : memref<4x2048x1024xf32, #tpu.memory_space<hbm>> -> memref<1x1x1024xf32, #tpu.memory_space<hbm>>
          %dma_wait3A_707 = tpu.memref_squeeze %dma_wait3A_706 : memref<1x1x1024xf32, #tpu.memory_space<hbm>> -> memref<1024xf32, #tpu.memory_space<hbm>>
          tpu.wait_dma2 semaphore(%run_scoped3A : memref<!tpu.dma_semaphore, #tpu.memory_space<semaphore_mem>>) src(%arg8 : memref<1024xf32, #tpu.memory_space<vmem>>) dst(%dma_wait3A_707 : memref<1024xf32, #tpu.memory_space<hbm>>)
          tpu.yield
        }) : () -> ()
      } else {
      }
      %slice3A_612 = vector.extract_strided_slice %get3A_581 {offsets = [5], sizes = [1], strides = [1]} : vector<16xi32> to vector<1xi32>
      %squeeze3A_613 = vector.extract %slice3A_612[0] : i32 from vector<1xi32>
      %ge3A_614 = arith.constant 32100 : i32
      %ge3A_615 = arith.cmpi sge, %squeeze3A_613, %ge3A_614 : i32
      %convert_element_type3A_616 = arith.extui %ge3A_615 : i1 to i32
      %cond3A_617 = arith.constant 0 : i32
      %cond3A_618 = arith.cmpi ne, %convert_element_type3A_616, %cond3A_617 : i32
      scf.if %cond3A_618 {
        %sub3A_689 = arith.constant 32100 : i32
        %sub3A_690 = arith.subi %squeeze3A_613, %sub3A_689 : i32
        "tpu.region"() ({
          %run_scoped3A = tpu.sem_alloc : memref<!tpu.dma_semaphore, #tpu.memory_space<semaphore_mem>>
          %dma_start3A_696 = arith.constant 0 : i32
          %dma_start3A_697 = tpu.memref_slice %arg4[%sub3A_690, %dma_start3A_696] : memref<100x1024xf32, #tpu.memory_space<hbm>> -> memref<1x1024xf32, #tpu.memory_space<hbm>>
          %dma_start3A_698 = tpu.memref_squeeze %dma_start3A_697 : memref<1x1024xf32, #tpu.memory_space<hbm>> -> memref<1024xf32, #tpu.memory_space<hbm>>
          %dma_start3A_699 = arith.constant 0 : i32
          %dma_start3A_700 = tpu.memref_slice %arg4[%sub3A_690, %dma_start3A_699] : memref<100x1024xf32, #tpu.memory_space<hbm>> -> memref<1x1024xf32, #tpu.memory_space<hbm>>
          %dma_start3A_701 = tpu.memref_squeeze %dma_start3A_700 : memref<1x1024xf32, #tpu.memory_space<hbm>> -> memref<1024xf32, #tpu.memory_space<hbm>>
          tpu.enqueue_dma source(%dma_start3A_701 : memref<1024xf32, #tpu.memory_space<hbm>>) target(%arg8 : memref<1024xf32, #tpu.memory_space<vmem>>) target_semaphore(%run_scoped3A : memref<!tpu.dma_semaphore, #tpu.memory_space<semaphore_mem>>)
          %dma_wait3A_702 = arith.constant 0 : i32
          %dma_wait3A_703 = tpu.memref_slice %arg4[%sub3A_690, %dma_wait3A_702] : memref<100x1024xf32, #tpu.memory_space<hbm>> -> memref<1x1024xf32, #tpu.memory_space<hbm>>
          %dma_wait3A_704 = tpu.memref_squeeze %dma_wait3A_703 : memref<1x1024xf32, #tpu.memory_space<hbm>> -> memref<1024xf32, #tpu.memory_space<hbm>>
          %dma_wait3A_705 = arith.constant 0 : i32
          %dma_wait3A_706 = tpu.memref_slice %arg4[%sub3A_690, %dma_wait3A_705] : memref<100x1024xf32, #tpu.memory_space<hbm>> -> memref<1x1024xf32, #tpu.memory_space<hbm>>
          %dma_wait3A_707 = tpu.memref_squeeze %dma_wait3A_706 : memref<1x1024xf32, #tpu.memory_space<hbm>> -> memref<1024xf32, #tpu.memory_space<hbm>>
          tpu.wait_dma2 semaphore(%run_scoped3A : memref<!tpu.dma_semaphore, #tpu.memory_space<semaphore_mem>>) src(%dma_wait3A_707 : memref<1024xf32, #tpu.memory_space<hbm>>) dst(%arg8 : memref<1024xf32, #tpu.memory_space<vmem>>)
          tpu.yield
        }) : () -> ()
        %mul3A_691 = arith.constant 16 : i32
        %mul3A_692 = arith.muli %scan3A_577, %mul3A_691 : i32
        %add3A_693 = arith.addi %mul3A_32, %mul3A_692 : i32
        %add3A_694 = arith.constant 5 : i32
        %add3A_695 = arith.addi %add3A_693, %add3A_694 : i32
        "tpu.region"() ({
          %run_scoped3A = tpu.sem_alloc : memref<!tpu.dma_semaphore, #tpu.memory_space<semaphore_mem>>
          %dma_start3A_696 = arith.constant 0 : i32
          %dma_start3A_697 = tpu.memref_slice %arg5[%select_n3A, %add3A_695, %dma_start3A_696] : memref<4x2048x1024xf32, #tpu.memory_space<hbm>> -> memref<1x1x1024xf32, #tpu.memory_space<hbm>>
          %dma_start3A_698 = tpu.memref_squeeze %dma_start3A_697 : memref<1x1x1024xf32, #tpu.memory_space<hbm>> -> memref<1024xf32, #tpu.memory_space<hbm>>
          %dma_start3A_699 = arith.constant 0 : i32
          %dma_start3A_700 = tpu.memref_slice %arg5[%select_n3A, %add3A_695, %dma_start3A_699] : memref<4x2048x1024xf32, #tpu.memory_space<hbm>> -> memref<1x1x1024xf32, #tpu.memory_space<hbm>>
          %dma_start3A_701 = tpu.memref_squeeze %dma_start3A_700 : memref<1x1x1024xf32, #tpu.memory_space<hbm>> -> memref<1024xf32, #tpu.memory_space<hbm>>
          tpu.enqueue_dma source(%arg8 : memref<1024xf32, #tpu.memory_space<vmem>>) target(%dma_start3A_701 : memref<1024xf32, #tpu.memory_space<hbm>>) target_semaphore(%run_scoped3A : memref<!tpu.dma_semaphore, #tpu.memory_space<semaphore_mem>>)
          %dma_wait3A_702 = arith.constant 0 : i32
          %dma_wait3A_703 = tpu.memref_slice %arg5[%select_n3A, %add3A_695, %dma_wait3A_702] : memref<4x2048x1024xf32, #tpu.memory_space<hbm>> -> memref<1x1x1024xf32, #tpu.memory_space<hbm>>
          %dma_wait3A_704 = tpu.memref_squeeze %dma_wait3A_703 : memref<1x1x1024xf32, #tpu.memory_space<hbm>> -> memref<1024xf32, #tpu.memory_space<hbm>>
          %dma_wait3A_705 = arith.constant 0 : i32
          %dma_wait3A_706 = tpu.memref_slice %arg5[%select_n3A, %add3A_695, %dma_wait3A_705] : memref<4x2048x1024xf32, #tpu.memory_space<hbm>> -> memref<1x1x1024xf32, #tpu.memory_space<hbm>>
          %dma_wait3A_707 = tpu.memref_squeeze %dma_wait3A_706 : memref<1x1x1024xf32, #tpu.memory_space<hbm>> -> memref<1024xf32, #tpu.memory_space<hbm>>
          tpu.wait_dma2 semaphore(%run_scoped3A : memref<!tpu.dma_semaphore, #tpu.memory_space<semaphore_mem>>) src(%arg8 : memref<1024xf32, #tpu.memory_space<vmem>>) dst(%dma_wait3A_707 : memref<1024xf32, #tpu.memory_space<hbm>>)
          tpu.yield
        }) : () -> ()
      } else {
      }
      %slice3A_619 = vector.extract_strided_slice %get3A_581 {offsets = [6], sizes = [1], strides = [1]} : vector<16xi32> to vector<1xi32>
      %squeeze3A_620 = vector.extract %slice3A_619[0] : i32 from vector<1xi32>
      %ge3A_621 = arith.constant 32100 : i32
      %ge3A_622 = arith.cmpi sge, %squeeze3A_620, %ge3A_621 : i32
      %convert_element_type3A_623 = arith.extui %ge3A_622 : i1 to i32
      %cond3A_624 = arith.constant 0 : i32
      %cond3A_625 = arith.cmpi ne, %convert_element_type3A_623, %cond3A_624 : i32
      scf.if %cond3A_625 {
        %sub3A_689 = arith.constant 32100 : i32
        %sub3A_690 = arith.subi %squeeze3A_620, %sub3A_689 : i32
        "tpu.region"() ({
          %run_scoped3A = tpu.sem_alloc : memref<!tpu.dma_semaphore, #tpu.memory_space<semaphore_mem>>
          %dma_start3A_696 = arith.constant 0 : i32
          %dma_start3A_697 = tpu.memref_slice %arg4[%sub3A_690, %dma_start3A_696] : memref<100x1024xf32, #tpu.memory_space<hbm>> -> memref<1x1024xf32, #tpu.memory_space<hbm>>
          %dma_start3A_698 = tpu.memref_squeeze %dma_start3A_697 : memref<1x1024xf32, #tpu.memory_space<hbm>> -> memref<1024xf32, #tpu.memory_space<hbm>>
          %dma_start3A_699 = arith.constant 0 : i32
          %dma_start3A_700 = tpu.memref_slice %arg4[%sub3A_690, %dma_start3A_699] : memref<100x1024xf32, #tpu.memory_space<hbm>> -> memref<1x1024xf32, #tpu.memory_space<hbm>>
          %dma_start3A_701 = tpu.memref_squeeze %dma_start3A_700 : memref<1x1024xf32, #tpu.memory_space<hbm>> -> memref<1024xf32, #tpu.memory_space<hbm>>
          tpu.enqueue_dma source(%dma_start3A_701 : memref<1024xf32, #tpu.memory_space<hbm>>) target(%arg8 : memref<1024xf32, #tpu.memory_space<vmem>>) target_semaphore(%run_scoped3A : memref<!tpu.dma_semaphore, #tpu.memory_space<semaphore_mem>>)
          %dma_wait3A_702 = arith.constant 0 : i32
          %dma_wait3A_703 = tpu.memref_slice %arg4[%sub3A_690, %dma_wait3A_702] : memref<100x1024xf32, #tpu.memory_space<hbm>> -> memref<1x1024xf32, #tpu.memory_space<hbm>>
          %dma_wait3A_704 = tpu.memref_squeeze %dma_wait3A_703 : memref<1x1024xf32, #tpu.memory_space<hbm>> -> memref<1024xf32, #tpu.memory_space<hbm>>
          %dma_wait3A_705 = arith.constant 0 : i32
          %dma_wait3A_706 = tpu.memref_slice %arg4[%sub3A_690, %dma_wait3A_705] : memref<100x1024xf32, #tpu.memory_space<hbm>> -> memref<1x1024xf32, #tpu.memory_space<hbm>>
          %dma_wait3A_707 = tpu.memref_squeeze %dma_wait3A_706 : memref<1x1024xf32, #tpu.memory_space<hbm>> -> memref<1024xf32, #tpu.memory_space<hbm>>
          tpu.wait_dma2 semaphore(%run_scoped3A : memref<!tpu.dma_semaphore, #tpu.memory_space<semaphore_mem>>) src(%dma_wait3A_707 : memref<1024xf32, #tpu.memory_space<hbm>>) dst(%arg8 : memref<1024xf32, #tpu.memory_space<vmem>>)
          tpu.yield
        }) : () -> ()
        %mul3A_691 = arith.constant 16 : i32
        %mul3A_692 = arith.muli %scan3A_577, %mul3A_691 : i32
        %add3A_693 = arith.addi %mul3A_32, %mul3A_692 : i32
        %add3A_694 = arith.constant 6 : i32
        %add3A_695 = arith.addi %add3A_693, %add3A_694 : i32
        "tpu.region"() ({
          %run_scoped3A = tpu.sem_alloc : memref<!tpu.dma_semaphore, #tpu.memory_space<semaphore_mem>>
          %dma_start3A_696 = arith.constant 0 : i32
          %dma_start3A_697 = tpu.memref_slice %arg5[%select_n3A, %add3A_695, %dma_start3A_696] : memref<4x2048x1024xf32, #tpu.memory_space<hbm>> -> memref<1x1x1024xf32, #tpu.memory_space<hbm>>
          %dma_start3A_698 = tpu.memref_squeeze %dma_start3A_697 : memref<1x1x1024xf32, #tpu.memory_space<hbm>> -> memref<1024xf32, #tpu.memory_space<hbm>>
          %dma_start3A_699 = arith.constant 0 : i32
          %dma_start3A_700 = tpu.memref_slice %arg5[%select_n3A, %add3A_695, %dma_start3A_699] : memref<4x2048x1024xf32, #tpu.memory_space<hbm>> -> memref<1x1x1024xf32, #tpu.memory_space<hbm>>
          %dma_start3A_701 = tpu.memref_squeeze %dma_start3A_700 : memref<1x1x1024xf32, #tpu.memory_space<hbm>> -> memref<1024xf32, #tpu.memory_space<hbm>>
          tpu.enqueue_dma source(%arg8 : memref<1024xf32, #tpu.memory_space<vmem>>) target(%dma_start3A_701 : memref<1024xf32, #tpu.memory_space<hbm>>) target_semaphore(%run_scoped3A : memref<!tpu.dma_semaphore, #tpu.memory_space<semaphore_mem>>)
          %dma_wait3A_702 = arith.constant 0 : i32
          %dma_wait3A_703 = tpu.memref_slice %arg5[%select_n3A, %add3A_695, %dma_wait3A_702] : memref<4x2048x1024xf32, #tpu.memory_space<hbm>> -> memref<1x1x1024xf32, #tpu.memory_space<hbm>>
          %dma_wait3A_704 = tpu.memref_squeeze %dma_wait3A_703 : memref<1x1x1024xf32, #tpu.memory_space<hbm>> -> memref<1024xf32, #tpu.memory_space<hbm>>
          %dma_wait3A_705 = arith.constant 0 : i32
          %dma_wait3A_706 = tpu.memref_slice %arg5[%select_n3A, %add3A_695, %dma_wait3A_705] : memref<4x2048x1024xf32, #tpu.memory_space<hbm>> -> memref<1x1x1024xf32, #tpu.memory_space<hbm>>
          %dma_wait3A_707 = tpu.memref_squeeze %dma_wait3A_706 : memref<1x1x1024xf32, #tpu.memory_space<hbm>> -> memref<1024xf32, #tpu.memory_space<hbm>>
          tpu.wait_dma2 semaphore(%run_scoped3A : memref<!tpu.dma_semaphore, #tpu.memory_space<semaphore_mem>>) src(%arg8 : memref<1024xf32, #tpu.memory_space<vmem>>) dst(%dma_wait3A_707 : memref<1024xf32, #tpu.memory_space<hbm>>)
          tpu.yield
        }) : () -> ()
      } else {
      }
      %slice3A_626 = vector.extract_strided_slice %get3A_581 {offsets = [7], sizes = [1], strides = [1]} : vector<16xi32> to vector<1xi32>
      %squeeze3A_627 = vector.extract %slice3A_626[0] : i32 from vector<1xi32>
      %ge3A_628 = arith.constant 32100 : i32
      %ge3A_629 = arith.cmpi sge, %squeeze3A_627, %ge3A_628 : i32
      %convert_element_type3A_630 = arith.extui %ge3A_629 : i1 to i32
      %cond3A_631 = arith.constant 0 : i32
      %cond3A_632 = arith.cmpi ne, %convert_element_type3A_630, %cond3A_631 : i32
      scf.if %cond3A_632 {
        %sub3A_689 = arith.constant 32100 : i32
        %sub3A_690 = arith.subi %squeeze3A_627, %sub3A_689 : i32
        "tpu.region"() ({
          %run_scoped3A = tpu.sem_alloc : memref<!tpu.dma_semaphore, #tpu.memory_space<semaphore_mem>>
          %dma_start3A_696 = arith.constant 0 : i32
          %dma_start3A_697 = tpu.memref_slice %arg4[%sub3A_690, %dma_start3A_696] : memref<100x1024xf32, #tpu.memory_space<hbm>> -> memref<1x1024xf32, #tpu.memory_space<hbm>>
          %dma_start3A_698 = tpu.memref_squeeze %dma_start3A_697 : memref<1x1024xf32, #tpu.memory_space<hbm>> -> memref<1024xf32, #tpu.memory_space<hbm>>
          %dma_start3A_699 = arith.constant 0 : i32
          %dma_start3A_700 = tpu.memref_slice %arg4[%sub3A_690, %dma_start3A_699] : memref<100x1024xf32, #tpu.memory_space<hbm>> -> memref<1x1024xf32, #tpu.memory_space<hbm>>
          %dma_start3A_701 = tpu.memref_squeeze %dma_start3A_700 : memref<1x1024xf32, #tpu.memory_space<hbm>> -> memref<1024xf32, #tpu.memory_space<hbm>>
          tpu.enqueue_dma source(%dma_start3A_701 : memref<1024xf32, #tpu.memory_space<hbm>>) target(%arg8 : memref<1024xf32, #tpu.memory_space<vmem>>) target_semaphore(%run_scoped3A : memref<!tpu.dma_semaphore, #tpu.memory_space<semaphore_mem>>)
          %dma_wait3A_702 = arith.constant 0 : i32
          %dma_wait3A_703 = tpu.memref_slice %arg4[%sub3A_690, %dma_wait3A_702] : memref<100x1024xf32, #tpu.memory_space<hbm>> -> memref<1x1024xf32, #tpu.memory_space<hbm>>
          %dma_wait3A_704 = tpu.memref_squeeze %dma_wait3A_703 : memref<1x1024xf32, #tpu.memory_space<hbm>> -> memref<1024xf32, #tpu.memory_space<hbm>>
          %dma_wait3A_705 = arith.constant 0 : i32
          %dma_wait3A_706 = tpu.memref_slice %arg4[%sub3A_690, %dma_wait3A_705] : memref<100x1024xf32, #tpu.memory_space<hbm>> -> memref<1x1024xf32, #tpu.memory_space<hbm>>
          %dma_wait3A_707 = tpu.memref_squeeze %dma_wait3A_706 : memref<1x1024xf32, #tpu.memory_space<hbm>> -> memref<1024xf32, #tpu.memory_space<hbm>>
          tpu.wait_dma2 semaphore(%run_scoped3A : memref<!tpu.dma_semaphore, #tpu.memory_space<semaphore_mem>>) src(%dma_wait3A_707 : memref<1024xf32, #tpu.memory_space<hbm>>) dst(%arg8 : memref<1024xf32, #tpu.memory_space<vmem>>)
          tpu.yield
        }) : () -> ()
        %mul3A_691 = arith.constant 16 : i32
        %mul3A_692 = arith.muli %scan3A_577, %mul3A_691 : i32
        %add3A_693 = arith.addi %mul3A_32, %mul3A_692 : i32
        %add3A_694 = arith.constant 7 : i32
        %add3A_695 = arith.addi %add3A_693, %add3A_694 : i32
        "tpu.region"() ({
          %run_scoped3A = tpu.sem_alloc : memref<!tpu.dma_semaphore, #tpu.memory_space<semaphore_mem>>
          %dma_start3A_696 = arith.constant 0 : i32
          %dma_start3A_697 = tpu.memref_slice %arg5[%select_n3A, %add3A_695, %dma_start3A_696] : memref<4x2048x1024xf32, #tpu.memory_space<hbm>> -> memref<1x1x1024xf32, #tpu.memory_space<hbm>>
          %dma_start3A_698 = tpu.memref_squeeze %dma_start3A_697 : memref<1x1x1024xf32, #tpu.memory_space<hbm>> -> memref<1024xf32, #tpu.memory_space<hbm>>
          %dma_start3A_699 = arith.constant 0 : i32
          %dma_start3A_700 = tpu.memref_slice %arg5[%select_n3A, %add3A_695, %dma_start3A_699] : memref<4x2048x1024xf32, #tpu.memory_space<hbm>> -> memref<1x1x1024xf32, #tpu.memory_space<hbm>>
          %dma_start3A_701 = tpu.memref_squeeze %dma_start3A_700 : memref<1x1x1024xf32, #tpu.memory_space<hbm>> -> memref<1024xf32, #tpu.memory_space<hbm>>
          tpu.enqueue_dma source(%arg8 : memref<1024xf32, #tpu.memory_space<vmem>>) target(%dma_start3A_701 : memref<1024xf32, #tpu.memory_space<hbm>>) target_semaphore(%run_scoped3A : memref<!tpu.dma_semaphore, #tpu.memory_space<semaphore_mem>>)
          %dma_wait3A_702 = arith.constant 0 : i32
          %dma_wait3A_703 = tpu.memref_slice %arg5[%select_n3A, %add3A_695, %dma_wait3A_702] : memref<4x2048x1024xf32, #tpu.memory_space<hbm>> -> memref<1x1x1024xf32, #tpu.memory_space<hbm>>
          %dma_wait3A_704 = tpu.memref_squeeze %dma_wait3A_703 : memref<1x1x1024xf32, #tpu.memory_space<hbm>> -> memref<1024xf32, #tpu.memory_space<hbm>>
          %dma_wait3A_705 = arith.constant 0 : i32
          %dma_wait3A_706 = tpu.memref_slice %arg5[%select_n3A, %add3A_695, %dma_wait3A_705] : memref<4x2048x1024xf32, #tpu.memory_space<hbm>> -> memref<1x1x1024xf32, #tpu.memory_space<hbm>>
          %dma_wait3A_707 = tpu.memref_squeeze %dma_wait3A_706 : memref<1x1x1024xf32, #tpu.memory_space<hbm>> -> memref<1024xf32, #tpu.memory_space<hbm>>
          tpu.wait_dma2 semaphore(%run_scoped3A : memref<!tpu.dma_semaphore, #tpu.memory_space<semaphore_mem>>) src(%arg8 : memref<1024xf32, #tpu.memory_space<vmem>>) dst(%dma_wait3A_707 : memref<1024xf32, #tpu.memory_space<hbm>>)
          tpu.yield
        }) : () -> ()
      } else {
      }
      %slice3A_633 = vector.extract_strided_slice %get3A_581 {offsets = [8], sizes = [1], strides = [1]} : vector<16xi32> to vector<1xi32>
      %squeeze3A_634 = vector.extract %slice3A_633[0] : i32 from vector<1xi32>
      %ge3A_635 = arith.constant 32100 : i32
      %ge3A_636 = arith.cmpi sge, %squeeze3A_634, %ge3A_635 : i32
      %convert_element_type3A_637 = arith.extui %ge3A_636 : i1 to i32
      %cond3A_638 = arith.constant 0 : i32
      %cond3A_639 = arith.cmpi ne, %convert_element_type3A_637, %cond3A_638 : i32
      scf.if %cond3A_639 {
        %sub3A_689 = arith.constant 32100 : i32
        %sub3A_690 = arith.subi %squeeze3A_634, %sub3A_689 : i32
        "tpu.region"() ({
          %run_scoped3A = tpu.sem_alloc : memref<!tpu.dma_semaphore, #tpu.memory_space<semaphore_mem>>
          %dma_start3A_696 = arith.constant 0 : i32
          %dma_start3A_697 = tpu.memref_slice %arg4[%sub3A_690, %dma_start3A_696] : memref<100x1024xf32, #tpu.memory_space<hbm>> -> memref<1x1024xf32, #tpu.memory_space<hbm>>
          %dma_start3A_698 = tpu.memref_squeeze %dma_start3A_697 : memref<1x1024xf32, #tpu.memory_space<hbm>> -> memref<1024xf32, #tpu.memory_space<hbm>>
          %dma_start3A_699 = arith.constant 0 : i32
          %dma_start3A_700 = tpu.memref_slice %arg4[%sub3A_690, %dma_start3A_699] : memref<100x1024xf32, #tpu.memory_space<hbm>> -> memref<1x1024xf32, #tpu.memory_space<hbm>>
          %dma_start3A_701 = tpu.memref_squeeze %dma_start3A_700 : memref<1x1024xf32, #tpu.memory_space<hbm>> -> memref<1024xf32, #tpu.memory_space<hbm>>
          tpu.enqueue_dma source(%dma_start3A_701 : memref<1024xf32, #tpu.memory_space<hbm>>) target(%arg8 : memref<1024xf32, #tpu.memory_space<vmem>>) target_semaphore(%run_scoped3A : memref<!tpu.dma_semaphore, #tpu.memory_space<semaphore_mem>>)
          %dma_wait3A_702 = arith.constant 0 : i32
          %dma_wait3A_703 = tpu.memref_slice %arg4[%sub3A_690, %dma_wait3A_702] : memref<100x1024xf32, #tpu.memory_space<hbm>> -> memref<1x1024xf32, #tpu.memory_space<hbm>>
          %dma_wait3A_704 = tpu.memref_squeeze %dma_wait3A_703 : memref<1x1024xf32, #tpu.memory_space<hbm>> -> memref<1024xf32, #tpu.memory_space<hbm>>
          %dma_wait3A_705 = arith.constant 0 : i32
          %dma_wait3A_706 = tpu.memref_slice %arg4[%sub3A_690, %dma_wait3A_705] : memref<100x1024xf32, #tpu.memory_space<hbm>> -> memref<1x1024xf32, #tpu.memory_space<hbm>>
          %dma_wait3A_707 = tpu.memref_squeeze %dma_wait3A_706 : memref<1x1024xf32, #tpu.memory_space<hbm>> -> memref<1024xf32, #tpu.memory_space<hbm>>
          tpu.wait_dma2 semaphore(%run_scoped3A : memref<!tpu.dma_semaphore, #tpu.memory_space<semaphore_mem>>) src(%dma_wait3A_707 : memref<1024xf32, #tpu.memory_space<hbm>>) dst(%arg8 : memref<1024xf32, #tpu.memory_space<vmem>>)
          tpu.yield
        }) : () -> ()
        %mul3A_691 = arith.constant 16 : i32
        %mul3A_692 = arith.muli %scan3A_577, %mul3A_691 : i32
        %add3A_693 = arith.addi %mul3A_32, %mul3A_692 : i32
        %add3A_694 = arith.constant 8 : i32
        %add3A_695 = arith.addi %add3A_693, %add3A_694 : i32
        "tpu.region"() ({
          %run_scoped3A = tpu.sem_alloc : memref<!tpu.dma_semaphore, #tpu.memory_space<semaphore_mem>>
          %dma_start3A_696 = arith.constant 0 : i32
          %dma_start3A_697 = tpu.memref_slice %arg5[%select_n3A, %add3A_695, %dma_start3A_696] : memref<4x2048x1024xf32, #tpu.memory_space<hbm>> -> memref<1x1x1024xf32, #tpu.memory_space<hbm>>
          %dma_start3A_698 = tpu.memref_squeeze %dma_start3A_697 : memref<1x1x1024xf32, #tpu.memory_space<hbm>> -> memref<1024xf32, #tpu.memory_space<hbm>>
          %dma_start3A_699 = arith.constant 0 : i32
          %dma_start3A_700 = tpu.memref_slice %arg5[%select_n3A, %add3A_695, %dma_start3A_699] : memref<4x2048x1024xf32, #tpu.memory_space<hbm>> -> memref<1x1x1024xf32, #tpu.memory_space<hbm>>
          %dma_start3A_701 = tpu.memref_squeeze %dma_start3A_700 : memref<1x1x1024xf32, #tpu.memory_space<hbm>> -> memref<1024xf32, #tpu.memory_space<hbm>>
          tpu.enqueue_dma source(%arg8 : memref<1024xf32, #tpu.memory_space<vmem>>) target(%dma_start3A_701 : memref<1024xf32, #tpu.memory_space<hbm>>) target_semaphore(%run_scoped3A : memref<!tpu.dma_semaphore, #tpu.memory_space<semaphore_mem>>)
          %dma_wait3A_702 = arith.constant 0 : i32
          %dma_wait3A_703 = tpu.memref_slice %arg5[%select_n3A, %add3A_695, %dma_wait3A_702] : memref<4x2048x1024xf32, #tpu.memory_space<hbm>> -> memref<1x1x1024xf32, #tpu.memory_space<hbm>>
          %dma_wait3A_704 = tpu.memref_squeeze %dma_wait3A_703 : memref<1x1x1024xf32, #tpu.memory_space<hbm>> -> memref<1024xf32, #tpu.memory_space<hbm>>
          %dma_wait3A_705 = arith.constant 0 : i32
          %dma_wait3A_706 = tpu.memref_slice %arg5[%select_n3A, %add3A_695, %dma_wait3A_705] : memref<4x2048x1024xf32, #tpu.memory_space<hbm>> -> memref<1x1x1024xf32, #tpu.memory_space<hbm>>
          %dma_wait3A_707 = tpu.memref_squeeze %dma_wait3A_706 : memref<1x1x1024xf32, #tpu.memory_space<hbm>> -> memref<1024xf32, #tpu.memory_space<hbm>>
          tpu.wait_dma2 semaphore(%run_scoped3A : memref<!tpu.dma_semaphore, #tpu.memory_space<semaphore_mem>>) src(%arg8 : memref<1024xf32, #tpu.memory_space<vmem>>) dst(%dma_wait3A_707 : memref<1024xf32, #tpu.memory_space<hbm>>)
          tpu.yield
        }) : () -> ()
      } else {
      }
      %slice3A_640 = vector.extract_strided_slice %get3A_581 {offsets = [9], sizes = [1], strides = [1]} : vector<16xi32> to vector<1xi32>
      %squeeze3A_641 = vector.extract %slice3A_640[0] : i32 from vector<1xi32>
      %ge3A_642 = arith.constant 32100 : i32
      %ge3A_643 = arith.cmpi sge, %squeeze3A_641, %ge3A_642 : i32
      %convert_element_type3A_644 = arith.extui %ge3A_643 : i1 to i32
      %cond3A_645 = arith.constant 0 : i32
      %cond3A_646 = arith.cmpi ne, %convert_element_type3A_644, %cond3A_645 : i32
      scf.if %cond3A_646 {
        %sub3A_689 = arith.constant 32100 : i32
        %sub3A_690 = arith.subi %squeeze3A_641, %sub3A_689 : i32
        "tpu.region"() ({
          %run_scoped3A = tpu.sem_alloc : memref<!tpu.dma_semaphore, #tpu.memory_space<semaphore_mem>>
          %dma_start3A_696 = arith.constant 0 : i32
          %dma_start3A_697 = tpu.memref_slice %arg4[%sub3A_690, %dma_start3A_696] : memref<100x1024xf32, #tpu.memory_space<hbm>> -> memref<1x1024xf32, #tpu.memory_space<hbm>>
          %dma_start3A_698 = tpu.memref_squeeze %dma_start3A_697 : memref<1x1024xf32, #tpu.memory_space<hbm>> -> memref<1024xf32, #tpu.memory_space<hbm>>
          %dma_start3A_699 = arith.constant 0 : i32
          %dma_start3A_700 = tpu.memref_slice %arg4[%sub3A_690, %dma_start3A_699] : memref<100x1024xf32, #tpu.memory_space<hbm>> -> memref<1x1024xf32, #tpu.memory_space<hbm>>
          %dma_start3A_701 = tpu.memref_squeeze %dma_start3A_700 : memref<1x1024xf32, #tpu.memory_space<hbm>> -> memref<1024xf32, #tpu.memory_space<hbm>>
          tpu.enqueue_dma source(%dma_start3A_701 : memref<1024xf32, #tpu.memory_space<hbm>>) target(%arg8 : memref<1024xf32, #tpu.memory_space<vmem>>) target_semaphore(%run_scoped3A : memref<!tpu.dma_semaphore, #tpu.memory_space<semaphore_mem>>)
          %dma_wait3A_702 = arith.constant 0 : i32
          %dma_wait3A_703 = tpu.memref_slice %arg4[%sub3A_690, %dma_wait3A_702] : memref<100x1024xf32, #tpu.memory_space<hbm>> -> memref<1x1024xf32, #tpu.memory_space<hbm>>
          %dma_wait3A_704 = tpu.memref_squeeze %dma_wait3A_703 : memref<1x1024xf32, #tpu.memory_space<hbm>> -> memref<1024xf32, #tpu.memory_space<hbm>>
          %dma_wait3A_705 = arith.constant 0 : i32
          %dma_wait3A_706 = tpu.memref_slice %arg4[%sub3A_690, %dma_wait3A_705] : memref<100x1024xf32, #tpu.memory_space<hbm>> -> memref<1x1024xf32, #tpu.memory_space<hbm>>
          %dma_wait3A_707 = tpu.memref_squeeze %dma_wait3A_706 : memref<1x1024xf32, #tpu.memory_space<hbm>> -> memref<1024xf32, #tpu.memory_space<hbm>>
          tpu.wait_dma2 semaphore(%run_scoped3A : memref<!tpu.dma_semaphore, #tpu.memory_space<semaphore_mem>>) src(%dma_wait3A_707 : memref<1024xf32, #tpu.memory_space<hbm>>) dst(%arg8 : memref<1024xf32, #tpu.memory_space<vmem>>)
          tpu.yield
        }) : () -> ()
        %mul3A_691 = arith.constant 16 : i32
        %mul3A_692 = arith.muli %scan3A_577, %mul3A_691 : i32
        %add3A_693 = arith.addi %mul3A_32, %mul3A_692 : i32
        %add3A_694 = arith.constant 9 : i32
        %add3A_695 = arith.addi %add3A_693, %add3A_694 : i32
        "tpu.region"() ({
          %run_scoped3A = tpu.sem_alloc : memref<!tpu.dma_semaphore, #tpu.memory_space<semaphore_mem>>
          %dma_start3A_696 = arith.constant 0 : i32
          %dma_start3A_697 = tpu.memref_slice %arg5[%select_n3A, %add3A_695, %dma_start3A_696] : memref<4x2048x1024xf32, #tpu.memory_space<hbm>> -> memref<1x1x1024xf32, #tpu.memory_space<hbm>>
          %dma_start3A_698 = tpu.memref_squeeze %dma_start3A_697 : memref<1x1x1024xf32, #tpu.memory_space<hbm>> -> memref<1024xf32, #tpu.memory_space<hbm>>
          %dma_start3A_699 = arith.constant 0 : i32
          %dma_start3A_700 = tpu.memref_slice %arg5[%select_n3A, %add3A_695, %dma_start3A_699] : memref<4x2048x1024xf32, #tpu.memory_space<hbm>> -> memref<1x1x1024xf32, #tpu.memory_space<hbm>>
          %dma_start3A_701 = tpu.memref_squeeze %dma_start3A_700 : memref<1x1x1024xf32, #tpu.memory_space<hbm>> -> memref<1024xf32, #tpu.memory_space<hbm>>
          tpu.enqueue_dma source(%arg8 : memref<1024xf32, #tpu.memory_space<vmem>>) target(%dma_start3A_701 : memref<1024xf32, #tpu.memory_space<hbm>>) target_semaphore(%run_scoped3A : memref<!tpu.dma_semaphore, #tpu.memory_space<semaphore_mem>>)
          %dma_wait3A_702 = arith.constant 0 : i32
          %dma_wait3A_703 = tpu.memref_slice %arg5[%select_n3A, %add3A_695, %dma_wait3A_702] : memref<4x2048x1024xf32, #tpu.memory_space<hbm>> -> memref<1x1x1024xf32, #tpu.memory_space<hbm>>
          %dma_wait3A_704 = tpu.memref_squeeze %dma_wait3A_703 : memref<1x1x1024xf32, #tpu.memory_space<hbm>> -> memref<1024xf32, #tpu.memory_space<hbm>>
          %dma_wait3A_705 = arith.constant 0 : i32
          %dma_wait3A_706 = tpu.memref_slice %arg5[%select_n3A, %add3A_695, %dma_wait3A_705] : memref<4x2048x1024xf32, #tpu.memory_space<hbm>> -> memref<1x1x1024xf32, #tpu.memory_space<hbm>>
          %dma_wait3A_707 = tpu.memref_squeeze %dma_wait3A_706 : memref<1x1x1024xf32, #tpu.memory_space<hbm>> -> memref<1024xf32, #tpu.memory_space<hbm>>
          tpu.wait_dma2 semaphore(%run_scoped3A : memref<!tpu.dma_semaphore, #tpu.memory_space<semaphore_mem>>) src(%arg8 : memref<1024xf32, #tpu.memory_space<vmem>>) dst(%dma_wait3A_707 : memref<1024xf32, #tpu.memory_space<hbm>>)
          tpu.yield
        }) : () -> ()
      } else {
      }
      %slice3A_647 = vector.extract_strided_slice %get3A_581 {offsets = [10], sizes = [1], strides = [1]} : vector<16xi32> to vector<1xi32>
      %squeeze3A_648 = vector.extract %slice3A_647[0] : i32 from vector<1xi32>
      %ge3A_649 = arith.constant 32100 : i32
      %ge3A_650 = arith.cmpi sge, %squeeze3A_648, %ge3A_649 : i32
      %convert_element_type3A_651 = arith.extui %ge3A_650 : i1 to i32
      %cond3A_652 = arith.constant 0 : i32
      %cond3A_653 = arith.cmpi ne, %convert_element_type3A_651, %cond3A_652 : i32
      scf.if %cond3A_653 {
        %sub3A_689 = arith.constant 32100 : i32
        %sub3A_690 = arith.subi %squeeze3A_648, %sub3A_689 : i32
        "tpu.region"() ({
          %run_scoped3A = tpu.sem_alloc : memref<!tpu.dma_semaphore, #tpu.memory_space<semaphore_mem>>
          %dma_start3A_696 = arith.constant 0 : i32
          %dma_start3A_697 = tpu.memref_slice %arg4[%sub3A_690, %dma_start3A_696] : memref<100x1024xf32, #tpu.memory_space<hbm>> -> memref<1x1024xf32, #tpu.memory_space<hbm>>
          %dma_start3A_698 = tpu.memref_squeeze %dma_start3A_697 : memref<1x1024xf32, #tpu.memory_space<hbm>> -> memref<1024xf32, #tpu.memory_space<hbm>>
          %dma_start3A_699 = arith.constant 0 : i32
          %dma_start3A_700 = tpu.memref_slice %arg4[%sub3A_690, %dma_start3A_699] : memref<100x1024xf32, #tpu.memory_space<hbm>> -> memref<1x1024xf32, #tpu.memory_space<hbm>>
          %dma_start3A_701 = tpu.memref_squeeze %dma_start3A_700 : memref<1x1024xf32, #tpu.memory_space<hbm>> -> memref<1024xf32, #tpu.memory_space<hbm>>
          tpu.enqueue_dma source(%dma_start3A_701 : memref<1024xf32, #tpu.memory_space<hbm>>) target(%arg8 : memref<1024xf32, #tpu.memory_space<vmem>>) target_semaphore(%run_scoped3A : memref<!tpu.dma_semaphore, #tpu.memory_space<semaphore_mem>>)
          %dma_wait3A_702 = arith.constant 0 : i32
          %dma_wait3A_703 = tpu.memref_slice %arg4[%sub3A_690, %dma_wait3A_702] : memref<100x1024xf32, #tpu.memory_space<hbm>> -> memref<1x1024xf32, #tpu.memory_space<hbm>>
          %dma_wait3A_704 = tpu.memref_squeeze %dma_wait3A_703 : memref<1x1024xf32, #tpu.memory_space<hbm>> -> memref<1024xf32, #tpu.memory_space<hbm>>
          %dma_wait3A_705 = arith.constant 0 : i32
          %dma_wait3A_706 = tpu.memref_slice %arg4[%sub3A_690, %dma_wait3A_705] : memref<100x1024xf32, #tpu.memory_space<hbm>> -> memref<1x1024xf32, #tpu.memory_space<hbm>>
          %dma_wait3A_707 = tpu.memref_squeeze %dma_wait3A_706 : memref<1x1024xf32, #tpu.memory_space<hbm>> -> memref<1024xf32, #tpu.memory_space<hbm>>
          tpu.wait_dma2 semaphore(%run_scoped3A : memref<!tpu.dma_semaphore, #tpu.memory_space<semaphore_mem>>) src(%dma_wait3A_707 : memref<1024xf32, #tpu.memory_space<hbm>>) dst(%arg8 : memref<1024xf32, #tpu.memory_space<vmem>>)
          tpu.yield
        }) : () -> ()
        %mul3A_691 = arith.constant 16 : i32
        %mul3A_692 = arith.muli %scan3A_577, %mul3A_691 : i32
        %add3A_693 = arith.addi %mul3A_32, %mul3A_692 : i32
        %add3A_694 = arith.constant 10 : i32
        %add3A_695 = arith.addi %add3A_693, %add3A_694 : i32
        "tpu.region"() ({
          %run_scoped3A = tpu.sem_alloc : memref<!tpu.dma_semaphore, #tpu.memory_space<semaphore_mem>>
          %dma_start3A_696 = arith.constant 0 : i32
          %dma_start3A_697 = tpu.memref_slice %arg5[%select_n3A, %add3A_695, %dma_start3A_696] : memref<4x2048x1024xf32, #tpu.memory_space<hbm>> -> memref<1x1x1024xf32, #tpu.memory_space<hbm>>
          %dma_start3A_698 = tpu.memref_squeeze %dma_start3A_697 : memref<1x1x1024xf32, #tpu.memory_space<hbm>> -> memref<1024xf32, #tpu.memory_space<hbm>>
          %dma_start3A_699 = arith.constant 0 : i32
          %dma_start3A_700 = tpu.memref_slice %arg5[%select_n3A, %add3A_695, %dma_start3A_699] : memref<4x2048x1024xf32, #tpu.memory_space<hbm>> -> memref<1x1x1024xf32, #tpu.memory_space<hbm>>
          %dma_start3A_701 = tpu.memref_squeeze %dma_start3A_700 : memref<1x1x1024xf32, #tpu.memory_space<hbm>> -> memref<1024xf32, #tpu.memory_space<hbm>>
          tpu.enqueue_dma source(%arg8 : memref<1024xf32, #tpu.memory_space<vmem>>) target(%dma_start3A_701 : memref<1024xf32, #tpu.memory_space<hbm>>) target_semaphore(%run_scoped3A : memref<!tpu.dma_semaphore, #tpu.memory_space<semaphore_mem>>)
          %dma_wait3A_702 = arith.constant 0 : i32
          %dma_wait3A_703 = tpu.memref_slice %arg5[%select_n3A, %add3A_695, %dma_wait3A_702] : memref<4x2048x1024xf32, #tpu.memory_space<hbm>> -> memref<1x1x1024xf32, #tpu.memory_space<hbm>>
          %dma_wait3A_704 = tpu.memref_squeeze %dma_wait3A_703 : memref<1x1x1024xf32, #tpu.memory_space<hbm>> -> memref<1024xf32, #tpu.memory_space<hbm>>
          %dma_wait3A_705 = arith.constant 0 : i32
          %dma_wait3A_706 = tpu.memref_slice %arg5[%select_n3A, %add3A_695, %dma_wait3A_705] : memref<4x2048x1024xf32, #tpu.memory_space<hbm>> -> memref<1x1x1024xf32, #tpu.memory_space<hbm>>
          %dma_wait3A_707 = tpu.memref_squeeze %dma_wait3A_706 : memref<1x1x1024xf32, #tpu.memory_space<hbm>> -> memref<1024xf32, #tpu.memory_space<hbm>>
          tpu.wait_dma2 semaphore(%run_scoped3A : memref<!tpu.dma_semaphore, #tpu.memory_space<semaphore_mem>>) src(%arg8 : memref<1024xf32, #tpu.memory_space<vmem>>) dst(%dma_wait3A_707 : memref<1024xf32, #tpu.memory_space<hbm>>)
          tpu.yield
        }) : () -> ()
      } else {
      }
      %slice3A_654 = vector.extract_strided_slice %get3A_581 {offsets = [11], sizes = [1], strides = [1]} : vector<16xi32> to vector<1xi32>
      %squeeze3A_655 = vector.extract %slice3A_654[0] : i32 from vector<1xi32>
      %ge3A_656 = arith.constant 32100 : i32
      %ge3A_657 = arith.cmpi sge, %squeeze3A_655, %ge3A_656 : i32
      %convert_element_type3A_658 = arith.extui %ge3A_657 : i1 to i32
      %cond3A_659 = arith.constant 0 : i32
      %cond3A_660 = arith.cmpi ne, %convert_element_type3A_658, %cond3A_659 : i32
      scf.if %cond3A_660 {
        %sub3A_689 = arith.constant 32100 : i32
        %sub3A_690 = arith.subi %squeeze3A_655, %sub3A_689 : i32
        "tpu.region"() ({
          %run_scoped3A = tpu.sem_alloc : memref<!tpu.dma_semaphore, #tpu.memory_space<semaphore_mem>>
          %dma_start3A_696 = arith.constant 0 : i32
          %dma_start3A_697 = tpu.memref_slice %arg4[%sub3A_690, %dma_start3A_696] : memref<100x1024xf32, #tpu.memory_space<hbm>> -> memref<1x1024xf32, #tpu.memory_space<hbm>>
          %dma_start3A_698 = tpu.memref_squeeze %dma_start3A_697 : memref<1x1024xf32, #tpu.memory_space<hbm>> -> memref<1024xf32, #tpu.memory_space<hbm>>
          %dma_start3A_699 = arith.constant 0 : i32
          %dma_start3A_700 = tpu.memref_slice %arg4[%sub3A_690, %dma_start3A_699] : memref<100x1024xf32, #tpu.memory_space<hbm>> -> memref<1x1024xf32, #tpu.memory_space<hbm>>
          %dma_start3A_701 = tpu.memref_squeeze %dma_start3A_700 : memref<1x1024xf32, #tpu.memory_space<hbm>> -> memref<1024xf32, #tpu.memory_space<hbm>>
          tpu.enqueue_dma source(%dma_start3A_701 : memref<1024xf32, #tpu.memory_space<hbm>>) target(%arg8 : memref<1024xf32, #tpu.memory_space<vmem>>) target_semaphore(%run_scoped3A : memref<!tpu.dma_semaphore, #tpu.memory_space<semaphore_mem>>)
          %dma_wait3A_702 = arith.constant 0 : i32
          %dma_wait3A_703 = tpu.memref_slice %arg4[%sub3A_690, %dma_wait3A_702] : memref<100x1024xf32, #tpu.memory_space<hbm>> -> memref<1x1024xf32, #tpu.memory_space<hbm>>
          %dma_wait3A_704 = tpu.memref_squeeze %dma_wait3A_703 : memref<1x1024xf32, #tpu.memory_space<hbm>> -> memref<1024xf32, #tpu.memory_space<hbm>>
          %dma_wait3A_705 = arith.constant 0 : i32
          %dma_wait3A_706 = tpu.memref_slice %arg4[%sub3A_690, %dma_wait3A_705] : memref<100x1024xf32, #tpu.memory_space<hbm>> -> memref<1x1024xf32, #tpu.memory_space<hbm>>
          %dma_wait3A_707 = tpu.memref_squeeze %dma_wait3A_706 : memref<1x1024xf32, #tpu.memory_space<hbm>> -> memref<1024xf32, #tpu.memory_space<hbm>>
          tpu.wait_dma2 semaphore(%run_scoped3A : memref<!tpu.dma_semaphore, #tpu.memory_space<semaphore_mem>>) src(%dma_wait3A_707 : memref<1024xf32, #tpu.memory_space<hbm>>) dst(%arg8 : memref<1024xf32, #tpu.memory_space<vmem>>)
          tpu.yield
        }) : () -> ()
        %mul3A_691 = arith.constant 16 : i32
        %mul3A_692 = arith.muli %scan3A_577, %mul3A_691 : i32
        %add3A_693 = arith.addi %mul3A_32, %mul3A_692 : i32
        %add3A_694 = arith.constant 11 : i32
        %add3A_695 = arith.addi %add3A_693, %add3A_694 : i32
        "tpu.region"() ({
          %run_scoped3A = tpu.sem_alloc : memref<!tpu.dma_semaphore, #tpu.memory_space<semaphore_mem>>
          %dma_start3A_696 = arith.constant 0 : i32
          %dma_start3A_697 = tpu.memref_slice %arg5[%select_n3A, %add3A_695, %dma_start3A_696] : memref<4x2048x1024xf32, #tpu.memory_space<hbm>> -> memref<1x1x1024xf32, #tpu.memory_space<hbm>>
          %dma_start3A_698 = tpu.memref_squeeze %dma_start3A_697 : memref<1x1x1024xf32, #tpu.memory_space<hbm>> -> memref<1024xf32, #tpu.memory_space<hbm>>
          %dma_start3A_699 = arith.constant 0 : i32
          %dma_start3A_700 = tpu.memref_slice %arg5[%select_n3A, %add3A_695, %dma_start3A_699] : memref<4x2048x1024xf32, #tpu.memory_space<hbm>> -> memref<1x1x1024xf32, #tpu.memory_space<hbm>>
          %dma_start3A_701 = tpu.memref_squeeze %dma_start3A_700 : memref<1x1x1024xf32, #tpu.memory_space<hbm>> -> memref<1024xf32, #tpu.memory_space<hbm>>
          tpu.enqueue_dma source(%arg8 : memref<1024xf32, #tpu.memory_space<vmem>>) target(%dma_start3A_701 : memref<1024xf32, #tpu.memory_space<hbm>>) target_semaphore(%run_scoped3A : memref<!tpu.dma_semaphore, #tpu.memory_space<semaphore_mem>>)
          %dma_wait3A_702 = arith.constant 0 : i32
          %dma_wait3A_703 = tpu.memref_slice %arg5[%select_n3A, %add3A_695, %dma_wait3A_702] : memref<4x2048x1024xf32, #tpu.memory_space<hbm>> -> memref<1x1x1024xf32, #tpu.memory_space<hbm>>
          %dma_wait3A_704 = tpu.memref_squeeze %dma_wait3A_703 : memref<1x1x1024xf32, #tpu.memory_space<hbm>> -> memref<1024xf32, #tpu.memory_space<hbm>>
          %dma_wait3A_705 = arith.constant 0 : i32
          %dma_wait3A_706 = tpu.memref_slice %arg5[%select_n3A, %add3A_695, %dma_wait3A_705] : memref<4x2048x1024xf32, #tpu.memory_space<hbm>> -> memref<1x1x1024xf32, #tpu.memory_space<hbm>>
          %dma_wait3A_707 = tpu.memref_squeeze %dma_wait3A_706 : memref<1x1x1024xf32, #tpu.memory_space<hbm>> -> memref<1024xf32, #tpu.memory_space<hbm>>
          tpu.wait_dma2 semaphore(%run_scoped3A : memref<!tpu.dma_semaphore, #tpu.memory_space<semaphore_mem>>) src(%arg8 : memref<1024xf32, #tpu.memory_space<vmem>>) dst(%dma_wait3A_707 : memref<1024xf32, #tpu.memory_space<hbm>>)
          tpu.yield
        }) : () -> ()
      } else {
      }
      %slice3A_661 = vector.extract_strided_slice %get3A_581 {offsets = [12], sizes = [1], strides = [1]} : vector<16xi32> to vector<1xi32>
      %squeeze3A_662 = vector.extract %slice3A_661[0] : i32 from vector<1xi32>
      %ge3A_663 = arith.constant 32100 : i32
      %ge3A_664 = arith.cmpi sge, %squeeze3A_662, %ge3A_663 : i32
      %convert_element_type3A_665 = arith.extui %ge3A_664 : i1 to i32
      %cond3A_666 = arith.constant 0 : i32
      %cond3A_667 = arith.cmpi ne, %convert_element_type3A_665, %cond3A_666 : i32
      scf.if %cond3A_667 {
        %sub3A_689 = arith.constant 32100 : i32
        %sub3A_690 = arith.subi %squeeze3A_662, %sub3A_689 : i32
        "tpu.region"() ({
          %run_scoped3A = tpu.sem_alloc : memref<!tpu.dma_semaphore, #tpu.memory_space<semaphore_mem>>
          %dma_start3A_696 = arith.constant 0 : i32
          %dma_start3A_697 = tpu.memref_slice %arg4[%sub3A_690, %dma_start3A_696] : memref<100x1024xf32, #tpu.memory_space<hbm>> -> memref<1x1024xf32, #tpu.memory_space<hbm>>
          %dma_start3A_698 = tpu.memref_squeeze %dma_start3A_697 : memref<1x1024xf32, #tpu.memory_space<hbm>> -> memref<1024xf32, #tpu.memory_space<hbm>>
          %dma_start3A_699 = arith.constant 0 : i32
          %dma_start3A_700 = tpu.memref_slice %arg4[%sub3A_690, %dma_start3A_699] : memref<100x1024xf32, #tpu.memory_space<hbm>> -> memref<1x1024xf32, #tpu.memory_space<hbm>>
          %dma_start3A_701 = tpu.memref_squeeze %dma_start3A_700 : memref<1x1024xf32, #tpu.memory_space<hbm>> -> memref<1024xf32, #tpu.memory_space<hbm>>
          tpu.enqueue_dma source(%dma_start3A_701 : memref<1024xf32, #tpu.memory_space<hbm>>) target(%arg8 : memref<1024xf32, #tpu.memory_space<vmem>>) target_semaphore(%run_scoped3A : memref<!tpu.dma_semaphore, #tpu.memory_space<semaphore_mem>>)
          %dma_wait3A_702 = arith.constant 0 : i32
          %dma_wait3A_703 = tpu.memref_slice %arg4[%sub3A_690, %dma_wait3A_702] : memref<100x1024xf32, #tpu.memory_space<hbm>> -> memref<1x1024xf32, #tpu.memory_space<hbm>>
          %dma_wait3A_704 = tpu.memref_squeeze %dma_wait3A_703 : memref<1x1024xf32, #tpu.memory_space<hbm>> -> memref<1024xf32, #tpu.memory_space<hbm>>
          %dma_wait3A_705 = arith.constant 0 : i32
          %dma_wait3A_706 = tpu.memref_slice %arg4[%sub3A_690, %dma_wait3A_705] : memref<100x1024xf32, #tpu.memory_space<hbm>> -> memref<1x1024xf32, #tpu.memory_space<hbm>>
          %dma_wait3A_707 = tpu.memref_squeeze %dma_wait3A_706 : memref<1x1024xf32, #tpu.memory_space<hbm>> -> memref<1024xf32, #tpu.memory_space<hbm>>
          tpu.wait_dma2 semaphore(%run_scoped3A : memref<!tpu.dma_semaphore, #tpu.memory_space<semaphore_mem>>) src(%dma_wait3A_707 : memref<1024xf32, #tpu.memory_space<hbm>>) dst(%arg8 : memref<1024xf32, #tpu.memory_space<vmem>>)
          tpu.yield
        }) : () -> ()
        %mul3A_691 = arith.constant 16 : i32
        %mul3A_692 = arith.muli %scan3A_577, %mul3A_691 : i32
        %add3A_693 = arith.addi %mul3A_32, %mul3A_692 : i32
        %add3A_694 = arith.constant 12 : i32
        %add3A_695 = arith.addi %add3A_693, %add3A_694 : i32
        "tpu.region"() ({
          %run_scoped3A = tpu.sem_alloc : memref<!tpu.dma_semaphore, #tpu.memory_space<semaphore_mem>>
          %dma_start3A_696 = arith.constant 0 : i32
          %dma_start3A_697 = tpu.memref_slice %arg5[%select_n3A, %add3A_695, %dma_start3A_696] : memref<4x2048x1024xf32, #tpu.memory_space<hbm>> -> memref<1x1x1024xf32, #tpu.memory_space<hbm>>
          %dma_start3A_698 = tpu.memref_squeeze %dma_start3A_697 : memref<1x1x1024xf32, #tpu.memory_space<hbm>> -> memref<1024xf32, #tpu.memory_space<hbm>>
          %dma_start3A_699 = arith.constant 0 : i32
          %dma_start3A_700 = tpu.memref_slice %arg5[%select_n3A, %add3A_695, %dma_start3A_699] : memref<4x2048x1024xf32, #tpu.memory_space<hbm>> -> memref<1x1x1024xf32, #tpu.memory_space<hbm>>
          %dma_start3A_701 = tpu.memref_squeeze %dma_start3A_700 : memref<1x1x1024xf32, #tpu.memory_space<hbm>> -> memref<1024xf32, #tpu.memory_space<hbm>>
          tpu.enqueue_dma source(%arg8 : memref<1024xf32, #tpu.memory_space<vmem>>) target(%dma_start3A_701 : memref<1024xf32, #tpu.memory_space<hbm>>) target_semaphore(%run_scoped3A : memref<!tpu.dma_semaphore, #tpu.memory_space<semaphore_mem>>)
          %dma_wait3A_702 = arith.constant 0 : i32
          %dma_wait3A_703 = tpu.memref_slice %arg5[%select_n3A, %add3A_695, %dma_wait3A_702] : memref<4x2048x1024xf32, #tpu.memory_space<hbm>> -> memref<1x1x1024xf32, #tpu.memory_space<hbm>>
          %dma_wait3A_704 = tpu.memref_squeeze %dma_wait3A_703 : memref<1x1x1024xf32, #tpu.memory_space<hbm>> -> memref<1024xf32, #tpu.memory_space<hbm>>
          %dma_wait3A_705 = arith.constant 0 : i32
          %dma_wait3A_706 = tpu.memref_slice %arg5[%select_n3A, %add3A_695, %dma_wait3A_705] : memref<4x2048x1024xf32, #tpu.memory_space<hbm>> -> memref<1x1x1024xf32, #tpu.memory_space<hbm>>
          %dma_wait3A_707 = tpu.memref_squeeze %dma_wait3A_706 : memref<1x1x1024xf32, #tpu.memory_space<hbm>> -> memref<1024xf32, #tpu.memory_space<hbm>>
          tpu.wait_dma2 semaphore(%run_scoped3A : memref<!tpu.dma_semaphore, #tpu.memory_space<semaphore_mem>>) src(%arg8 : memref<1024xf32, #tpu.memory_space<vmem>>) dst(%dma_wait3A_707 : memref<1024xf32, #tpu.memory_space<hbm>>)
          tpu.yield
        }) : () -> ()
      } else {
      }
      %slice3A_668 = vector.extract_strided_slice %get3A_581 {offsets = [13], sizes = [1], strides = [1]} : vector<16xi32> to vector<1xi32>
      %squeeze3A_669 = vector.extract %slice3A_668[0] : i32 from vector<1xi32>
      %ge3A_670 = arith.constant 32100 : i32
      %ge3A_671 = arith.cmpi sge, %squeeze3A_669, %ge3A_670 : i32
      %convert_element_type3A_672 = arith.extui %ge3A_671 : i1 to i32
      %cond3A_673 = arith.constant 0 : i32
      %cond3A_674 = arith.cmpi ne, %convert_element_type3A_672, %cond3A_673 : i32
      scf.if %cond3A_674 {
        %sub3A_689 = arith.constant 32100 : i32
        %sub3A_690 = arith.subi %squeeze3A_669, %sub3A_689 : i32
        "tpu.region"() ({
          %run_scoped3A = tpu.sem_alloc : memref<!tpu.dma_semaphore, #tpu.memory_space<semaphore_mem>>
          %dma_start3A_696 = arith.constant 0 : i32
          %dma_start3A_697 = tpu.memref_slice %arg4[%sub3A_690, %dma_start3A_696] : memref<100x1024xf32, #tpu.memory_space<hbm>> -> memref<1x1024xf32, #tpu.memory_space<hbm>>
          %dma_start3A_698 = tpu.memref_squeeze %dma_start3A_697 : memref<1x1024xf32, #tpu.memory_space<hbm>> -> memref<1024xf32, #tpu.memory_space<hbm>>
          %dma_start3A_699 = arith.constant 0 : i32
          %dma_start3A_700 = tpu.memref_slice %arg4[%sub3A_690, %dma_start3A_699] : memref<100x1024xf32, #tpu.memory_space<hbm>> -> memref<1x1024xf32, #tpu.memory_space<hbm>>
          %dma_start3A_701 = tpu.memref_squeeze %dma_start3A_700 : memref<1x1024xf32, #tpu.memory_space<hbm>> -> memref<1024xf32, #tpu.memory_space<hbm>>
          tpu.enqueue_dma source(%dma_start3A_701 : memref<1024xf32, #tpu.memory_space<hbm>>) target(%arg8 : memref<1024xf32, #tpu.memory_space<vmem>>) target_semaphore(%run_scoped3A : memref<!tpu.dma_semaphore, #tpu.memory_space<semaphore_mem>>)
          %dma_wait3A_702 = arith.constant 0 : i32
          %dma_wait3A_703 = tpu.memref_slice %arg4[%sub3A_690, %dma_wait3A_702] : memref<100x1024xf32, #tpu.memory_space<hbm>> -> memref<1x1024xf32, #tpu.memory_space<hbm>>
          %dma_wait3A_704 = tpu.memref_squeeze %dma_wait3A_703 : memref<1x1024xf32, #tpu.memory_space<hbm>> -> memref<1024xf32, #tpu.memory_space<hbm>>
          %dma_wait3A_705 = arith.constant 0 : i32
          %dma_wait3A_706 = tpu.memref_slice %arg4[%sub3A_690, %dma_wait3A_705] : memref<100x1024xf32, #tpu.memory_space<hbm>> -> memref<1x1024xf32, #tpu.memory_space<hbm>>
          %dma_wait3A_707 = tpu.memref_squeeze %dma_wait3A_706 : memref<1x1024xf32, #tpu.memory_space<hbm>> -> memref<1024xf32, #tpu.memory_space<hbm>>
          tpu.wait_dma2 semaphore(%run_scoped3A : memref<!tpu.dma_semaphore, #tpu.memory_space<semaphore_mem>>) src(%dma_wait3A_707 : memref<1024xf32, #tpu.memory_space<hbm>>) dst(%arg8 : memref<1024xf32, #tpu.memory_space<vmem>>)
          tpu.yield
        }) : () -> ()
        %mul3A_691 = arith.constant 16 : i32
        %mul3A_692 = arith.muli %scan3A_577, %mul3A_691 : i32
        %add3A_693 = arith.addi %mul3A_32, %mul3A_692 : i32
        %add3A_694 = arith.constant 13 : i32
        %add3A_695 = arith.addi %add3A_693, %add3A_694 : i32
        "tpu.region"() ({
          %run_scoped3A = tpu.sem_alloc : memref<!tpu.dma_semaphore, #tpu.memory_space<semaphore_mem>>
          %dma_start3A_696 = arith.constant 0 : i32
          %dma_start3A_697 = tpu.memref_slice %arg5[%select_n3A, %add3A_695, %dma_start3A_696] : memref<4x2048x1024xf32, #tpu.memory_space<hbm>> -> memref<1x1x1024xf32, #tpu.memory_space<hbm>>
          %dma_start3A_698 = tpu.memref_squeeze %dma_start3A_697 : memref<1x1x1024xf32, #tpu.memory_space<hbm>> -> memref<1024xf32, #tpu.memory_space<hbm>>
          %dma_start3A_699 = arith.constant 0 : i32
          %dma_start3A_700 = tpu.memref_slice %arg5[%select_n3A, %add3A_695, %dma_start3A_699] : memref<4x2048x1024xf32, #tpu.memory_space<hbm>> -> memref<1x1x1024xf32, #tpu.memory_space<hbm>>
          %dma_start3A_701 = tpu.memref_squeeze %dma_start3A_700 : memref<1x1x1024xf32, #tpu.memory_space<hbm>> -> memref<1024xf32, #tpu.memory_space<hbm>>
          tpu.enqueue_dma source(%arg8 : memref<1024xf32, #tpu.memory_space<vmem>>) target(%dma_start3A_701 : memref<1024xf32, #tpu.memory_space<hbm>>) target_semaphore(%run_scoped3A : memref<!tpu.dma_semaphore, #tpu.memory_space<semaphore_mem>>)
          %dma_wait3A_702 = arith.constant 0 : i32
          %dma_wait3A_703 = tpu.memref_slice %arg5[%select_n3A, %add3A_695, %dma_wait3A_702] : memref<4x2048x1024xf32, #tpu.memory_space<hbm>> -> memref<1x1x1024xf32, #tpu.memory_space<hbm>>
          %dma_wait3A_704 = tpu.memref_squeeze %dma_wait3A_703 : memref<1x1x1024xf32, #tpu.memory_space<hbm>> -> memref<1024xf32, #tpu.memory_space<hbm>>
          %dma_wait3A_705 = arith.constant 0 : i32
          %dma_wait3A_706 = tpu.memref_slice %arg5[%select_n3A, %add3A_695, %dma_wait3A_705] : memref<4x2048x1024xf32, #tpu.memory_space<hbm>> -> memref<1x1x1024xf32, #tpu.memory_space<hbm>>
          %dma_wait3A_707 = tpu.memref_squeeze %dma_wait3A_706 : memref<1x1x1024xf32, #tpu.memory_space<hbm>> -> memref<1024xf32, #tpu.memory_space<hbm>>
          tpu.wait_dma2 semaphore(%run_scoped3A : memref<!tpu.dma_semaphore, #tpu.memory_space<semaphore_mem>>) src(%arg8 : memref<1024xf32, #tpu.memory_space<vmem>>) dst(%dma_wait3A_707 : memref<1024xf32, #tpu.memory_space<hbm>>)
          tpu.yield
        }) : () -> ()
      } else {
      }
      %slice3A_675 = vector.extract_strided_slice %get3A_581 {offsets = [14], sizes = [1], strides = [1]} : vector<16xi32> to vector<1xi32>
      %squeeze3A_676 = vector.extract %slice3A_675[0] : i32 from vector<1xi32>
      %ge3A_677 = arith.constant 32100 : i32
      %ge3A_678 = arith.cmpi sge, %squeeze3A_676, %ge3A_677 : i32
      %convert_element_type3A_679 = arith.extui %ge3A_678 : i1 to i32
      %cond3A_680 = arith.constant 0 : i32
      %cond3A_681 = arith.cmpi ne, %convert_element_type3A_679, %cond3A_680 : i32
      scf.if %cond3A_681 {
        %sub3A_689 = arith.constant 32100 : i32
        %sub3A_690 = arith.subi %squeeze3A_676, %sub3A_689 : i32
        "tpu.region"() ({
          %run_scoped3A = tpu.sem_alloc : memref<!tpu.dma_semaphore, #tpu.memory_space<semaphore_mem>>
          %dma_start3A_696 = arith.constant 0 : i32
          %dma_start3A_697 = tpu.memref_slice %arg4[%sub3A_690, %dma_start3A_696] : memref<100x1024xf32, #tpu.memory_space<hbm>> -> memref<1x1024xf32, #tpu.memory_space<hbm>>
          %dma_start3A_698 = tpu.memref_squeeze %dma_start3A_697 : memref<1x1024xf32, #tpu.memory_space<hbm>> -> memref<1024xf32, #tpu.memory_space<hbm>>
          %dma_start3A_699 = arith.constant 0 : i32
          %dma_start3A_700 = tpu.memref_slice %arg4[%sub3A_690, %dma_start3A_699] : memref<100x1024xf32, #tpu.memory_space<hbm>> -> memref<1x1024xf32, #tpu.memory_space<hbm>>
          %dma_start3A_701 = tpu.memref_squeeze %dma_start3A_700 : memref<1x1024xf32, #tpu.memory_space<hbm>> -> memref<1024xf32, #tpu.memory_space<hbm>>
          tpu.enqueue_dma source(%dma_start3A_701 : memref<1024xf32, #tpu.memory_space<hbm>>) target(%arg8 : memref<1024xf32, #tpu.memory_space<vmem>>) target_semaphore(%run_scoped3A : memref<!tpu.dma_semaphore, #tpu.memory_space<semaphore_mem>>)
          %dma_wait3A_702 = arith.constant 0 : i32
          %dma_wait3A_703 = tpu.memref_slice %arg4[%sub3A_690, %dma_wait3A_702] : memref<100x1024xf32, #tpu.memory_space<hbm>> -> memref<1x1024xf32, #tpu.memory_space<hbm>>
          %dma_wait3A_704 = tpu.memref_squeeze %dma_wait3A_703 : memref<1x1024xf32, #tpu.memory_space<hbm>> -> memref<1024xf32, #tpu.memory_space<hbm>>
          %dma_wait3A_705 = arith.constant 0 : i32
          %dma_wait3A_706 = tpu.memref_slice %arg4[%sub3A_690, %dma_wait3A_705] : memref<100x1024xf32, #tpu.memory_space<hbm>> -> memref<1x1024xf32, #tpu.memory_space<hbm>>
          %dma_wait3A_707 = tpu.memref_squeeze %dma_wait3A_706 : memref<1x1024xf32, #tpu.memory_space<hbm>> -> memref<1024xf32, #tpu.memory_space<hbm>>
          tpu.wait_dma2 semaphore(%run_scoped3A : memref<!tpu.dma_semaphore, #tpu.memory_space<semaphore_mem>>) src(%dma_wait3A_707 : memref<1024xf32, #tpu.memory_space<hbm>>) dst(%arg8 : memref<1024xf32, #tpu.memory_space<vmem>>)
          tpu.yield
        }) : () -> ()
        %mul3A_691 = arith.constant 16 : i32
        %mul3A_692 = arith.muli %scan3A_577, %mul3A_691 : i32
        %add3A_693 = arith.addi %mul3A_32, %mul3A_692 : i32
        %add3A_694 = arith.constant 14 : i32
        %add3A_695 = arith.addi %add3A_693, %add3A_694 : i32
        "tpu.region"() ({
          %run_scoped3A = tpu.sem_alloc : memref<!tpu.dma_semaphore, #tpu.memory_space<semaphore_mem>>
          %dma_start3A_696 = arith.constant 0 : i32
          %dma_start3A_697 = tpu.memref_slice %arg5[%select_n3A, %add3A_695, %dma_start3A_696] : memref<4x2048x1024xf32, #tpu.memory_space<hbm>> -> memref<1x1x1024xf32, #tpu.memory_space<hbm>>
          %dma_start3A_698 = tpu.memref_squeeze %dma_start3A_697 : memref<1x1x1024xf32, #tpu.memory_space<hbm>> -> memref<1024xf32, #tpu.memory_space<hbm>>
          %dma_start3A_699 = arith.constant 0 : i32
          %dma_start3A_700 = tpu.memref_slice %arg5[%select_n3A, %add3A_695, %dma_start3A_699] : memref<4x2048x1024xf32, #tpu.memory_space<hbm>> -> memref<1x1x1024xf32, #tpu.memory_space<hbm>>
          %dma_start3A_701 = tpu.memref_squeeze %dma_start3A_700 : memref<1x1x1024xf32, #tpu.memory_space<hbm>> -> memref<1024xf32, #tpu.memory_space<hbm>>
          tpu.enqueue_dma source(%arg8 : memref<1024xf32, #tpu.memory_space<vmem>>) target(%dma_start3A_701 : memref<1024xf32, #tpu.memory_space<hbm>>) target_semaphore(%run_scoped3A : memref<!tpu.dma_semaphore, #tpu.memory_space<semaphore_mem>>)
          %dma_wait3A_702 = arith.constant 0 : i32
          %dma_wait3A_703 = tpu.memref_slice %arg5[%select_n3A, %add3A_695, %dma_wait3A_702] : memref<4x2048x1024xf32, #tpu.memory_space<hbm>> -> memref<1x1x1024xf32, #tpu.memory_space<hbm>>
          %dma_wait3A_704 = tpu.memref_squeeze %dma_wait3A_703 : memref<1x1x1024xf32, #tpu.memory_space<hbm>> -> memref<1024xf32, #tpu.memory_space<hbm>>
          %dma_wait3A_705 = arith.constant 0 : i32
          %dma_wait3A_706 = tpu.memref_slice %arg5[%select_n3A, %add3A_695, %dma_wait3A_705] : memref<4x2048x1024xf32, #tpu.memory_space<hbm>> -> memref<1x1x1024xf32, #tpu.memory_space<hbm>>
          %dma_wait3A_707 = tpu.memref_squeeze %dma_wait3A_706 : memref<1x1x1024xf32, #tpu.memory_space<hbm>> -> memref<1024xf32, #tpu.memory_space<hbm>>
          tpu.wait_dma2 semaphore(%run_scoped3A : memref<!tpu.dma_semaphore, #tpu.memory_space<semaphore_mem>>) src(%arg8 : memref<1024xf32, #tpu.memory_space<vmem>>) dst(%dma_wait3A_707 : memref<1024xf32, #tpu.memory_space<hbm>>)
          tpu.yield
        }) : () -> ()
      } else {
      }
      %slice3A_682 = vector.extract_strided_slice %get3A_581 {offsets = [15], sizes = [1], strides = [1]} : vector<16xi32> to vector<1xi32>
      %squeeze3A_683 = vector.extract %slice3A_682[0] : i32 from vector<1xi32>
      %ge3A_684 = arith.constant 32100 : i32
      %ge3A_685 = arith.cmpi sge, %squeeze3A_683, %ge3A_684 : i32
      %convert_element_type3A_686 = arith.extui %ge3A_685 : i1 to i32
      %cond3A_687 = arith.constant 0 : i32
      %cond3A_688 = arith.cmpi ne, %convert_element_type3A_686, %cond3A_687 : i32
      scf.if %cond3A_688 {
        %sub3A_689 = arith.constant 32100 : i32
        %sub3A_690 = arith.subi %squeeze3A_683, %sub3A_689 : i32
        "tpu.region"() ({
          %run_scoped3A = tpu.sem_alloc : memref<!tpu.dma_semaphore, #tpu.memory_space<semaphore_mem>>
          %dma_start3A_696 = arith.constant 0 : i32
          %dma_start3A_697 = tpu.memref_slice %arg4[%sub3A_690, %dma_start3A_696] : memref<100x1024xf32, #tpu.memory_space<hbm>> -> memref<1x1024xf32, #tpu.memory_space<hbm>>
          %dma_start3A_698 = tpu.memref_squeeze %dma_start3A_697 : memref<1x1024xf32, #tpu.memory_space<hbm>> -> memref<1024xf32, #tpu.memory_space<hbm>>
          %dma_start3A_699 = arith.constant 0 : i32
          %dma_start3A_700 = tpu.memref_slice %arg4[%sub3A_690, %dma_start3A_699] : memref<100x1024xf32, #tpu.memory_space<hbm>> -> memref<1x1024xf32, #tpu.memory_space<hbm>>
          %dma_start3A_701 = tpu.memref_squeeze %dma_start3A_700 : memref<1x1024xf32, #tpu.memory_space<hbm>> -> memref<1024xf32, #tpu.memory_space<hbm>>
          tpu.enqueue_dma source(%dma_start3A_701 : memref<1024xf32, #tpu.memory_space<hbm>>) target(%arg8 : memref<1024xf32, #tpu.memory_space<vmem>>) target_semaphore(%run_scoped3A : memref<!tpu.dma_semaphore, #tpu.memory_space<semaphore_mem>>)
          %dma_wait3A_702 = arith.constant 0 : i32
          %dma_wait3A_703 = tpu.memref_slice %arg4[%sub3A_690, %dma_wait3A_702] : memref<100x1024xf32, #tpu.memory_space<hbm>> -> memref<1x1024xf32, #tpu.memory_space<hbm>>
          %dma_wait3A_704 = tpu.memref_squeeze %dma_wait3A_703 : memref<1x1024xf32, #tpu.memory_space<hbm>> -> memref<1024xf32, #tpu.memory_space<hbm>>
          %dma_wait3A_705 = arith.constant 0 : i32
          %dma_wait3A_706 = tpu.memref_slice %arg4[%sub3A_690, %dma_wait3A_705] : memref<100x1024xf32, #tpu.memory_space<hbm>> -> memref<1x1024xf32, #tpu.memory_space<hbm>>
          %dma_wait3A_707 = tpu.memref_squeeze %dma_wait3A_706 : memref<1x1024xf32, #tpu.memory_space<hbm>> -> memref<1024xf32, #tpu.memory_space<hbm>>
          tpu.wait_dma2 semaphore(%run_scoped3A : memref<!tpu.dma_semaphore, #tpu.memory_space<semaphore_mem>>) src(%dma_wait3A_707 : memref<1024xf32, #tpu.memory_space<hbm>>) dst(%arg8 : memref<1024xf32, #tpu.memory_space<vmem>>)
          tpu.yield
        }) : () -> ()
        %mul3A_691 = arith.constant 16 : i32
        %mul3A_692 = arith.muli %scan3A_577, %mul3A_691 : i32
        %add3A_693 = arith.addi %mul3A_32, %mul3A_692 : i32
        %add3A_694 = arith.constant 15 : i32
        %add3A_695 = arith.addi %add3A_693, %add3A_694 : i32
        "tpu.region"() ({
          %run_scoped3A = tpu.sem_alloc : memref<!tpu.dma_semaphore, #tpu.memory_space<semaphore_mem>>
          %dma_start3A_696 = arith.constant 0 : i32
          %dma_start3A_697 = tpu.memref_slice %arg5[%select_n3A, %add3A_695, %dma_start3A_696] : memref<4x2048x1024xf32, #tpu.memory_space<hbm>> -> memref<1x1x1024xf32, #tpu.memory_space<hbm>>
          %dma_start3A_698 = tpu.memref_squeeze %dma_start3A_697 : memref<1x1x1024xf32, #tpu.memory_space<hbm>> -> memref<1024xf32, #tpu.memory_space<hbm>>
          %dma_start3A_699 = arith.constant 0 : i32
          %dma_start3A_700 = tpu.memref_slice %arg5[%select_n3A, %add3A_695, %dma_start3A_699] : memref<4x2048x1024xf32, #tpu.memory_space<hbm>> -> memref<1x1x1024xf32, #tpu.memory_space<hbm>>
          %dma_start3A_701 = tpu.memref_squeeze %dma_start3A_700 : memref<1x1x1024xf32, #tpu.memory_space<hbm>> -> memref<1024xf32, #tpu.memory_space<hbm>>
          tpu.enqueue_dma source(%arg8 : memref<1024xf32, #tpu.memory_space<vmem>>) target(%dma_start3A_701 : memref<1024xf32, #tpu.memory_space<hbm>>) target_semaphore(%run_scoped3A : memref<!tpu.dma_semaphore, #tpu.memory_space<semaphore_mem>>)
          %dma_wait3A_702 = arith.constant 0 : i32
          %dma_wait3A_703 = tpu.memref_slice %arg5[%select_n3A, %add3A_695, %dma_wait3A_702] : memref<4x2048x1024xf32, #tpu.memory_space<hbm>> -> memref<1x1x1024xf32, #tpu.memory_space<hbm>>
          %dma_wait3A_704 = tpu.memref_squeeze %dma_wait3A_703 : memref<1x1x1024xf32, #tpu.memory_space<hbm>> -> memref<1024xf32, #tpu.memory_space<hbm>>
          %dma_wait3A_705 = arith.constant 0 : i32
          %dma_wait3A_706 = tpu.memref_slice %arg5[%select_n3A, %add3A_695, %dma_wait3A_705] : memref<4x2048x1024xf32, #tpu.memory_space<hbm>> -> memref<1x1x1024xf32, #tpu.memory_space<hbm>>
          %dma_wait3A_707 = tpu.memref_squeeze %dma_wait3A_706 : memref<1x1x1024xf32, #tpu.memory_space<hbm>> -> memref<1024xf32, #tpu.memory_space<hbm>>
          tpu.wait_dma2 semaphore(%run_scoped3A : memref<!tpu.dma_semaphore, #tpu.memory_space<semaphore_mem>>) src(%arg8 : memref<1024xf32, #tpu.memory_space<vmem>>) dst(%dma_wait3A_707 : memref<1024xf32, #tpu.memory_space<hbm>>)
          tpu.yield
        }) : () -> ()
      } else {
      }
    }
    %scan3A_576 = arith.constant 16 : i32
    return
  }
}

</mosaic_0001>

<sc_bundles>
// kernel: kernel.3.cloned.1.call-start
scs
__scs_entry_jumppad:
0x0: {  	(pc) =	sbr.rel $0x88, $3  }
0x1: {  	(tag) =	ssettag $0x0;
	lr =	simm.s32 $0x1  }
0x2: {  	[smem:$0x3F9E] =	sst lr;
	_ =	strace $0xD0000000  }
0x3: {  	_ = 	snop  }
0x4: {  	_ = 	snop  }
0x5: {  	_ = 	snop  }
0x6: {  	_ = 	snop  }
0x7: {  	_ = 	snop  }
__scs_overlays_trampoline_lowered:
0x8: {  	[smem:$0x3FAD] =	sst s0  }
0x9: {  	[smem:$0x3FAE] =	sst s1  }
0xa: {  	[smem:$0x3FAF] =	sst s2  }
0xb: {  	[smem:$0x3FB0] =	sst s3  }
0xc: {  	[smem:$0x3FB1] =	sst s4  }
0xd: {  	[smem:$0x3FB2] =	sst s5  }
0xe: {  	[smem:$0x3FB3] =	sst s6  }
0xf: {  	[smem:$0x3FB4] =	sst s7  }
0x10: {  	[smem:$0x3FB5] =	sst s8  }
0x11: {  	[smem:$0x3FB6] =	sst s9;
	s0 =	simm.s32 @!p0 $0x0  }
0x12: {  	s1 =	sld [smem:$0x3F9C];
	s0 =	simm.s32 @p0 $0x1  }
0x13: {  	[smem:$0x3FB7] =	sst s0;
	s0 =	simm.s32 @!p1 $0x0  }
0x14: {  	s2 =	sld [smem:$0x3F9B];
	s0 =	simm.s32 @p1 $0x1  }
0x15: {  	[smem:$0x3FB8] =	sst s0;
	s0 =	simm.s32 @!p2 $0x0  }
0x16: {  	s3 =	sld [smem:$0x3FDB];
	s0 =	simm.s32 @p2 $0x1  }
0x17: {  	s4 =	simm.s32 $0x1BF5;
	[smem:$0x3FBA] =	sst s0  }
0x18: {  	s0 =	sld [smem:$0x3F9D];
	_ =	swait.ge [sflag:s4], $0x0  }
0x19: {  	s7 =	sld [smem:$0x3F9E]  }
0x1a: {  	s8 =	sadd.s32 $0xFFFFE003, lr  }
0x1b: {  	s9 =	sadd.s32 $0xFFFFFEF7, lr;
	s5 =	simm.s32 $0xFFFFFFFF;
	p2 =	slt.u32 s8, $0xFFFFF086  }
0x1c: {  	p1 =	slt.u32 s9, $0xF7A;
	s5 =	simm.s32 @!p2 $0x0  }
0x1d: {  	s5 =	simm.s32 @p1 $0x1;
	p0 =	seq.s32 s7, s2  }
0x1e: {  	s7 =	smul.u32 @!p0 $0xF7A, s2;
	p2 =	seq.s32 @!p0 s5, $0x0  }
0x1f: {  	s9 =	smul.u32 $0xF7A, s1;
	s8 =	simm.s32 @!p0 $0x1BF5;
	p2 =	por !p2, p0  }
0x20: {  	[sflag:s8] =	ssyncset.s32 @!p0 $0xFFFFF086;
	s6 =	sadd.s32 @!p0 s3, s7;
	s7 =	simm.s32 @!p0 $0x108  }
0x21: {  	s3 =	sadd.s32 s3, s9;
	s6 =	sadd.s32 @!p0 $0x88, s6;
	s7 =	simm.s32 @p2 $0x1082  }
0x22: {  	[simem:s7], [sflag:s8] =	dma.local @!p0 [hbm:s6], $0xF7A  }
0x23: {  	s9 =	sor.u32 $0xD0000000, s2;
	s6 =	simm.s32 $0x108;
	_ =	swait.ge @!p0 [sflag:s8], $0x0  }
0x24: {  	s3 =	sadd.s32 $0x88, s3;
	s6 =	simm.s32 @!p1 $0x1082;
	[sflag:s4] =	ssyncset.s32 $0xFFFFF086  }
0x25: {  	[simem:s6], [sflag:s4] =	dma.local [hbm:s3], $0xF7A  }
0x26: {  	[smem:$0x3F9E] =	sst s1;
	(tag) =	ssettag s2;
	_ =	strace s9  }
0x27: {  	s1 =	sld [smem:$0x3FAE]  }
0x28: {  	s2 =	sld [smem:$0x3FAF]  }
0x29: {  	s4 =	sld [smem:$0x3FB1]  }
0x2a: {  	p0 =	seq.s32 s5, $0x0;
	s5 =	sld [smem:$0x3FB2]  }
0x2b: {  	s6 =	sld [smem:$0x3FB3]  }
0x2c: {  	s7 =	sld [smem:$0x3FB4]  }
0x2d: {  	s3 =	simm.s32 $0x108;
	s8 =	sld [smem:$0x3FB5]  }
0x2e: {  	s3 =	simm.s32 @!p0 $0x1082;
	s9 =	sld [smem:$0x3FB6]  }
0x2f: {  	lr =	sadd.s32 s0, s3;
	s0 =	sld [smem:$0x3FAD]  }
0x30: {  	s3 =	sld [smem:$0x3FB0]  }
0x31: {  	[smem:$0x3FB9] =	sst s10  }
0x32: {  	s10 =	sld [smem:$0x3FB7];
	_ =	sdelay $0x3  }
0x33: {  	p0 =	seq.s32 s10, $0x1;
	s10 =	sld [smem:$0x3FB9];
	_ =	sdelay $0x3  }
0x34: {  	[smem:$0x3FB9] =	sst s10  }
0x35: {  	s10 =	sld [smem:$0x3FB8];
	_ =	sdelay $0x3  }
0x36: {  	p1 =	seq.s32 s10, $0x1;
	s10 =	sld [smem:$0x3FB9];
	_ =	sdelay $0x3  }
0x37: {  	[smem:$0x3FB9] =	sst s10  }
0x38: {  	s10 =	sld [smem:$0x3FBA]  }
0x39: {  	_ = 	snop;
	(pc) =	sbr.ind lr, $3  }
0x3a: {  	_ = 	snop  }
0x3b: {  	_ = 	snop  }
0x3c: {  	p2 =	seq.s32 s10, $0x1;
	s10 =	sld [smem:$0x3FB9]  }
0x3d: {  	_ =	shalt  }
0x3e: {  	_ =	shalt  }
0x3f: {  	_ =	shalt  }
0x40: {  	_ =	shalt  }
0x41: {  	_ =	shalt  }
0x42: {  	_ =	shalt  }
0x43: {  	_ =	shalt  }
0x44: {  	_ =	shalt  }
0x45: {  	_ =	shalt  }
0x46: {  	_ =	shalt  }
0x47: {  	_ =	shalt  }
0x48: {  	_ =	shalt  }
0x49: {  	_ =	shalt  }
0x4a: {  	_ =	shalt  }
0x4b: {  	_ =	shalt  }
0x4c: {  	_ =	shalt  }
0x4d: {  	_ =	shalt  }
0x4e: {  	_ =	shalt  }
0x4f: {  	_ =	shalt  }
0x50: {  	_ =	shalt  }
0x51: {  	_ =	shalt  }
0x52: {  	_ =	shalt  }
0x53: {  	_ =	shalt  }
0x54: {  	_ =	shalt  }
0x55: {  	_ =	shalt  }
0x56: {  	_ =	shalt  }
0x57: {  	_ =	shalt  }
0x58: {  	_ =	shalt  }
0x59: {  	_ =	shalt  }
0x5a: {  	_ =	shalt  }
0x5b: {  	_ =	shalt  }
0x5c: {  	_ =	shalt  }
0x5d: {  	_ =	shalt  }
0x5e: {  	_ =	shalt  }
0x5f: {  	_ =	shalt  }
0x60: {  	_ =	shalt  }
0x61: {  	_ =	shalt  }
0x62: {  	_ =	shalt  }
0x63: {  	_ =	shalt  }
0x64: {  	_ =	shalt  }
0x65: {  	_ =	shalt  }
0x66: {  	_ =	shalt  }
0x67: {  	_ =	shalt  }
0x68: {  	_ =	shalt  }
0x69: {  	_ =	shalt  }
0x6a: {  	_ =	shalt  }
0x6b: {  	_ =	shalt  }
0x6c: {  	_ =	shalt  }
0x6d: {  	_ =	shalt  }
0x6e: {  	_ =	shalt  }
0x6f: {  	_ =	shalt  }
0x70: {  	_ =	shalt  }
0x71: {  	_ =	shalt  }
0x72: {  	_ =	shalt  }
0x73: {  	_ =	shalt  }
0x74: {  	_ =	shalt  }
0x75: {  	_ =	shalt  }
0x76: {  	_ =	shalt  }
0x77: {  	_ =	shalt  }
0x78: {  	_ =	shalt  }
0x79: {  	_ =	shalt  }
0x7a: {  	_ =	shalt  }
0x7b: {  	_ =	shalt  }
0x7c: {  	_ =	shalt  }
0x7d: {  	_ =	shalt  }
0x7e: {  	_ =	shalt  }
0x7f: {  	_ =	shalt  }
0x80: {  	_ =	shalt  }
0x81: {  	_ =	shalt  }
0x82: {  	_ =	shalt  }
0x83: {  	_ =	shalt  }
0x84: {  	_ =	shalt  }
0x85: {  	_ =	shalt  }
0x86: {  	_ =	shalt  }
0x87: {  	_ =	shalt  }
.Lfunc_end0:
.L_simem_size_0:
called_computation_lowered:
.L_overlay_start_0:
0x88: {  	s2 =	sld [smem:$0x3FD9]  }
0x89: {  	s3 =	sld [smem:$0x3FFE];
	_ =	sdelay $0x1  }
0x8a: {  	s1 =	srdreg.scid  }
0x8b: {  	s0 =	sand.u32 $0x1, s1  }
0x8c: {  	s18 =	sshll.u32 s0, $0xA;
	s2 =	sadd.s32 s3, s2  }
0x8d: {  	s2 =	sadd.s32 s2, s18  }
0x8e: {  	[smem:$0x3FC5] =	sst s2  }
0x8f: {  	_ = 	snop  }
0x90: {  	s2 =	sld [smem:$0x3FC9]  }
0x91: {  	s19 =	sld [smem:$0x3FC8]  }
0x92: {  	s4 =	sld [smem:$0x3FC7]  }
0x93: {  	s5 =	sld [smem:$0x3FD0];
	(tm) =	ssettm $0x1  }
0x94: {  	s6 =	sld [smem:$0x3FFB];
	_ =	sdelay $0x3  }
0x95: {  	_ =	strace s6  }
0x96: {  	s6 =	sld [smem:$0x3FFC];
	_ =	sdelay $0x3  }
0x97: {  	_ =	strace s6  }
0x98: {  	s6 =	sld [smem:$0x3FFD];
	_ =	sdelay $0x3  }
0x99: {  	_ =	strace s6  }
0x9a: {  	_ =	strace $0x8FFFFFFF  }
0x9b: {  	s20 =	sld [smem:$0x3FDB];
	_ =	sdelay $0x1  }
0x9c: {  	s7 =	simm.s32 $_scs_section_size  }
0x9d: {  	s8 =	simm.s32 $_size__tile_overlayer_lowered;
	s9 =	simm.s32 $_tile_overlayer_lowered  }
0x9e: {  	s23 =	simm.s32 $0x1BFF;
	s22 =	sshll.u32 s9, $0x1;
	s6 =	sadd.s32 s7, s20  }
0x9f: {  	s10 =	simm.s32 $0x0;
	s21 =	sshll.u32 s8, $0x1;
	s8 =	sadd.s32 s22, s6  }
0xa0: {  	[timem:s10], [sflag:s23] =	dma.local [hbm:s8], s21  }
0xa1: {  	_ =	swait.ge [sflag:s23], s21  }
0xa2: {  	s7 =	ssub.s32 $0x0, s21;
	[sflag:s23] =	ssyncset.done $0x0  }
0xa3: {  	[sflag:s23] =	ssyncadd.s32 s7;
	_ =	sdelay $0x1  }
0xa4: {  	s24 =	simm.s32 $0x1B8B  }
0xa5: {  	_ =	swait.ge [sflag:s24], $0x1  }
0xa6: {  	[sflag:s24] =	ssyncset.done $0x0  }
0xa7: {  	s25 =	simm.s32 $0x1B8E;
	[sflag:s24] =	ssyncadd.s32 $0xFFFFFFFF  }
0xa8: {  	s26 =	simm.s32 $execute0_lowered;
	[smem:$0x3FD2] =	sst s25  }
0xa9: {  	s7 =	sshll.u32 s26, $0x1;
	_ =	strace $0x80000046;
	[dreg:$0x1] =	wrdreg $0xFFFFFFFF  }
0xaa: {  	s28 =	simm.s32 $_size_execute0_lowered;
	s6 =	sadd.s32 s6, s7;
	[dreg:$0x0] =	wrdreg $0x0  }
0xab: {  	s7 =	sshll.u32 s28, $0x1;
	[dreg:$0x2] =	wrdreg s6  }
0xac: {  	[dreg:$0x3] =	wrdreg s7  }
0xad: {  	[dreg:$0x4] =	wrdreg $0xC0  }
0xae: {  	_ =	task [dreg:s10], $0x5FFFF  }
0xaf: {  	[dreg:$0x1] =	wrdreg $0xFFFFFFFF  }
0xb0: {  	[dreg:$0x0] =	wrdreg $0x60  }
0xb1: {  	[dreg:$0x2] =	wrdreg s2  }
0xb2: {  	[dreg:$0x3] =	wrdreg s19  }
0xb3: {  	[dreg:$0x4] =	wrdreg s4  }
0xb4: {  	[dreg:$0x5] =	wrdreg s5  }
0xb5: {  	[dreg:$0x6] =	wrdreg $0x9  }
0xb6: {  	_ =	task.clear_ibuf [dreg:s10], $0x7FFFF;
	_ =	strace $0x90000046  }
0xb7: {  	s29 =	simm.s32 $0x9;
	_ =	strace $0x80000048  }
0xb8: {  	_ =	swait.ge [sflag:s29], $0x1  }
0xb9: {  	[sflag:s29] =	ssyncadd.s32 $0xFFFFFFFF  }
0xba: {  	_ =	strace $0x90000048  }
0xbb: {  	_ =	sfence  }
0xbc: {  	s30 =	sld [smem:$0x0];
	_ =	sdelay $0x2  }
0xbd: {  	s31 =	sshll.u32 s1, $0xD;
	s1 =	sshrl.u32 s1, $0x2  }
0xbe: {  	s3 =	sand.u32 $0x4000, s31;
	s1 =	sadd.s32 s1, s30  }
0xbf: {  	s0 =	sor.u32 s3, s0;
	s1 =	sshll.u32 s1, $0x11  }
0xc0: {  	s0 =	sor.u32 s1, s0  }
0xc1: {  	s0 =	sadd.s32 $0x8F2B, s0  }
0xc2: {  	[sflag:s0] =	ssyncadd.remote.s32 $0x1  }
0xc3: {  	_ =	sfence.sel $0xFFFF  }
0xc4: {  	[dreg:$0x0] =	wrdreg $0xFFFFFFFF;
	(pc) =	sbr.abs _section_cstart, $3  }
0xc5: {  	[dreg:$0x1] =	wrdreg $0xFFFFFFFF  }
0xc6: {  	_ =	task.clear_ibuf [dreg:s10], $0x2FFFF;
	_ =	strace $0x9FFFFFFF  }
0xc7: {  	(tm) =	ssettm $0x7FFFFFFF  }
tec
execute0_lowered:
.L_overlay_start_1:
0x0: {  	(tag) =	ssettag $0x1  }
0x1: {  	s0 =	rddreg [dreg:$0x0]  }
0x2: {  	s1 =	rddreg [dreg:$0x1]  }
0x3: {  	s2 =	rddreg [dreg:$0x2]  }
0x4: {  	s3 =	rddreg [dreg:$0x3];
	s5 =	srdreg.scid  }
0x5: {  	s4 =	simm.s32 $0x0;
	s12 =	stileid.u32;
	s5 =	sand.u32 $0x1, s5  }
0x6: {  	[smem:$0x7FF] =	sst s4;
	s7 =	sshll.u32 s12, $0x1;
	s20 =	sshrl.u32 s12, $0x2  }
0x7: {  	s23 =	sand.u32 $0x3, s12;
	s6 =	ssub.s32 $0x2, s5;
	_ =	strace $0x80000047  }
0x8: {  	s7 =	sand.u32 $0x6, s7;
	s10 =	sshll.u32 s20, $0x4;
	s11 =	sshll.u32 s20, $0x15  }
0x9: {  	s8 =	sshrl.u32 s6, $0x1;
	s19 =	sor.u32 s5, s7;
	s0 =	sadd.s32 s0, s10  }
0xa: {  	s8 =	ssub.s32 s6, s8;
	s9 =	sshll.u32 s19, $0x12;
	s6 =	sshll.u32 s19, $0x7  }
0xb: {  	s5 =	sshll.u32 s5, $0x12;
	s7 =	sor.u32 s11, s9;
	s0 =	sadd.s32 s6, s0  }
0xc: {  	s8 =	smax.u32 s8, $0x1;
	[dreg:$0x5] =	wrdreg s0;
	s21 =	sshrl.u32 s7, $0x3  }
0xd: {  	s6 =	sadd.s32 $0x100, s1;
	[dreg:$0xe] =	wrdreg s8;
	s22 =	sadd.s32 s3, s21  }
0xe: {  	s9 =	sadd.s32 $0x300, s1;
	s24 =	sadd.s32 $0x1000, s22;
	[dreg:$0x6] =	wrdreg s22  }
0xf: {  	s7 =	sadd.s32 $0x200, s1;
	s25 =	sadd.s32 $0x2000, s22;
	[dreg:$0x7] =	wrdreg s24  }
0x10: {  	s0 =	sshll.u32 s23, $0x13;
	s26 =	sadd.s32 $0x3000, s22;
	[dreg:$0x8] =	wrdreg s25  }
0x11: {  	s1 =	simm.s32 $0x0;
	s28 =	sadd.s32 $0x4000, s22;
	[dreg:$0x9] =	wrdreg s26  }
0x12: {  	s0 =	sor.u32 s0, s11;
	s29 =	sadd.s32 $0x5000, s22;
	[dreg:$0xa] =	wrdreg s28  }
0x13: {  	s0 =	sor.u32 s5, s0;
	s30 =	sadd.s32 $0x6000, s22;
	[dreg:$0xb] =	wrdreg s29  }
0x14: {  	v2 =	vlaneseq.u32;
	s10 =	sadd.s32 $0x7000, s22;
	[dreg:$0xc] =	wrdreg s30;
	s31 =	sor.u32 $0x2000, s0  }
0x15: {  	vm0 =	vmmov $0xffff;
	v1 =	vshrl.u32 v2, $0x3;
	[dreg:$0xd] =	wrdreg s10;
	s0 =	sshrl.u32 s0, $0x3;
	s5 =	sshrl.u32 s31, $0x3  }
0x16: {  	v0 =	vand.u32 $0x7, v2;
	v2 =	vor.u32 $0x8, v2;
	v1 =	vmul.u32 $0x8, v1;
	s19 =	sadd.s32 s0, s3;
	s18 =	sadd.s32 s5, s3;
	s5 =	simm.s32 $0x1  }
.LBB2_1:
0x17: {  	[dreg:$0xf] =	wrdreg s1  }
0x18: {  	s0 =	rddreg [dreg:$0x5]  }
0x19: {  	s3 =	simm.s32 $0x80;
	s8 =	simm.s32 $0x200;
	s13 =	simm.s32 $0x3  }
0x1a: {  	[tilespmem:s4], [sflag:$0x3] =	stream.strided.gather [hbm4b:s0+s3], $0x100, s8, s3, $0x38;
	[tilespmem:$0x18D00] =	vst v63  }
0x1b: {  	_ =	swait.ge [sflag:s13], $0x100  }
0x1c: {  	[sflag:s13] =	ssyncset.done $0x0  }
0x1d: {  	[sflag:s13] =	ssyncadd.s32 $0xFFFFFF00  }
0x1e: {  	v3 =	vld [tilespmem:$0x0];
	_ =	sdelay $0x4  }
0x1f: {  	vm1 =	vlt.s32 v3, $0x7D64  }
0x20: {  	v4 =	vnsel vm1, $0x2, v3  }
0x21: {  	v5 =	vshll.u32 v4, $0x3  }
0x22: {  	v4 =	vand.u32 $0x7, v4;
	v5 =	vand.u32 $0xFFFFFFC0, v5  }
0x23: {  	v4 =	vor.u32 v4, v5  }
0x24: {  	v5 =	vperm.xlane v4, v0;
	_ =	sdelay $0x1  }
0x25: {  	v5 =	vadd.s32 v1, v5;
	_ =	sdelay $0x3  }
0x26: {  	s3 =	simm.s32 $0xD00;
	s20 =	rddreg [dreg:$0x1];
	[tilespmem:$0x100] =	vst v3  }
0x27: {  	[tilespmem:s3], [sflag:$0x1] =	stream.indirect_vreg.gather [hbm4b:s20+s4], $0x80, v5, vm0, $0xb8;
	[tilespmem:$0x18D00] =	vst v63  }
0x28: {  	s14 =	simm.s32 $0x1500;
	v3 =	vperm.xlane v4, v2  }
0x29: {  	[tilespmem:s14], [sflag:$0x1] =	stream.indirect_vreg.gather [hbm4b:s6+s4], $0x80, v5, vm0, $0xb8;
	[tilespmem:$0x18D00] =	vst v63  }
0x2a: {  	s30 =	simm.s32 $0x1D00;
	v3 =	vadd.s32 v1, v3  }
0x2b: {  	[tilespmem:s30], [sflag:$0x1] =	stream.indirect_vreg.gather [hbm4b:s7+s4], $0x80, v5, vm0, $0xb8;
	[tilespmem:$0x18D00] =	vst v63  }
0x2c: {  	s31 =	simm.s32 $0x2500  }
0x2d: {  	[tilespmem:s31], [sflag:$0x1] =	stream.indirect_vreg.gather [hbm4b:s9+s4], $0x80, v5, vm0, $0xb8;
	[tilespmem:$0x18D00] =	vst v63  }
0x2e: {  	s15 =	simm.s32 $0x2D00  }
0x2f: {  	[tilespmem:s15], [sflag:$0x1] =	stream.indirect_vreg.gather [hbm4b:s20+s4], $0x80, v3, vm0, $0xb8;
	[tilespmem:$0x18D00] =	vst v63  }
0x30: {  	s16 =	simm.s32 $0x3500  }
0x31: {  	[tilespmem:s16], [sflag:$0x1] =	stream.indirect_vreg.gather [hbm4b:s6+s4], $0x80, v3, vm0, $0xb8;
	[tilespmem:$0x18D00] =	vst v63  }
0x32: {  	s17 =	simm.s32 $0x3D00  }
0x33: {  	[tilespmem:s17], [sflag:$0x1] =	stream.indirect_vreg.gather [hbm4b:s7+s4], $0x80, v3, vm0, $0xb8;
	[tilespmem:$0x18D00] =	vst v63  }
0x34: {  	s21 =	simm.s32 $0x4500  }
0x35: {  	[tilespmem:s21], [sflag:$0x1] =	stream.indirect_vreg.gather [hbm4b:s9+s4], $0x80, v3, vm0, $0xb8;
	[tilespmem:$0x18D00] =	vst v63  }
0x36: {  	v3 =	vld [tilespmem:$0x10];
	_ =	sdelay $0x4  }
0x37: {  	vm1 =	vlt.s32 v3, $0x7D64  }
0x38: {  	v34 =	vnsel vm1, $0x2, v3  }
0x39: {  	v35 =	vshll.u32 v34, $0x3  }
0x3a: {  	v4 =	vand.u32 $0x7, v34;
	v5 =	vand.u32 $0xFFFFFFC0, v35  }
0x3b: {  	v4 =	vor.u32 v4, v5  }
0x3c: {  	v5 =	vperm.xlane v4, v0;
	_ =	sdelay $0x1  }
0x3d: {  	v5 =	vadd.s32 v1, v5;
	_ =	sdelay $0x3  }
0x3e: {  	s22 =	simm.s32 $0x4D00;
	[tilespmem:$0x180] =	vst v3  }
0x3f: {  	[tilespmem:s22], [sflag:$0x1] =	stream.indirect_vreg.gather [hbm4b:s20+s4], $0x80, v5, vm0, $0xb8;
	[tilespmem:$0x18D00] =	vst v63  }
0x40: {  	s23 =	simm.s32 $0x5500;
	v3 =	vperm.xlane v4, v2  }
0x41: {  	[tilespmem:s23], [sflag:$0x1] =	stream.indirect_vreg.gather [hbm4b:s6+s4], $0x80, v5, vm0, $0xb8;
	[tilespmem:$0x18D00] =	vst v63  }
0x42: {  	s24 =	simm.s32 $0x5D00;
	v3 =	vadd.s32 v1, v3  }
0x43: {  	[tilespmem:s24], [sflag:$0x1] =	stream.indirect_vreg.gather [hbm4b:s7+s4], $0x80, v5, vm0, $0xb8;
	[tilespmem:$0x18D00] =	vst v63  }
0x44: {  	s25 =	simm.s32 $0x6500  }
0x45: {  	[tilespmem:s25], [sflag:$0x1] =	stream.indirect_vreg.gather [hbm4b:s9+s4], $0x80, v5, vm0, $0xb8;
	[tilespmem:$0x18D00] =	vst v63  }
0x46: {  	s26 =	simm.s32 $0x6D00  }
0x47: {  	[tilespmem:s26], [sflag:$0x1] =	stream.indirect_vreg.gather [hbm4b:s20+s4], $0x80, v3, vm0, $0xb8;
	[tilespmem:$0x18D00] =	vst v63  }
0x48: {  	s29 =	simm.s32 $0x7500  }
0x49: {  	[tilespmem:s29], [sflag:$0x1] =	stream.indirect_vreg.gather [hbm4b:s6+s4], $0x80, v3, vm0, $0xb8;
	[tilespmem:$0x18D00] =	vst v63  }
0x4a: {  	s1 =	simm.s32 $0x7D00  }
0x4b: {  	[tilespmem:s1], [sflag:$0x1] =	stream.indirect_vreg.gather [hbm4b:s7+s4], $0x80, v3, vm0, $0xb8;
	[tilespmem:$0x18D00] =	vst v63  }
0x4c: {  	s8 =	simm.s32 $0x8500  }
0x4d: {  	[tilespmem:s8], [sflag:$0x1] =	stream.indirect_vreg.gather [hbm4b:s9+s4], $0x80, v3, vm0, $0xb8;
	[tilespmem:$0x18D00] =	vst v63  }
0x4e: {  	v3 =	vld [tilespmem:$0x20];
	_ =	sdelay $0x4  }
0x4f: {  	vm1 =	vlt.s32 v3, $0x7D64  }
0x50: {  	v36 =	vnsel vm1, $0x2, v3  }
0x51: {  	v37 =	vshll.u32 v36, $0x3  }
0x52: {  	v4 =	vand.u32 $0x7, v36;
	v5 =	vand.u32 $0xFFFFFFC0, v37  }
0x53: {  	v4 =	vor.u32 v4, v5  }
0x54: {  	v5 =	vperm.xlane v4, v0;
	_ =	sdelay $0x1  }
0x55: {  	v5 =	vadd.s32 v1, v5;
	_ =	sdelay $0x3  }
0x56: {  	s28 =	simm.s32 $0x8D00;
	[tilespmem:$0x200] =	vst v3  }
0x57: {  	[tilespmem:s28], [sflag:$0x1] =	stream.indirect_vreg.gather [hbm4b:s20+s4], $0x80, v5, vm0, $0xb8;
	[tilespmem:$0x18D00] =	vst v63  }
0x58: {  	s10 =	simm.s32 $0x9500;
	v3 =	vperm.xlane v4, v2  }
0x59: {  	[tilespmem:s10], [sflag:$0x1] =	stream.indirect_vreg.gather [hbm4b:s6+s4], $0x80, v5, vm0, $0xb8;
	[tilespmem:$0x18D00] =	vst v63  }
0x5a: {  	s11 =	simm.s32 $0x9D00;
	v3 =	vadd.s32 v1, v3  }
0x5b: {  	[tilespmem:s11], [sflag:$0x1] =	stream.indirect_vreg.gather [hbm4b:s7+s4], $0x80, v5, vm0, $0xb8;
	[tilespmem:$0x18D00] =	vst v63  }
0x5c: {  	s12 =	simm.s32 $0xA500  }
0x5d: {  	[tilespmem:s12], [sflag:$0x1] =	stream.indirect_vreg.gather [hbm4b:s9+s4], $0x80, v5, vm0, $0xb8;
	[tilespmem:$0x18D00] =	vst v63  }
0x5e: {  	s13 =	simm.s32 $0xAD00  }
0x5f: {  	[tilespmem:s13], [sflag:$0x1] =	stream.indirect_vreg.gather [hbm4b:s20+s4], $0x80, v3, vm0, $0xb8;
	[tilespmem:$0x18D00] =	vst v63  }
0x60: {  	s14 =	simm.s32 $0xB500  }
0x61: {  	[tilespmem:s14], [sflag:$0x1] =	stream.indirect_vreg.gather [hbm4b:s6+s4], $0x80, v3, vm0, $0xb8;
	[tilespmem:$0x18D00] =	vst v63  }
0x62: {  	s15 =	simm.s32 $0xBD00  }
0x63: {  	[tilespmem:s15], [sflag:$0x1] =	stream.indirect_vreg.gather [hbm4b:s7+s4], $0x80, v3, vm0, $0xb8;
	[tilespmem:$0x18D00] =	vst v63  }
0x64: {  	s16 =	simm.s32 $0xC500  }
0x65: {  	[tilespmem:s16], [sflag:$0x1] =	stream.indirect_vreg.gather [hbm4b:s9+s4], $0x80, v3, vm0, $0xb8;
	[tilespmem:$0x18D00] =	vst v63  }
0x66: {  	v3 =	vld [tilespmem:$0x30];
	_ =	sdelay $0x4  }
0x67: {  	vm1 =	vlt.s32 v3, $0x7D64  }
0x68: {  	v38 =	vnsel vm1, $0x2, v3  }
0x69: {  	v39 =	vshll.u32 v38, $0x3  }
0x6a: {  	v4 =	vand.u32 $0x7, v38;
	v5 =	vand.u32 $0xFFFFFFC0, v39  }
0x6b: {  	v4 =	vor.u32 v4, v5  }
0x6c: {  	v5 =	vperm.xlane v4, v0;
	_ =	sdelay $0x1  }
0x6d: {  	v5 =	vadd.s32 v1, v5;
	_ =	sdelay $0x3  }
0x6e: {  	s17 =	simm.s32 $0xCD00;
	[tilespmem:$0x280] =	vst v3  }
0x6f: {  	[tilespmem:s17], [sflag:$0x1] =	stream.indirect_vreg.gather [hbm4b:s20+s4], $0x80, v5, vm0, $0xb8;
	[tilespmem:$0x18D00] =	vst v63  }
0x70: {  	s21 =	simm.s32 $0xD500;
	v3 =	vperm.xlane v4, v2  }
0x71: {  	[tilespmem:s21], [sflag:$0x1] =	stream.indirect_vreg.gather [hbm4b:s6+s4], $0x80, v5, vm0, $0xb8;
	[tilespmem:$0x18D00] =	vst v63  }
0x72: {  	s22 =	simm.s32 $0xDD00;
	v3 =	vadd.s32 v1, v3  }
0x73: {  	[tilespmem:s22], [sflag:$0x1] =	stream.indirect_vreg.gather [hbm4b:s7+s4], $0x80, v5, vm0, $0xb8;
	[tilespmem:$0x18D00] =	vst v63  }
0x74: {  	s23 =	simm.s32 $0xE500  }
0x75: {  	[tilespmem:s23], [sflag:$0x1] =	stream.indirect_vreg.gather [hbm4b:s9+s4], $0x80, v5, vm0, $0xb8;
	[tilespmem:$0x18D00] =	vst v63  }
0x76: {  	s24 =	simm.s32 $0xED00  }
0x77: {  	[tilespmem:s24], [sflag:$0x1] =	stream.indirect_vreg.gather [hbm4b:s20+s4], $0x80, v3, vm0, $0xb8;
	[tilespmem:$0x18D00] =	vst v63  }
0x78: {  	s25 =	simm.s32 $0xF500  }
0x79: {  	[tilespmem:s25], [sflag:$0x1] =	stream.indirect_vreg.gather [hbm4b:s6+s4], $0x80, v3, vm0, $0xb8;
	[tilespmem:$0x18D00] =	vst v63  }
0x7a: {  	s26 =	simm.s32 $0xFD00  }
0x7b: {  	[tilespmem:s26], [sflag:$0x1] =	stream.indirect_vreg.gather [hbm4b:s7+s4], $0x80, v3, vm0, $0xb8;
	[tilespmem:$0x18D00] =	vst v63  }
0x7c: {  	s29 =	simm.s32 $0x10500  }
0x7d: {  	[tilespmem:s29], [sflag:$0x1] =	stream.indirect_vreg.gather [hbm4b:s9+s4], $0x80, v3, vm0, $0xb8;
	[tilespmem:$0x18D00] =	vst v63  }
0x7e: {  	_ =	swait.ge [sflag:s5], $0x4000  }
0x7f: {  	[sflag:s5] =	ssyncset.done $0x0  }
0x80: {  	[sflag:s5] =	ssyncadd.s32 $0xFFFFC000  }
0x81: {  	_ =	swait.ge [sflag:s5], $0x4000  }
0x82: {  	[sflag:s5] =	ssyncset.done $0x0  }
0x83: {  	[sflag:s5] =	ssyncadd.s32 $0xFFFFC000  }
0x84: {  	v3 =	vld [tilespmem:$0x40];
	_ =	sdelay $0x4  }
0x85: {  	vm1 =	vlt.s32 v3, $0x7D64  }
0x86: {  	v40 =	vnsel vm1, $0x2, v3  }
0x87: {  	v41 =	vshll.u32 v40, $0x3  }
0x88: {  	v4 =	vand.u32 $0x7, v40;
	v5 =	vand.u32 $0xFFFFFFC0, v41  }
0x89: {  	v4 =	vor.u32 v4, v5  }
0x8a: {  	v5 =	vperm.xlane v4, v0;
	_ =	sdelay $0x1  }
0x8b: {  	v5 =	vadd.s32 v1, v5;
	_ =	sdelay $0x3  }
0x8c: {  	s29 =	simm.s32 $0x10D00;
	[tilespmem:$0x300] =	vst v3  }
0x8d: {  	[tilespmem:s29], [sflag:$0x1] =	stream.indirect_vreg.gather [hbm4b:s20+s4], $0x80, v5, vm0, $0xb8;
	[tilespmem:$0x18D00] =	vst v63  }
0x8e: {  	s26 =	simm.s32 $0x11500;
	v3 =	vperm.xlane v4, v2  }
0x8f: {  	[tilespmem:s26], [sflag:$0x1] =	stream.indirect_vreg.gather [hbm4b:s6+s4], $0x80, v5, vm0, $0xb8;
	[tilespmem:$0x18D00] =	vst v63  }
0x90: {  	s8 =	simm.s32 $0x11D00;
	v3 =	vadd.s32 v1, v3  }
0x91: {  	[tilespmem:s8], [sflag:$0x1] =	stream.indirect_vreg.gather [hbm4b:s7+s4], $0x80, v5, vm0, $0xb8;
	[tilespmem:$0x18D00] =	vst v63  }
0x92: {  	s10 =	simm.s32 $0x12500  }
0x93: {  	[tilespmem:s10], [sflag:$0x1] =	stream.indirect_vreg.gather [hbm4b:s9+s4], $0x80, v5, vm0, $0xb8;
	[tilespmem:$0x18D00] =	vst v63  }
0x94: {  	s11 =	simm.s32 $0x12D00  }
0x95: {  	[tilespmem:s11], [sflag:$0x1] =	stream.indirect_vreg.gather [hbm4b:s20+s4], $0x80, v3, vm0, $0xb8;
	[tilespmem:$0x18D00] =	vst v63  }
0x96: {  	s12 =	simm.s32 $0x13500  }
0x97: {  	[tilespmem:s12], [sflag:$0x1] =	stream.indirect_vreg.gather [hbm4b:s6+s4], $0x80, v3, vm0, $0xb8;
	[tilespmem:$0x18D00] =	vst v63  }
0x98: {  	s13 =	simm.s32 $0x13D00  }
0x99: {  	[tilespmem:s13], [sflag:$0x1] =	stream.indirect_vreg.gather [hbm4b:s7+s4], $0x80, v3, vm0, $0xb8;
	[tilespmem:$0x18D00] =	vst v63  }
0x9a: {  	s14 =	simm.s32 $0x14500  }
0x9b: {  	[tilespmem:s14], [sflag:$0x1] =	stream.indirect_vreg.gather [hbm4b:s9+s4], $0x80, v3, vm0, $0xb8;
	[tilespmem:$0x18D00] =	vst v63  }
0x9c: {  	v3 =	vld [tilespmem:$0x50];
	_ =	sdelay $0x4  }
0x9d: {  	vm1 =	vlt.s32 v3, $0x7D64  }
0x9e: {  	v42 =	vnsel vm1, $0x2, v3  }
0x9f: {  	v43 =	vshll.u32 v42, $0x3  }
0xa0: {  	v4 =	vand.u32 $0x7, v42;
	v5 =	vand.u32 $0xFFFFFFC0, v43  }
0xa1: {  	v4 =	vor.u32 v4, v5  }
0xa2: {  	v5 =	vperm.xlane v4, v0;
	_ =	sdelay $0x1  }
0xa3: {  	v5 =	vadd.s32 v1, v5;
	_ =	sdelay $0x3  }
0xa4: {  	s15 =	simm.s32 $0x14D00;
	[tilespmem:$0x380] =	vst v3  }
0xa5: {  	[tilespmem:s15], [sflag:$0x1] =	stream.indirect_vreg.gather [hbm4b:s20+s4], $0x80, v5, vm0, $0xb8;
	[tilespmem:$0x18D00] =	vst v63  }
0xa6: {  	s16 =	simm.s32 $0x15500;
	v3 =	vperm.xlane v4, v2  }
0xa7: {  	[tilespmem:s16], [sflag:$0x1] =	stream.indirect_vreg.gather [hbm4b:s6+s4], $0x80, v5, vm0, $0xb8;
	[tilespmem:$0x18D00] =	vst v63  }
0xa8: {  	s17 =	simm.s32 $0x15D00;
	v3 =	vadd.s32 v1, v3  }
0xa9: {  	[tilespmem:s17], [sflag:$0x1] =	stream.indirect_vreg.gather [hbm4b:s7+s4], $0x80, v5, vm0, $0xb8;
	[tilespmem:$0x18D00] =	vst v63  }
0xaa: {  	s21 =	simm.s32 $0x16500  }
0xab: {  	[tilespmem:s21], [sflag:$0x1] =	stream.indirect_vreg.gather [hbm4b:s9+s4], $0x80, v5, vm0, $0xb8;
	[tilespmem:$0x18D00] =	vst v63  }
0xac: {  	s22 =	simm.s32 $0x16D00  }
0xad: {  	[tilespmem:s22], [sflag:$0x1] =	stream.indirect_vreg.gather [hbm4b:s20+s4], $0x80, v3, vm0, $0xb8;
	[tilespmem:$0x18D00] =	vst v63  }
0xae: {  	s23 =	simm.s32 $0x17500  }
0xaf: {  	[tilespmem:s23], [sflag:$0x1] =	stream.indirect_vreg.gather [hbm4b:s6+s4], $0x80, v3, vm0, $0xb8;
	[tilespmem:$0x18D00] =	vst v63  }
0xb0: {  	s24 =	simm.s32 $0x17D00  }
0xb1: {  	[tilespmem:s24], [sflag:$0x1] =	stream.indirect_vreg.gather [hbm4b:s7+s4], $0x80, v3, vm0, $0xb8;
	[tilespmem:$0x18D00] =	vst v63  }
0xb2: {  	s25 =	simm.s32 $0x18500  }
0xb3: {  	[tilespmem:s25], [sflag:$0x1] =	stream.indirect_vreg.gather [hbm4b:s9+s4], $0x80, v3, vm0, $0xb8;
	[tilespmem:$0x18D00] =	vst v63  }
0xb4: {  	s1 =	rddreg [dreg:$0x6]  }
0xb5: {  	[hbm4b:s1+s4] =	stream.linear.scatter [tilespmem:s3], [sflag:$0x2], $0x8000, $0x38;
	[tilespmem:$0x18D00] =	vst v63  }
0xb6: {  	_ =	swait.ge [sflag:s5], $0x4000  }
0xb7: {  	[sflag:s5] =	ssyncset.done $0x0  }
0xb8: {  	[sflag:s5] =	ssyncadd.s32 $0xFFFFC000  }
0xb9: {  	_ =	swait.ge [sflag:s5], $0x4000  }
0xba: {  	[sflag:s5] =	ssyncset.done $0x0  }
0xbb: {  	s1 =	simm.s32 $0x2;
	[sflag:s5] =	ssyncadd.s32 $0xFFFFC000  }
0xbc: {  	_ =	swait.ge [sflag:s1], $0x8000  }
0xbd: {  	[sflag:s1] =	ssyncset.done $0x0  }
0xbe: {  	[sflag:s1] =	ssyncadd.s32 $0xFFFF8000  }
0xbf: {  	v3 =	vld [tilespmem:$0x60];
	_ =	sdelay $0x4  }
0xc0: {  	vm1 =	vlt.s32 v3, $0x7D64  }
0xc1: {  	v44 =	vnsel vm1, $0x2, v3  }
0xc2: {  	v45 =	vshll.u32 v44, $0x3  }
0xc3: {  	v4 =	vand.u32 $0x7, v44;
	v5 =	vand.u32 $0xFFFFFFC0, v45  }
0xc4: {  	v4 =	vor.u32 v4, v5  }
0xc5: {  	v5 =	vperm.xlane v4, v0;
	_ =	sdelay $0x1  }
0xc6: {  	v5 =	vadd.s32 v1, v5;
	_ =	sdelay $0x3  }
0xc7: {  	[tilespmem:$0x400] =	vst v3  }
0xc8: {  	[tilespmem:s3], [sflag:$0x1] =	stream.indirect_vreg.gather [hbm4b:s20+s4], $0x80, v5, vm0, $0xb8;
	[tilespmem:$0x18D00] =	vst v63  }
0xc9: {  	s0 =	simm.s32 $0x1500;
	v3 =	vperm.xlane v4, v2  }
0xca: {  	[tilespmem:s0], [sflag:$0x1] =	stream.indirect_vreg.gather [hbm4b:s6+s4], $0x80, v5, vm0, $0xb8;
	[tilespmem:$0x18D00] =	vst v63  }
0xcb: {  	v3 =	vadd.s32 v1, v3  }
0xcc: {  	[tilespmem:s30], [sflag:$0x1] =	stream.indirect_vreg.gather [hbm4b:s7+s4], $0x80, v5, vm0, $0xb8;
	[tilespmem:$0x18D00] =	vst v63  }
0xcd: {  	_ = 	snop  }
0xce: {  	[tilespmem:s31], [sflag:$0x1] =	stream.indirect_vreg.gather [hbm4b:s9+s4], $0x80, v5, vm0, $0xb8;
	[tilespmem:$0x18D00] =	vst v63  }
0xcf: {  	s0 =	simm.s32 $0x2D00  }
0xd0: {  	[tilespmem:s0], [sflag:$0x1] =	stream.indirect_vreg.gather [hbm4b:s20+s4], $0x80, v3, vm0, $0xb8;
	[tilespmem:$0x18D00] =	vst v63  }
0xd1: {  	s0 =	simm.s32 $0x3500  }
0xd2: {  	[tilespmem:s0], [sflag:$0x1] =	stream.indirect_vreg.gather [hbm4b:s6+s4], $0x80, v3, vm0, $0xb8;
	[tilespmem:$0x18D00] =	vst v63  }
0xd3: {  	s0 =	simm.s32 $0x3D00  }
0xd4: {  	[tilespmem:s0], [sflag:$0x1] =	stream.indirect_vreg.gather [hbm4b:s7+s4], $0x80, v3, vm0, $0xb8;
	[tilespmem:$0x18D00] =	vst v63  }
0xd5: {  	s0 =	simm.s32 $0x4500  }
0xd6: {  	[tilespmem:s0], [sflag:$0x1] =	stream.indirect_vreg.gather [hbm4b:s9+s4], $0x80, v3, vm0, $0xb8;
	[tilespmem:$0x18D00] =	vst v63  }
0xd7: {  	v3 =	vld [tilespmem:$0x70];
	_ =	sdelay $0x4  }
0xd8: {  	vm1 =	vlt.s32 v3, $0x7D64  }
0xd9: {  	v46 =	vnsel vm1, $0x2, v3  }
0xda: {  	v47 =	vshll.u32 v46, $0x3  }
0xdb: {  	v4 =	vand.u32 $0x7, v46;
	v5 =	vand.u32 $0xFFFFFFC0, v47  }
0xdc: {  	v4 =	vor.u32 v4, v5  }
0xdd: {  	v5 =	vperm.xlane v4, v0;
	_ =	sdelay $0x1  }
0xde: {  	v5 =	vadd.s32 v1, v5;
	_ =	sdelay $0x3  }
0xdf: {  	s0 =	simm.s32 $0x4D00;
	[tilespmem:$0x480] =	vst v3  }
0xe0: {  	[tilespmem:s0], [sflag:$0x1] =	stream.indirect_vreg.gather [hbm4b:s20+s4], $0x80, v5, vm0, $0xb8;
	[tilespmem:$0x18D00] =	vst v63  }
0xe1: {  	v3 =	vperm.xlane v4, v2;
	s0 =	simm.s32 $0x5500  }
0xe2: {  	[tilespmem:s0], [sflag:$0x1] =	stream.indirect_vreg.gather [hbm4b:s6+s4], $0x80, v5, vm0, $0xb8;
	[tilespmem:$0x18D00] =	vst v63  }
0xe3: {  	v3 =	vadd.s32 v1, v3;
	s0 =	simm.s32 $0x5D00  }
0xe4: {  	[tilespmem:s0], [sflag:$0x1] =	stream.indirect_vreg.gather [hbm4b:s7+s4], $0x80, v5, vm0, $0xb8;
	[tilespmem:$0x18D00] =	vst v63  }
0xe5: {  	s0 =	simm.s32 $0x6500  }
0xe6: {  	[tilespmem:s0], [sflag:$0x1] =	stream.indirect_vreg.gather [hbm4b:s9+s4], $0x80, v5, vm0, $0xb8;
	[tilespmem:$0x18D00] =	vst v63  }
0xe7: {  	s0 =	simm.s32 $0x6D00  }
0xe8: {  	[tilespmem:s0], [sflag:$0x1] =	stream.indirect_vreg.gather [hbm4b:s20+s4], $0x80, v3, vm0, $0xb8;
	[tilespmem:$0x18D00] =	vst v63  }
0xe9: {  	s0 =	simm.s32 $0x7500  }
0xea: {  	[tilespmem:s0], [sflag:$0x1] =	stream.indirect_vreg.gather [hbm4b:s6+s4], $0x80, v3, vm0, $0xb8;
	[tilespmem:$0x18D00] =	vst v63  }
0xeb: {  	s0 =	simm.s32 $0x7D00  }
0xec: {  	[tilespmem:s0], [sflag:$0x1] =	stream.indirect_vreg.gather [hbm4b:s7+s4], $0x80, v3, vm0, $0xb8;
	[tilespmem:$0x18D00] =	vst v63  }
0xed: {  	s0 =	simm.s32 $0x8500  }
0xee: {  	[tilespmem:s0], [sflag:$0x1] =	stream.indirect_vreg.gather [hbm4b:s9+s4], $0x80, v3, vm0, $0xb8;
	[tilespmem:$0x18D00] =	vst v63  }
0xef: {  	s0 =	rddreg [dreg:$0x7]  }
0xf0: {  	[hbm4b:s0+s4] =	stream.linear.scatter [tilespmem:s28], [sflag:$0x2], $0x8000, $0x38;
	[tilespmem:$0x18D00] =	vst v63  }
0xf1: {  	_ =	swait.ge [sflag:s5], $0x4000  }
0xf2: {  	[sflag:s5] =	ssyncset.done $0x0  }
0xf3: {  	[sflag:s5] =	ssyncadd.s32 $0xFFFFC000  }
0xf4: {  	_ =	swait.ge [sflag:s5], $0x4000  }
0xf5: {  	[sflag:s5] =	ssyncset.done $0x0  }
0xf6: {  	[sflag:s5] =	ssyncadd.s32 $0xFFFFC000  }
0xf7: {  	_ =	swait.ge [sflag:s1], $0x8000  }
0xf8: {  	[sflag:s1] =	ssyncset.done $0x0  }
0xf9: {  	[sflag:s1] =	ssyncadd.s32 $0xFFFF8000  }
0xfa: {  	v3 =	vld [tilespmem:$0x80];
	_ =	sdelay $0x4  }
0xfb: {  	vm1 =	vlt.s32 v3, $0x7D64  }
0xfc: {  	v48 =	vnsel vm1, $0x2, v3  }
0xfd: {  	v49 =	vshll.u32 v48, $0x3  }
0xfe: {  	v4 =	vand.u32 $0x7, v48;
	v5 =	vand.u32 $0xFFFFFFC0, v49  }
0xff: {  	v4 =	vor.u32 v4, v5  }
0x100: {  	v5 =	vperm.xlane v4, v0;
	_ =	sdelay $0x1  }
0x101: {  	v5 =	vadd.s32 v1, v5;
	_ =	sdelay $0x3  }
0x102: {  	[tilespmem:$0x500] =	vst v3  }
0x103: {  	[tilespmem:s28], [sflag:$0x1] =	stream.indirect_vreg.gather [hbm4b:s20+s4], $0x80, v5, vm0, $0xb8;
	[tilespmem:$0x18D00] =	vst v63  }
0x104: {  	s0 =	simm.s32 $0x9500;
	v3 =	vperm.xlane v4, v2  }
0x105: {  	[tilespmem:s0], [sflag:$0x1] =	stream.indirect_vreg.gather [hbm4b:s6+s4], $0x80, v5, vm0, $0xb8;
	[tilespmem:$0x18D00] =	vst v63  }
0x106: {  	v3 =	vadd.s32 v1, v3;
	s0 =	simm.s32 $0x9D00  }
0x107: {  	[tilespmem:s0], [sflag:$0x1] =	stream.indirect_vreg.gather [hbm4b:s7+s4], $0x80, v5, vm0, $0xb8;
	[tilespmem:$0x18D00] =	vst v63  }
0x108: {  	s0 =	simm.s32 $0xA500  }
0x109: {  	[tilespmem:s0], [sflag:$0x1] =	stream.indirect_vreg.gather [hbm4b:s9+s4], $0x80, v5, vm0, $0xb8;
	[tilespmem:$0x18D00] =	vst v63  }
0x10a: {  	s0 =	simm.s32 $0xAD00  }
0x10b: {  	[tilespmem:s0], [sflag:$0x1] =	stream.indirect_vreg.gather [hbm4b:s20+s4], $0x80, v3, vm0, $0xb8;
	[tilespmem:$0x18D00] =	vst v63  }
0x10c: {  	s0 =	simm.s32 $0xB500  }
0x10d: {  	[tilespmem:s0], [sflag:$0x1] =	stream.indirect_vreg.gather [hbm4b:s6+s4], $0x80, v3, vm0, $0xb8;
	[tilespmem:$0x18D00] =	vst v63  }
0x10e: {  	s0 =	simm.s32 $0xBD00  }
0x10f: {  	[tilespmem:s0], [sflag:$0x1] =	stream.indirect_vreg.gather [hbm4b:s7+s4], $0x80, v3, vm0, $0xb8;
	[tilespmem:$0x18D00] =	vst v63  }
0x110: {  	s0 =	simm.s32 $0xC500  }
0x111: {  	[tilespmem:s0], [sflag:$0x1] =	stream.indirect_vreg.gather [hbm4b:s9+s4], $0x80, v3, vm0, $0xb8;
	[tilespmem:$0x18D00] =	vst v63  }
0x112: {  	v3 =	vld [tilespmem:$0x90];
	_ =	sdelay $0x4  }
0x113: {  	vm1 =	vlt.s32 v3, $0x7D64  }
0x114: {  	v50 =	vnsel vm1, $0x2, v3  }
0x115: {  	v51 =	vshll.u32 v50, $0x3  }
0x116: {  	v4 =	vand.u32 $0x7, v50;
	v5 =	vand.u32 $0xFFFFFFC0, v51  }
0x117: {  	v4 =	vor.u32 v4, v5  }
0x118: {  	v5 =	vperm.xlane v4, v0;
	_ =	sdelay $0x1  }
0x119: {  	v5 =	vadd.s32 v1, v5;
	_ =	sdelay $0x3  }
0x11a: {  	s0 =	simm.s32 $0xCD00;
	[tilespmem:$0x580] =	vst v3  }
0x11b: {  	[tilespmem:s0], [sflag:$0x1] =	stream.indirect_vreg.gather [hbm4b:s20+s4], $0x80, v5, vm0, $0xb8;
	[tilespmem:$0x18D00] =	vst v63  }
0x11c: {  	v3 =	vperm.xlane v4, v2;
	s0 =	simm.s32 $0xD500  }
0x11d: {  	[tilespmem:s0], [sflag:$0x1] =	stream.indirect_vreg.gather [hbm4b:s6+s4], $0x80, v5, vm0, $0xb8;
	[tilespmem:$0x18D00] =	vst v63  }
0x11e: {  	v3 =	vadd.s32 v1, v3;
	s0 =	simm.s32 $0xDD00  }
0x11f: {  	[tilespmem:s0], [sflag:$0x1] =	stream.indirect_vreg.gather [hbm4b:s7+s4], $0x80, v5, vm0, $0xb8;
	[tilespmem:$0x18D00] =	vst v63  }
0x120: {  	s0 =	simm.s32 $0xE500  }
0x121: {  	[tilespmem:s0], [sflag:$0x1] =	stream.indirect_vreg.gather [hbm4b:s9+s4], $0x80, v5, vm0, $0xb8;
	[tilespmem:$0x18D00] =	vst v63  }
0x122: {  	s0 =	simm.s32 $0xED00  }
0x123: {  	[tilespmem:s0], [sflag:$0x1] =	stream.indirect_vreg.gather [hbm4b:s20+s4], $0x80, v3, vm0, $0xb8;
	[tilespmem:$0x18D00] =	vst v63  }
0x124: {  	s0 =	simm.s32 $0xF500  }
0x125: {  	[tilespmem:s0], [sflag:$0x1] =	stream.indirect_vreg.gather [hbm4b:s6+s4], $0x80, v3, vm0, $0xb8;
	[tilespmem:$0x18D00] =	vst v63  }
0x126: {  	s0 =	simm.s32 $0xFD00  }
0x127: {  	[tilespmem:s0], [sflag:$0x1] =	stream.indirect_vreg.gather [hbm4b:s7+s4], $0x80, v3, vm0, $0xb8;
	[tilespmem:$0x18D00] =	vst v63  }
0x128: {  	s0 =	simm.s32 $0x10500  }
0x129: {  	[tilespmem:s0], [sflag:$0x1] =	stream.indirect_vreg.gather [hbm4b:s9+s4], $0x80, v3, vm0, $0xb8;
	[tilespmem:$0x18D00] =	vst v63  }
0x12a: {  	s0 =	rddreg [dreg:$0x8]  }
0x12b: {  	[hbm4b:s0+s4] =	stream.linear.scatter [tilespmem:s29], [sflag:$0x2], $0x8000, $0x38;
	[tilespmem:$0x18D00] =	vst v63  }
0x12c: {  	_ =	swait.ge [sflag:s5], $0x4000  }
0x12d: {  	[sflag:s5] =	ssyncset.done $0x0  }
0x12e: {  	[sflag:s5] =	ssyncadd.s32 $0xFFFFC000  }
0x12f: {  	_ =	swait.ge [sflag:s5], $0x4000  }
0x130: {  	[sflag:s5] =	ssyncset.done $0x0  }
0x131: {  	[sflag:s5] =	ssyncadd.s32 $0xFFFFC000  }
0x132: {  	_ =	swait.ge [sflag:s1], $0x8000  }
0x133: {  	[sflag:s1] =	ssyncset.done $0x0  }
0x134: {  	[sflag:s1] =	ssyncadd.s32 $0xFFFF8000  }
0x135: {  	v3 =	vld [tilespmem:$0xA0];
	_ =	sdelay $0x4  }
0x136: {  	vm1 =	vlt.s32 v3, $0x7D64  }
0x137: {  	v52 =	vnsel vm1, $0x2, v3  }
0x138: {  	v53 =	vshll.u32 v52, $0x3  }
0x139: {  	v4 =	vand.u32 $0x7, v52;
	v5 =	vand.u32 $0xFFFFFFC0, v53  }
0x13a: {  	v4 =	vor.u32 v4, v5  }
0x13b: {  	v5 =	vperm.xlane v4, v0;
	_ =	sdelay $0x1  }
0x13c: {  	v5 =	vadd.s32 v1, v5;
	_ =	sdelay $0x3  }
0x13d: {  	[tilespmem:$0x600] =	vst v3  }
0x13e: {  	[tilespmem:s29], [sflag:$0x1] =	stream.indirect_vreg.gather [hbm4b:s20+s4], $0x80, v5, vm0, $0xb8;
	[tilespmem:$0x18D00] =	vst v63  }
0x13f: {  	v3 =	vperm.xlane v4, v2  }
0x140: {  	[tilespmem:s26], [sflag:$0x1] =	stream.indirect_vreg.gather [hbm4b:s6+s4], $0x80, v5, vm0, $0xb8;
	[tilespmem:$0x18D00] =	vst v63  }
0x141: {  	v3 =	vadd.s32 v1, v3  }
0x142: {  	[tilespmem:s8], [sflag:$0x1] =	stream.indirect_vreg.gather [hbm4b:s7+s4], $0x80, v5, vm0, $0xb8;
	[tilespmem:$0x18D00] =	vst v63  }
0x143: {  	_ = 	snop  }
0x144: {  	[tilespmem:s10], [sflag:$0x1] =	stream.indirect_vreg.gather [hbm4b:s9+s4], $0x80, v5, vm0, $0xb8;
	[tilespmem:$0x18D00] =	vst v63  }
0x145: {  	_ = 	snop  }
0x146: {  	[tilespmem:s11], [sflag:$0x1] =	stream.indirect_vreg.gather [hbm4b:s20+s4], $0x80, v3, vm0, $0xb8;
	[tilespmem:$0x18D00] =	vst v63  }
0x147: {  	_ = 	snop  }
0x148: {  	[tilespmem:s12], [sflag:$0x1] =	stream.indirect_vreg.gather [hbm4b:s6+s4], $0x80, v3, vm0, $0xb8;
	[tilespmem:$0x18D00] =	vst v63  }
0x149: {  	_ = 	snop  }
0x14a: {  	[tilespmem:s13], [sflag:$0x1] =	stream.indirect_vreg.gather [hbm4b:s7+s4], $0x80, v3, vm0, $0xb8;
	[tilespmem:$0x18D00] =	vst v63  }
0x14b: {  	_ = 	snop  }
0x14c: {  	[tilespmem:s14], [sflag:$0x1] =	stream.indirect_vreg.gather [hbm4b:s9+s4], $0x80, v3, vm0, $0xb8;
	[tilespmem:$0x18D00] =	vst v63  }
0x14d: {  	v3 =	vld [tilespmem:$0xB0];
	_ =	sdelay $0x4  }
0x14e: {  	vm1 =	vlt.s32 v3, $0x7D64  }
0x14f: {  	v54 =	vnsel vm1, $0x2, v3  }
0x150: {  	v55 =	vshll.u32 v54, $0x3  }
0x151: {  	v4 =	vand.u32 $0x7, v54;
	v5 =	vand.u32 $0xFFFFFFC0, v55  }
0x152: {  	v4 =	vor.u32 v4, v5  }
0x153: {  	v5 =	vperm.xlane v4, v0;
	_ =	sdelay $0x1  }
0x154: {  	v5 =	vadd.s32 v1, v5;
	_ =	sdelay $0x3  }
0x155: {  	[tilespmem:$0x680] =	vst v3  }
0x156: {  	[tilespmem:s15], [sflag:$0x1] =	stream.indirect_vreg.gather [hbm4b:s20+s4], $0x80, v5, vm0, $0xb8;
	[tilespmem:$0x18D00] =	vst v63  }
0x157: {  	v3 =	vperm.xlane v4, v2  }
0x158: {  	[tilespmem:s16], [sflag:$0x1] =	stream.indirect_vreg.gather [hbm4b:s6+s4], $0x80, v5, vm0, $0xb8;
	[tilespmem:$0x18D00] =	vst v63  }
0x159: {  	v3 =	vadd.s32 v1, v3  }
0x15a: {  	[tilespmem:s17], [sflag:$0x1] =	stream.indirect_vreg.gather [hbm4b:s7+s4], $0x80, v5, vm0, $0xb8;
	[tilespmem:$0x18D00] =	vst v63  }
0x15b: {  	_ = 	snop  }
0x15c: {  	[tilespmem:s21], [sflag:$0x1] =	stream.indirect_vreg.gather [hbm4b:s9+s4], $0x80, v5, vm0, $0xb8;
	[tilespmem:$0x18D00] =	vst v63  }
0x15d: {  	_ = 	snop  }
0x15e: {  	[tilespmem:s22], [sflag:$0x1] =	stream.indirect_vreg.gather [hbm4b:s20+s4], $0x80, v3, vm0, $0xb8;
	[tilespmem:$0x18D00] =	vst v63  }
0x15f: {  	_ = 	snop  }
0x160: {  	[tilespmem:s23], [sflag:$0x1] =	stream.indirect_vreg.gather [hbm4b:s6+s4], $0x80, v3, vm0, $0xb8;
	[tilespmem:$0x18D00] =	vst v63  }
0x161: {  	_ = 	snop  }
0x162: {  	[tilespmem:s24], [sflag:$0x1] =	stream.indirect_vreg.gather [hbm4b:s7+s4], $0x80, v3, vm0, $0xb8;
	[tilespmem:$0x18D00] =	vst v63  }
0x163: {  	_ = 	snop  }
0x164: {  	[tilespmem:s25], [sflag:$0x1] =	stream.indirect_vreg.gather [hbm4b:s9+s4], $0x80, v3, vm0, $0xb8;
	[tilespmem:$0x18D00] =	vst v63  }
0x165: {  	s10 =	rddreg [dreg:$0x9]  }
0x166: {  	[hbm4b:s10+s4] =	stream.linear.scatter [tilespmem:s3], [sflag:$0x2], $0x8000, $0x38;
	[tilespmem:$0x18D00] =	vst v63  }
0x167: {  	_ =	swait.ge [sflag:s5], $0x4000  }
0x168: {  	[sflag:s5] =	ssyncset.done $0x0  }
0x169: {  	[sflag:s5] =	ssyncadd.s32 $0xFFFFC000  }
0x16a: {  	_ =	swait.ge [sflag:s5], $0x4000  }
0x16b: {  	[sflag:s5] =	ssyncset.done $0x0  }
0x16c: {  	[sflag:s5] =	ssyncadd.s32 $0xFFFFC000  }
0x16d: {  	_ =	swait.ge [sflag:s1], $0x8000  }
0x16e: {  	[sflag:s1] =	ssyncset.done $0x0  }
0x16f: {  	[sflag:s1] =	ssyncadd.s32 $0xFFFF8000  }
0x170: {  	v3 =	vld [tilespmem:$0xC0];
	_ =	sdelay $0x4  }
0x171: {  	vm1 =	vlt.s32 v3, $0x7D64  }
0x172: {  	v56 =	vnsel vm1, $0x2, v3  }
0x173: {  	v57 =	vshll.u32 v56, $0x3  }
0x174: {  	v4 =	vand.u32 $0x7, v56;
	v5 =	vand.u32 $0xFFFFFFC0, v57  }
0x175: {  	v4 =	vor.u32 v4, v5  }
0x176: {  	v5 =	vperm.xlane v4, v0;
	_ =	sdelay $0x1  }
0x177: {  	v5 =	vadd.s32 v1, v5;
	_ =	sdelay $0x3  }
0x178: {  	[tilespmem:$0x700] =	vst v3  }
0x179: {  	[tilespmem:s3], [sflag:$0x1] =	stream.indirect_vreg.gather [hbm4b:s20+s4], $0x80, v5, vm0, $0xb8;
	[tilespmem:$0x18D00] =	vst v63  }
0x17a: {  	s11 =	simm.s32 $0x1500;
	v3 =	vperm.xlane v4, v2  }
0x17b: {  	[tilespmem:s11], [sflag:$0x1] =	stream.indirect_vreg.gather [hbm4b:s6+s4], $0x80, v5, vm0, $0xb8;
	[tilespmem:$0x18D00] =	vst v63  }
0x17c: {  	v3 =	vadd.s32 v1, v3  }
0x17d: {  	[tilespmem:s30], [sflag:$0x1] =	stream.indirect_vreg.gather [hbm4b:s7+s4], $0x80, v5, vm0, $0xb8;
	[tilespmem:$0x18D00] =	vst v63  }
0x17e: {  	_ = 	snop  }
0x17f: {  	[tilespmem:s31], [sflag:$0x1] =	stream.indirect_vreg.gather [hbm4b:s9+s4], $0x80, v5, vm0, $0xb8;
	[tilespmem:$0x18D00] =	vst v63  }
0x180: {  	s12 =	simm.s32 $0x2D00  }
0x181: {  	[tilespmem:s12], [sflag:$0x1] =	stream.indirect_vreg.gather [hbm4b:s20+s4], $0x80, v3, vm0, $0xb8;
	[tilespmem:$0x18D00] =	vst v63  }
0x182: {  	s13 =	simm.s32 $0x3500  }
0x183: {  	[tilespmem:s13], [sflag:$0x1] =	stream.indirect_vreg.gather [hbm4b:s6+s4], $0x80, v3, vm0, $0xb8;
	[tilespmem:$0x18D00] =	vst v63  }
0x184: {  	s14 =	simm.s32 $0x3D00  }
0x185: {  	[tilespmem:s14], [sflag:$0x1] =	stream.indirect_vreg.gather [hbm4b:s7+s4], $0x80, v3, vm0, $0xb8;
	[tilespmem:$0x18D00] =	vst v63  }
0x186: {  	s15 =	simm.s32 $0x4500  }
0x187: {  	[tilespmem:s15], [sflag:$0x1] =	stream.indirect_vreg.gather [hbm4b:s9+s4], $0x80, v3, vm0, $0xb8;
	[tilespmem:$0x18D00] =	vst v63  }
0x188: {  	v3 =	vld [tilespmem:$0xD0];
	_ =	sdelay $0x4  }
0x189: {  	vm1 =	vlt.s32 v3, $0x7D64  }
0x18a: {  	v58 =	vnsel vm1, $0x2, v3  }
0x18b: {  	v59 =	vshll.u32 v58, $0x3  }
0x18c: {  	v4 =	vand.u32 $0x7, v58;
	v5 =	vand.u32 $0xFFFFFFC0, v59  }
0x18d: {  	v4 =	vor.u32 v4, v5  }
0x18e: {  	v5 =	vperm.xlane v4, v0;
	_ =	sdelay $0x1  }
0x18f: {  	v5 =	vadd.s32 v1, v5;
	_ =	sdelay $0x3  }
0x190: {  	s16 =	simm.s32 $0x4D00;
	[tilespmem:$0x780] =	vst v3  }
0x191: {  	[tilespmem:s16], [sflag:$0x1] =	stream.indirect_vreg.gather [hbm4b:s20+s4], $0x80, v5, vm0, $0xb8;
	[tilespmem:$0x18D00] =	vst v63  }
0x192: {  	s17 =	simm.s32 $0x5500;
	v3 =	vperm.xlane v4, v2  }
0x193: {  	[tilespmem:s17], [sflag:$0x1] =	stream.indirect_vreg.gather [hbm4b:s6+s4], $0x80, v5, vm0, $0xb8;
	[tilespmem:$0x18D00] =	vst v63  }
0x194: {  	s21 =	simm.s32 $0x5D00;
	v3 =	vadd.s32 v1, v3  }
0x195: {  	[tilespmem:s21], [sflag:$0x1] =	stream.indirect_vreg.gather [hbm4b:s7+s4], $0x80, v5, vm0, $0xb8;
	[tilespmem:$0x18D00] =	vst v63  }
0x196: {  	s22 =	simm.s32 $0x6500  }
0x197: {  	[tilespmem:s22], [sflag:$0x1] =	stream.indirect_vreg.gather [hbm4b:s9+s4], $0x80, v5, vm0, $0xb8;
	[tilespmem:$0x18D00] =	vst v63  }
0x198: {  	s23 =	simm.s32 $0x6D00  }
0x199: {  	[tilespmem:s23], [sflag:$0x1] =	stream.indirect_vreg.gather [hbm4b:s20+s4], $0x80, v3, vm0, $0xb8;
	[tilespmem:$0x18D00] =	vst v63  }
0x19a: {  	s24 =	simm.s32 $0x7500  }
0x19b: {  	[tilespmem:s24], [sflag:$0x1] =	stream.indirect_vreg.gather [hbm4b:s6+s4], $0x80, v3, vm0, $0xb8;
	[tilespmem:$0x18D00] =	vst v63  }
0x19c: {  	s25 =	simm.s32 $0x7D00  }
0x19d: {  	[tilespmem:s25], [sflag:$0x1] =	stream.indirect_vreg.gather [hbm4b:s7+s4], $0x80, v3, vm0, $0xb8;
	[tilespmem:$0x18D00] =	vst v63  }
0x19e: {  	s26 =	simm.s32 $0x8500  }
0x19f: {  	[tilespmem:s26], [sflag:$0x1] =	stream.indirect_vreg.gather [hbm4b:s9+s4], $0x80, v3, vm0, $0xb8;
	[tilespmem:$0x18D00] =	vst v63  }
0x1a0: {  	s30 =	rddreg [dreg:$0xa]  }
0x1a1: {  	[hbm4b:s30+s4] =	stream.linear.scatter [tilespmem:s28], [sflag:$0x2], $0x8000, $0x38;
	[tilespmem:$0x18D00] =	vst v63  }
0x1a2: {  	_ =	swait.ge [sflag:s5], $0x4000  }
0x1a3: {  	[sflag:s5] =	ssyncset.done $0x0  }
0x1a4: {  	[sflag:s5] =	ssyncadd.s32 $0xFFFFC000  }
0x1a5: {  	_ =	swait.ge [sflag:s5], $0x4000  }
0x1a6: {  	[sflag:s5] =	ssyncset.done $0x0  }
0x1a7: {  	[sflag:s5] =	ssyncadd.s32 $0xFFFFC000  }
0x1a8: {  	_ =	swait.ge [sflag:s1], $0x8000  }
0x1a9: {  	[sflag:s1] =	ssyncset.done $0x0  }
0x1aa: {  	[sflag:s1] =	ssyncadd.s32 $0xFFFF8000  }
0x1ab: {  	v3 =	vld [tilespmem:$0xE0];
	_ =	sdelay $0x4  }
0x1ac: {  	vm1 =	vlt.s32 v3, $0x7D64  }
0x1ad: {  	v60 =	vnsel vm1, $0x2, v3  }
0x1ae: {  	v61 =	vshll.u32 v60, $0x3  }
0x1af: {  	v4 =	vand.u32 $0x7, v60;
	v5 =	vand.u32 $0xFFFFFFC0, v61  }
0x1b0: {  	v4 =	vor.u32 v4, v5  }
0x1b1: {  	v5 =	vperm.xlane v4, v0;
	_ =	sdelay $0x1  }
0x1b2: {  	v5 =	vadd.s32 v1, v5;
	_ =	sdelay $0x3  }
0x1b3: {  	[tilespmem:$0x800] =	vst v3  }
0x1b4: {  	[tilespmem:s28], [sflag:$0x1] =	stream.indirect_vreg.gather [hbm4b:s20+s4], $0x80, v5, vm0, $0xb8;
	[tilespmem:$0x18D00] =	vst v63  }
0x1b5: {  	s31 =	simm.s32 $0x9500;
	v3 =	vperm.xlane v4, v2  }
0x1b6: {  	[tilespmem:s31], [sflag:$0x1] =	stream.indirect_vreg.gather [hbm4b:s6+s4], $0x80, v5, vm0, $0xb8;
	[tilespmem:$0x18D00] =	vst v63  }
0x1b7: {  	s8 =	simm.s32 $0x9D00;
	v3 =	vadd.s32 v1, v3  }
0x1b8: {  	[tilespmem:s8], [sflag:$0x1] =	stream.indirect_vreg.gather [hbm4b:s7+s4], $0x80, v5, vm0, $0xb8;
	[tilespmem:$0x18D00] =	vst v63  }
0x1b9: {  	s10 =	simm.s32 $0xA500  }
0x1ba: {  	[tilespmem:s10], [sflag:$0x1] =	stream.indirect_vreg.gather [hbm4b:s9+s4], $0x80, v5, vm0, $0xb8;
	[tilespmem:$0x18D00] =	vst v63  }
0x1bb: {  	s11 =	simm.s32 $0xAD00  }
0x1bc: {  	[tilespmem:s11], [sflag:$0x1] =	stream.indirect_vreg.gather [hbm4b:s20+s4], $0x80, v3, vm0, $0xb8;
	[tilespmem:$0x18D00] =	vst v63  }
0x1bd: {  	s12 =	simm.s32 $0xB500  }
0x1be: {  	[tilespmem:s12], [sflag:$0x1] =	stream.indirect_vreg.gather [hbm4b:s6+s4], $0x80, v3, vm0, $0xb8;
	[tilespmem:$0x18D00] =	vst v63  }
0x1bf: {  	s13 =	simm.s32 $0xBD00  }
0x1c0: {  	[tilespmem:s13], [sflag:$0x1] =	stream.indirect_vreg.gather [hbm4b:s7+s4], $0x80, v3, vm0, $0xb8;
	[tilespmem:$0x18D00] =	vst v63  }
0x1c1: {  	s14 =	simm.s32 $0xC500  }
0x1c2: {  	[tilespmem:s14], [sflag:$0x1] =	stream.indirect_vreg.gather [hbm4b:s9+s4], $0x80, v3, vm0, $0xb8;
	[tilespmem:$0x18D00] =	vst v63  }
0x1c3: {  	v3 =	vld [tilespmem:$0xF0];
	_ =	sdelay $0x4  }
0x1c4: {  	vm1 =	vlt.s32 v3, $0x7D64  }
0x1c5: {  	v62 =	vnsel vm1, $0x2, v3  }
0x1c6: {  	v63 =	vshll.u32 v62, $0x3  }
0x1c7: {  	v4 =	vand.u32 $0x7, v62;
	v5 =	vand.u32 $0xFFFFFFC0, v63  }
0x1c8: {  	v4 =	vor.u32 v4, v5  }
0x1c9: {  	v5 =	vperm.xlane v4, v0;
	_ =	sdelay $0x1  }
0x1ca: {  	v5 =	vadd.s32 v1, v5;
	_ =	sdelay $0x3  }
0x1cb: {  	s15 =	simm.s32 $0xCD00;
	[tilespmem:$0x880] =	vst v3  }
0x1cc: {  	[tilespmem:s15], [sflag:$0x1] =	stream.indirect_vreg.gather [hbm4b:s20+s4], $0x80, v5, vm0, $0xb8;
	[tilespmem:$0x18D00] =	vst v63  }
0x1cd: {  	s16 =	simm.s32 $0xD500;
	v3 =	vperm.xlane v4, v2  }
0x1ce: {  	[tilespmem:s16], [sflag:$0x1] =	stream.indirect_vreg.gather [hbm4b:s6+s4], $0x80, v5, vm0, $0xb8;
	[tilespmem:$0x18D00] =	vst v63  }
0x1cf: {  	s17 =	simm.s32 $0xDD00;
	v3 =	vadd.s32 v1, v3  }
0x1d0: {  	[tilespmem:s17], [sflag:$0x1] =	stream.indirect_vreg.gather [hbm4b:s7+s4], $0x80, v5, vm0, $0xb8;
	[tilespmem:$0x18D00] =	vst v63  }
0x1d1: {  	s21 =	simm.s32 $0xE500  }
0x1d2: {  	[tilespmem:s21], [sflag:$0x1] =	stream.indirect_vreg.gather [hbm4b:s9+s4], $0x80, v5, vm0, $0xb8;
	[tilespmem:$0x18D00] =	vst v63  }
0x1d3: {  	s22 =	simm.s32 $0xED00  }
0x1d4: {  	[tilespmem:s22], [sflag:$0x1] =	stream.indirect_vreg.gather [hbm4b:s20+s4], $0x80, v3, vm0, $0xb8;
	[tilespmem:$0x18D00] =	vst v63  }
0x1d5: {  	s23 =	simm.s32 $0xF500  }
0x1d6: {  	[tilespmem:s23], [sflag:$0x1] =	stream.indirect_vreg.gather [hbm4b:s6+s4], $0x80, v3, vm0, $0xb8;
	[tilespmem:$0x18D00] =	vst v63  }
0x1d7: {  	s24 =	simm.s32 $0xFD00  }
0x1d8: {  	[tilespmem:s24], [sflag:$0x1] =	stream.indirect_vreg.gather [hbm4b:s7+s4], $0x80, v3, vm0, $0xb8;
	[tilespmem:$0x18D00] =	vst v63  }
0x1d9: {  	s25 =	simm.s32 $0x10500  }
0x1da: {  	[tilespmem:s25], [sflag:$0x1] =	stream.indirect_vreg.gather [hbm4b:s9+s4], $0x80, v3, vm0, $0xb8;
	[tilespmem:$0x18D00] =	vst v63  }
0x1db: {  	s26 =	rddreg [dreg:$0xb]  }
0x1dc: {  	[hbm4b:s26+s4] =	stream.linear.scatter [tilespmem:s29], [sflag:$0x2], $0x8000, $0x38;
	[tilespmem:$0x18D00] =	vst v63  }
0x1dd: {  	_ =	swait.ge [sflag:s5], $0x4000  }
0x1de: {  	[sflag:s5] =	ssyncset.done $0x0  }
0x1df: {  	[sflag:s5] =	ssyncadd.s32 $0xFFFFC000  }
0x1e0: {  	_ =	swait.ge [sflag:s5], $0x4000  }
0x1e1: {  	[sflag:s5] =	ssyncset.done $0x0  }
0x1e2: {  	s29 =	rddreg [dreg:$0xc];
	[sflag:s5] =	ssyncadd.s32 $0xFFFFC000  }
0x1e3: {  	[hbm4b:s29+s4] =	stream.linear.scatter [tilespmem:s3], [sflag:$0x2], $0x8000, $0x38;
	[tilespmem:$0x18D00] =	vst v63  }
0x1e4: {  	_ =	swait.ge [sflag:s5], $0x4000  }
0x1e5: {  	[sflag:s5] =	ssyncset.done $0x0  }
0x1e6: {  	[sflag:s5] =	ssyncadd.s32 $0xFFFFC000  }
0x1e7: {  	_ =	swait.ge [sflag:s5], $0x4000  }
0x1e8: {  	[sflag:s5] =	ssyncset.done $0x0  }
0x1e9: {  	s30 =	rddreg [dreg:$0xd];
	[sflag:s5] =	ssyncadd.s32 $0xFFFFC000  }
0x1ea: {  	[hbm4b:s30+s4] =	stream.linear.scatter [tilespmem:s28], [sflag:$0x2], $0x8000, $0x38;
	[tilespmem:$0x18D00] =	vst v63  }
0x1eb: {  	_ =	swait.ge [sflag:s1], $0x8000  }
0x1ec: {  	[sflag:s1] =	ssyncset.done $0x0  }
0x1ed: {  	[sflag:s1] =	ssyncadd.s32 $0xFFFF8000  }
0x1ee: {  	_ =	swait.ge [sflag:s1], $0x8000  }
0x1ef: {  	[sflag:s1] =	ssyncset.done $0x0  }
0x1f0: {  	[sflag:s1] =	ssyncadd.s32 $0xFFFF8000  }
0x1f1: {  	_ =	swait.ge [sflag:s1], $0x8000  }
0x1f2: {  	[sflag:s1] =	ssyncset.done $0x0  }
0x1f3: {  	s31 =	simm.s32 $0x100;
	[sflag:s1] =	ssyncadd.s32 $0xFFFF8000  }
0x1f4: {  	v3 =	vld [tilespmem:s31+$0x0];
	_ =	sdelay $0x4  }
0x1f5: {  	(v2sf) =	vpush v3, $0x2  }
0x1f6: {  	(v2sf) =	vpush v3, $0x1  }
0x1f7: {  	(v2sf) =	vpush v3, $0x0;
	_ =	sdelay $0x1  }
0x1f8: {  	(v2sf) =	vpush v3, $0x3  }
0x1f9: {  	(v2sf) =	vpush v3, $0x4;
	_ =	sdelay $0x3  }
0x1fa: {  	(v2sf) =	vpush v3, $0x5  }
0x1fb: {  	(v2sf) =	vpush v3, $0x6;
	_ =	sdelay $0x4  }
0x1fc: {  	s15 =	spop (v2sf)  }
0x1fd: {  	s16 =	spop (v2sf)  }
0x1fe: {  	s8 =	spop (v2sf)  }
0x1ff: {  	p0 =	slt.s32 s15, $0x7D64;
	p2 =	slt.s32 s16, $0x7D64;
	p1 =	slt.s32 s8, $0x7D64  }
0x200: {  	s14 =	spop (v2sf);
	s16 =	sadd.s32 @!p2 $0xFFFF829C, s16;
	s8 =	sadd.s32 @!p1 $0xFFFF829C, s8  }
0x201: {  	s17 =	simm.s32 @!p1 $0x900;
	s12 =	spop (v2sf);
	s22 =	simm.s32 @!p1 $0x4  }
0x202: {  	s26 =	simm.s32 @!p1 $0x400;
	s11 =	sshll.u32 @!p1 s8, $0x7;
	s24 =	sshll.u32 @!p1 s8, $0xA  }
0x203: {  	s28 =	simm.s32 @!p1 $0x80;
	s25 =	sand.u32 @!p1 $0x380, s11;
	s24 =	sand.u32 @!p1 $0xFFFFE000, s24  }
0x204: {  	s29 =	sshll.u32 @!p2 s16, $0xA;
	s16 =	sshll.u32 @!p2 s16, $0x7;
	s24 =	sor.u32 @!p1 s25, s24  }
0x205: {  	s8 =	spop (v2sf);
	s29 =	sand.u32 @!p2 $0xFFFFE000, s29;
	s24 =	sshrl.u32 @!p1 s24, $0x3  }
0x206: {  	s16 =	sand.u32 @!p2 $0x380, s16;
	s11 =	spop (v2sf);
	s24 =	sadd.s32 @!p1 s2, s24  }
0x207: {  	(v2sf) =	vpush v3, $0x7;
	[tilespmem:s17], [sflag:$0x4] =	stream.strided.gather @!p1 [hbm4b:s24+s28], $0x400, s26, s28, $0x38;
	[tilespmem:$0x18D00] =	vst v63  }
0x208: {  	s15 =	sadd.s32 @!p0 $0xFFFF829C, s15;
	s16 =	sor.u32 @!p2 s16, s29;
	_ =	swait.ge @!p1 [sflag:s22], $0x400  }
0x209: {  	s30 =	simm.s32 @!p2 $0x900;
	s16 =	sshrl.u32 @!p2 s16, $0x3;
	[sflag:s22] =	ssyncset.done @!p1 $0x0  }
0x20a: {  	s25 =	sadd.s32 @!p1 $0x0, s19;
	s16 =	sadd.s32 @!p2 s2, s16;
	[sflag:s22] =	ssyncadd.s32 @!p1 $0xFFFFFC00  }
0x20b: {  	[hbm4b:s25+s28] =	stream.strided.scatter @!p1 [tilespmem:s17], [sflag:$0x4], $0x400, s26, s28, $0x38;
	[tilespmem:$0x18D00] =	vst v63  }
0x20c: {  	s24 =	simm.s32 @!p2 $0x4;
	s17 =	simm.s32 @!p2 $0x400;
	_ =	swait.ge @!p1 [sflag:s22], $0x400  }
0x20d: {  	s25 =	simm.s32 @!p2 $0x80;
	s26 =	sadd.s32 @!p2 $0x0, s19;
	[sflag:s22] =	ssyncset.done @!p1 $0x0  }
0x20e: {  	[sflag:s22] =	ssyncadd.s32 @!p1 $0xFFFFFC00;
	s22 =	sshll.u32 @!p0 s15, $0xA;
	s15 =	sshll.u32 @!p0 s15, $0x7  }
0x20f: {  	[tilespmem:s30], [sflag:$0x4] =	stream.strided.gather @!p2 [hbm4b:s16+s25], $0x400, s17, s25, $0x38;
	[tilespmem:$0x18D00] =	vst v63  }
0x210: {  	p1 =	slt.s32 s14, $0x7D64;
	s16 =	sadd.s32 @!p2 $0x10, s26;
	_ =	swait.ge @!p2 [sflag:s24], $0x400  }
0x211: {  	s22 =	sand.u32 @!p0 $0xFFFFE000, s22;
	s15 =	sand.u32 @!p0 $0x380, s15;
	[sflag:s24] =	ssyncset.done @!p2 $0x0  }
0x212: {  	s26 =	sadd.s32 @!p0 $0x0, s19;
	s15 =	sor.u32 @!p0 s15, s22;
	[sflag:s24] =	ssyncadd.s32 @!p2 $0xFFFFFC00  }
0x213: {  	[hbm4b:s16+s25] =	stream.strided.scatter @!p2 [tilespmem:s30], [sflag:$0x4], $0x400, s17, s25, $0x38;
	[tilespmem:$0x18D00] =	vst v63  }
0x214: {  	s14 =	sadd.s32 @!p1 $0xFFFF829C, s14;
	s15 =	sshrl.u32 @!p0 s15, $0x3;
	_ =	swait.ge @!p2 [sflag:s24], $0x400  }
0x215: {  	s22 =	simm.s32 @!p0 $0x900;
	s15 =	sadd.s32 @!p0 s2, s15;
	[sflag:s24] =	ssyncset.done @!p2 $0x0  }
0x216: {  	s25 =	simm.s32 @!p0 $0x400;
	(v2sf) =	vpush v3, $0x8;
	[sflag:s24] =	ssyncadd.s32 @!p2 $0xFFFFFC00;
	s24 =	simm.s32 @!p0 $0x80  }
0x217: {  	[tilespmem:s22], [sflag:$0x4] =	stream.strided.gather @!p0 [hbm4b:s15+s24], $0x400, s25, s24, $0x38;
	[tilespmem:$0x18D00] =	vst v63  }
0x218: {  	s16 =	simm.s32 @!p0 $0x4;
	s17 =	spop (v2sf);
	(v2sf) =	vpush v3, $0x9;
	s15 =	sadd.s32 @!p0 $0x20, s26  }
0x219: {  	s26 =	sshll.u32 @!p1 s14, $0x7;
	s14 =	sshll.u32 @!p1 s14, $0xA;
	_ =	swait.ge @!p0 [sflag:s16], $0x400  }
0x21a: {  	s26 =	sand.u32 @!p1 $0x380, s26;
	s14 =	sand.u32 @!p1 $0xFFFFE000, s14;
	[sflag:s16] =	ssyncset.done @!p0 $0x0  }
0x21b: {  	s14 =	sor.u32 @!p1 s26, s14;
	[sflag:s16] =	ssyncadd.s32 @!p0 $0xFFFFFC00  }
0x21c: {  	[hbm4b:s15+s24] =	stream.strided.scatter @!p0 [tilespmem:s22], [sflag:$0x4], $0x400, s25, s24, $0x38;
	[tilespmem:$0x18D00] =	vst v63  }
0x21d: {  	s28 =	simm.s32 @!p1 $0x400;
	s14 =	sshrl.u32 @!p1 s14, $0x3;
	_ =	swait.ge @!p0 [sflag:s16], $0x400  }
0x21e: {  	s15 =	simm.s32 @!p1 $0x80;
	s25 =	simm.s32 @!p1 $0x4;
	[sflag:s16] =	ssyncset.done @!p0 $0x0;
	(v2sf) =	vpush v3, $0xA  }
0x21f: {  	s14 =	sadd.s32 @!p1 s2, s14;
	[sflag:s16] =	ssyncadd.s32 @!p0 $0xFFFFFC00;
	(v2sf) =	vpush v3, $0xB;
	s16 =	simm.s32 @!p1 $0x900  }
0x220: {  	[tilespmem:s16], [sflag:$0x4] =	stream.strided.gather @!p1 [hbm4b:s14+s15], $0x400, s28, s15, $0x38;
	(v2sf) =	vpush v3, $0xC;
	[tilespmem:$0x18D00] =	vst v63  }
0x221: {  	_ =	swait.ge @!p1 [sflag:s25], $0x400  }
0x222: {  	s14 =	sadd.s32 @!p1 $0x0, s19;
	[sflag:s25] =	ssyncset.done @!p1 $0x0  }
0x223: {  	p0 =	slt.s32 s12, $0x7D64;
	s14 =	sadd.s32 @!p1 $0x30, s14;
	[sflag:s25] =	ssyncadd.s32 @!p1 $0xFFFFFC00  }
0x224: {  	[hbm4b:s14+s15] =	stream.strided.scatter @!p1 [tilespmem:s16], [sflag:$0x4], $0x400, s28, s15, $0x38;
	[tilespmem:$0x18D00] =	vst v63  }
0x225: {  	s12 =	sadd.s32 @!p0 $0xFFFF829C, s12;
	s26 =	simm.s32 @!p0 $0x80;
	(v2sf) =	vpush v3, $0xD;
	s24 =	spop (v2sf)  }
0x226: {  	s14 =	sshll.u32 @!p0 s12, $0xA;
	s12 =	sshll.u32 @!p0 s12, $0x7;
	_ =	swait.ge @!p1 [sflag:s25], $0x400  }
0x227: {  	s29 =	simm.s32 @!p0 $0x900;
	s14 =	sand.u32 @!p0 $0xFFFFE000, s14;
	s12 =	sand.u32 @!p0 $0x380, s12;
	(v2sf) =	vpush v3, $0xE  }
0x228: {  	s28 =	simm.s32 @!p0 $0x4;
	s12 =	sor.u32 @!p0 s12, s14;
	s14 =	simm.s32 @!p0 $0x400  }
0x229: {  	s12 =	sshrl.u32 @!p0 s12, $0x3;
	s22 =	spop (v2sf);
	[sflag:s25] =	ssyncset.done @!p1 $0x0  }
0x22a: {  	s12 =	sadd.s32 @!p0 s2, s12;
	[sflag:s25] =	ssyncadd.s32 @!p1 $0xFFFFFC00;
	p1 =	slt.s32 s8, $0x7D64  }
0x22b: {  	(v2sf) =	vpush v3, $0xF;
	[tilespmem:s29], [sflag:$0x4] =	stream.strided.gather @!p0 [hbm4b:s12+s26], $0x400, s14, s26, $0x38;
	[tilespmem:$0x18D00] =	vst v63  }
0x22c: {  	s15 =	sadd.s32 @!p0 $0x0, s19;
	s8 =	sadd.s32 @!p1 $0xFFFF829C, s8;
	_ =	swait.ge @!p0 [sflag:s28], $0x400  }
0x22d: {  	s15 =	sadd.s32 @!p0 $0x40, s15;
	s12 =	sshll.u32 @!p1 s8, $0xA;
	[sflag:s28] =	ssyncset.done @!p0 $0x0  }
0x22e: {  	s8 =	sshll.u32 @!p1 s8, $0x7;
	[sflag:s28] =	ssyncadd.s32 @!p0 $0xFFFFFC00;
	s25 =	spop (v2sf)  }
0x22f: {  	[hbm4b:s15+s26] =	stream.strided.scatter @!p0 [tilespmem:s29], [sflag:$0x4], $0x400, s14, s26, $0x38;
	[tilespmem:$0x18D00] =	vst v63  }
0x230: {  	s12 =	sand.u32 @!p1 $0xFFFFE000, s12;
	s8 =	sand.u32 @!p1 $0x380, s8;
	s16 =	spop (v2sf)  }
0x231: {  	s8 =	sor.u32 @!p1 s8, s12;
	s12 =	spop (v2sf)  }
0x232: {  	s30 =	simm.s32 @!p1 $0x900;
	s8 =	sshrl.u32 @!p1 s8, $0x3;
	_ =	swait.ge @!p0 [sflag:s28], $0x400  }
0x233: {  	s15 =	simm.s32 @!p1 $0x400;
	s29 =	sadd.s32 @!p1 s2, s8;
	[sflag:s28] =	ssyncset.done @!p0 $0x0  }
0x234: {  	s14 =	spop (v2sf);
	[sflag:s28] =	ssyncadd.s32 @!p0 $0xFFFFFC00;
	s28 =	simm.s32 @!p1 $0x80  }
0x235: {  	[tilespmem:s30], [sflag:$0x4] =	stream.strided.gather @!p1 [hbm4b:s29+s28], $0x400, s15, s28, $0x38;
	[tilespmem:$0x18D00] =	vst v63  }
0x236: {  	s26 =	simm.s32 @!p1 $0x4;
	s8 =	spop (v2sf)  }
0x237: {  	_ =	swait.ge @!p1 [sflag:s26], $0x400  }
0x238: {  	p0 =	slt.s32 s11, $0x7D64;
	s29 =	sadd.s32 @!p1 $0x0, s19;
	[sflag:s26] =	ssyncset.done @!p1 $0x0  }
0x239: {  	s11 =	sadd.s32 @!p0 $0xFFFF829C, s11;
	s29 =	sadd.s32 @!p1 $0x50, s29;
	[sflag:s26] =	ssyncadd.s32 @!p1 $0xFFFFFC00  }
0x23a: {  	[hbm4b:s29+s28] =	stream.strided.scatter @!p1 [tilespmem:s30], [sflag:$0x4], $0x400, s15, s28, $0x38;
	[tilespmem:$0x18D00] =	vst v63  }
0x23b: {  	s15 =	sshll.u32 @!p0 s11, $0xA;
	s11 =	sshll.u32 @!p0 s11, $0x7  }
0x23c: {  	s15 =	sand.u32 @!p0 $0xFFFFE000, s15;
	s11 =	sand.u32 @!p0 $0x380, s11  }
0x23d: {  	s11 =	sor.u32 @!p0 s11, s15;
	s15 =	spop (v2sf)  }
0x23e: {  	s28 =	simm.s32 @!p0 $0x400;
	s29 =	simm.s32 @!p0 $0x900;
	_ =	swait.ge @!p1 [sflag:s26], $0x400  }
0x23f: {  	s30 =	simm.s32 @!p0 $0x80;
	s11 =	sshrl.u32 @!p0 s11, $0x3;
	[sflag:s26] =	ssyncset.done @!p1 $0x0  }
0x240: {  	s11 =	sadd.s32 @!p0 s2, s11;
	[sflag:s26] =	ssyncadd.s32 @!p1 $0xFFFFFC00;
	s26 =	simm.s32 @!p0 $0x4  }
0x241: {  	[tilespmem:s29], [sflag:$0x4] =	stream.strided.gather @!p0 [hbm4b:s11+s30], $0x400, s28, s30, $0x38;
	[tilespmem:$0x18D00] =	vst v63  }
0x242: {  	_ =	swait.ge @!p0 [sflag:s26], $0x400  }
0x243: {  	s11 =	sadd.s32 @!p0 $0x0, s19;
	[sflag:s26] =	ssyncset.done @!p0 $0x0  }
0x244: {  	p2 =	slt.s32 s17, $0x7D64;
	s11 =	sadd.s32 @!p0 $0x60, s11;
	[sflag:s26] =	ssyncadd.s32 @!p0 $0xFFFFFC00  }
0x245: {  	[hbm4b:s11+s30] =	stream.strided.scatter @!p0 [tilespmem:s29], [sflag:$0x4], $0x400, s28, s30, $0x38;
	[tilespmem:$0x18D00] =	vst v63  }
0x246: {  	s11 =	sadd.s32 @!p2 $0xFFFF829C, s17  }
0x247: {  	s17 =	sshll.u32 @!p2 s11, $0xA;
	s11 =	sshll.u32 @!p2 s11, $0x7  }
0x248: {  	s28 =	simm.s32 @!p2 $0x900;
	s17 =	sand.u32 @!p2 $0xFFFFE000, s17;
	s11 =	sand.u32 @!p2 $0x380, s11  }
0x249: {  	s29 =	simm.s32 @!p2 $0x4;
	_ =	swait.ge @!p0 [sflag:s26], $0x400;
	s11 =	sor.u32 @!p2 s11, s17  }
0x24a: {  	[sflag:s26] =	ssyncset.done @!p0 $0x0;
	s17 =	simm.s32 @!p2 $0x80;
	s11 =	sshrl.u32 @!p2 s11, $0x3  }
0x24b: {  	[sflag:s26] =	ssyncadd.s32 @!p0 $0xFFFFFC00;
	s26 =	simm.s32 @!p2 $0x400;
	s11 =	sadd.s32 @!p2 s2, s11  }
0x24c: {  	[tilespmem:s28], [sflag:$0x4] =	stream.strided.gather @!p2 [hbm4b:s11+s17], $0x400, s26, s17, $0x38;
	[tilespmem:$0x18D00] =	vst v63  }
0x24d: {  	_ =	swait.ge @!p2 [sflag:s29], $0x400  }
0x24e: {  	s11 =	sadd.s32 @!p2 $0x0, s19;
	[sflag:s29] =	ssyncset.done @!p2 $0x0  }
0x24f: {  	p1 =	slt.s32 s24, $0x7D64;
	s11 =	sadd.s32 @!p2 $0x70, s11;
	[sflag:s29] =	ssyncadd.s32 @!p2 $0xFFFFFC00  }
0x250: {  	[hbm4b:s11+s17] =	stream.strided.scatter @!p2 [tilespmem:s28], [sflag:$0x4], $0x400, s26, s17, $0x38;
	[tilespmem:$0x18D00] =	vst v63  }
0x251: {  	s11 =	sadd.s32 @!p1 $0xFFFF829C, s24  }
0x252: {  	p3 =	slt.s32 s12, $0x7D64;
	s17 =	sshll.u32 @!p1 s11, $0xA;
	s11 =	sshll.u32 @!p1 s11, $0x7  }
0x253: {  	s24 =	simm.s32 @!p1 $0x400;
	s11 =	sand.u32 @!p1 $0x380, s11;
	s17 =	sand.u32 @!p1 $0xFFFFE000, s17  }
0x254: {  	s26 =	simm.s32 @!p1 $0x80;
	_ =	swait.ge @!p2 [sflag:s29], $0x400;
	s11 =	sor.u32 @!p1 s11, s17  }
0x255: {  	s28 =	simm.s32 @!p1 $0x4;
	[sflag:s29] =	ssyncset.done @!p2 $0x0;
	s11 =	sshrl.u32 @!p1 s11, $0x3  }
0x256: {  	s17 =	simm.s32 @!p1 $0x900;
	[sflag:s29] =	ssyncadd.s32 @!p2 $0xFFFFFC00;
	s11 =	sadd.s32 @!p1 s2, s11  }
0x257: {  	[tilespmem:s17], [sflag:$0x4] =	stream.strided.gather @!p1 [hbm4b:s11+s26], $0x400, s24, s26, $0x38;
	[tilespmem:$0x18D00] =	vst v63  }
0x258: {  	s12 =	sadd.s32 @!p3 $0xFFFF829C, s12;
	_ =	swait.ge @!p1 [sflag:s28], $0x400  }
0x259: {  	p0 =	slt.s32 s25, $0x7D64;
	p2 =	slt.s32 s22, $0x7D64;
	[sflag:s28] =	ssyncset.done @!p1 $0x0  }
0x25a: {  	s22 =	sadd.s32 @!p2 $0xFFFF829C, s22;
	s11 =	sadd.s32 @!p1 $0x0, s18;
	[sflag:s28] =	ssyncadd.s32 @!p1 $0xFFFFFC00  }
0x25b: {  	[hbm4b:s11+s26] =	stream.strided.scatter @!p1 [tilespmem:s17], [sflag:$0x4], $0x400, s24, s26, $0x38;
	[tilespmem:$0x18D00] =	vst v63  }
0x25c: {  	s11 =	sshll.u32 @!p2 s22, $0xA;
	s17 =	sshll.u32 @!p2 s22, $0x7;
	s22 =	sadd.s32 @!p0 $0xFFFF829C, s25  }
0x25d: {  	s24 =	simm.s32 @!p2 $0x900;
	s25 =	simm.s32 @!p2 $0x4;
	s26 =	simm.s32 @!p2 $0x80  }
0x25e: {  	s11 =	sand.u32 @!p2 $0xFFFFE000, s11;
	s17 =	sand.u32 @!p2 $0x380, s17;
	_ =	swait.ge @!p1 [sflag:s28], $0x400  }
0x25f: {  	s11 =	sor.u32 @!p2 s17, s11;
	s17 =	simm.s32 @!p2 $0x400;
	[sflag:s28] =	ssyncset.done @!p1 $0x0  }
0x260: {  	s11 =	sshrl.u32 @!p2 s11, $0x3;
	[sflag:s28] =	ssyncadd.s32 @!p1 $0xFFFFFC00;
	s28 =	sshll.u32 @!p0 s22, $0xA  }
0x261: {  	s22 =	sshll.u32 @!p0 s22, $0x7;
	p1 =	slt.s32 s16, $0x7D64;
	s11 =	sadd.s32 @!p2 s2, s11  }
0x262: {  	[tilespmem:s24], [sflag:$0x4] =	stream.strided.gather @!p2 [hbm4b:s11+s26], $0x400, s17, s26, $0x38;
	[tilespmem:$0x18D00] =	vst v63  }
0x263: {  	s22 =	sand.u32 @!p0 $0x380, s22;
	s16 =	sadd.s32 @!p1 $0xFFFF829C, s16;
	s11 =	sand.u32 @!p0 $0xFFFFE000, s28  }
0x264: {  	s28 =	sadd.s32 @!p2 $0x0, s18;
	_ =	swait.ge @!p2 [sflag:s25], $0x400;
	s22 =	sor.u32 @!p0 s22, s11  }
0x265: {  	s11 =	simm.s32 $0x800;
	[sflag:s25] =	ssyncset.done @!p2 $0x0;
	s22 =	sshrl.u32 @!p0 s22, $0x3  }
0x266: {  	s28 =	sadd.s32 @!p2 $0x10, s28;
	[sflag:s25] =	ssyncadd.s32 @!p2 $0xFFFFFC00;
	s22 =	sadd.s32 @!p0 s2, s22  }
0x267: {  	[hbm4b:s28+s26] =	stream.strided.scatter @!p2 [tilespmem:s24], [sflag:$0x4], $0x400, s17, s26, $0x38;
	[tilespmem:$0x18D00] =	vst v63  }
0x268: {  	s17 =	sadd.s32 @!p0 $0x0, s18;
	s24 =	simm.s32 @!p0 $0x80;
	_ =	swait.ge @!p2 [sflag:s25], $0x400  }
0x269: {  	s26 =	simm.s32 @!p0 $0x400;
	s28 =	simm.s32 @!p0 $0x900;
	[sflag:s25] =	ssyncset.done @!p2 $0x0  }
0x26a: {  	s17 =	sadd.s32 @!p0 $0x20, s17;
	[sflag:s25] =	ssyncadd.s32 @!p2 $0xFFFFFC00;
	s25 =	simm.s32 @!p0 $0x4  }
0x26b: {  	[tilespmem:s28], [sflag:$0x4] =	stream.strided.gather @!p0 [hbm4b:s22+s24], $0x400, s26, s24, $0x38;
	[tilespmem:$0x18D00] =	vst v63  }
0x26c: {  	p2 =	slt.s32 s14, $0x7D64;
	s22 =	sshll.u32 @!p1 s16, $0xA;
	s16 =	sshll.u32 @!p1 s16, $0x7  }
0x26d: {  	_ =	swait.ge @!p0 [sflag:s25], $0x400;
	s22 =	sand.u32 @!p1 $0xFFFFE000, s22;
	s16 =	sand.u32 @!p1 $0x380, s16  }
0x26e: {  	s14 =	sadd.s32 @!p2 $0xFFFF829C, s14;
	[sflag:s25] =	ssyncset.done @!p0 $0x0;
	s16 =	sor.u32 @!p1 s16, s22  }
0x26f: {  	s22 =	simm.s32 @!p1 $0x400;
	[sflag:s25] =	ssyncadd.s32 @!p0 $0xFFFFFC00;
	s16 =	sshrl.u32 @!p1 s16, $0x3  }
0x270: {  	[hbm4b:s17+s24] =	stream.strided.scatter @!p0 [tilespmem:s28], [sflag:$0x4], $0x400, s26, s24, $0x38;
	[tilespmem:$0x18D00] =	vst v63  }
0x271: {  	s17 =	simm.s32 @!p1 $0x900;
	s24 =	simm.s32 @!p1 $0x80;
	_ =	swait.ge @!p0 [sflag:s25], $0x400  }
0x272: {  	s16 =	sadd.s32 @!p1 s2, s16;
	s26 =	simm.s32 @!p1 $0x4;
	[sflag:s25] =	ssyncset.done @!p0 $0x0  }
0x273: {  	s28 =	sadd.s32 @!p1 $0x0, s18;
	[sflag:s25] =	ssyncadd.s32 @!p0 $0xFFFFFC00;
	s25 =	sshll.u32 @!p3 s12, $0xA  }
0x274: {  	[tilespmem:s17], [sflag:$0x4] =	stream.strided.gather @!p1 [hbm4b:s16+s24], $0x400, s22, s24, $0x38;
	[tilespmem:$0x18D00] =	vst v63  }
0x275: {  	s28 =	sadd.s32 @!p1 $0x30, s28;
	s12 =	sshll.u32 @!p3 s12, $0x7;
	s16 =	sand.u32 @!p3 $0xFFFFE000, s25  }
0x276: {  	s12 =	sand.u32 @!p3 $0x380, s12;
	s25 =	sadd.s32 @!p3 $0x0, s18;
	_ =	swait.ge @!p1 [sflag:s26], $0x400  }
0x277: {  	s12 =	sor.u32 @!p3 s12, s16;
	s16 =	sadd.s32 @!p3 $0x40, s25;
	[sflag:s26] =	ssyncset.done @!p1 $0x0  }
0x278: {  	s25 =	simm.s32 @!p3 $0x4;
	s12 =	sshrl.u32 @!p3 s12, $0x3;
	[sflag:s26] =	ssyncadd.s32 @!p1 $0xFFFFFC00  }
0x279: {  	[hbm4b:s28+s24] =	stream.strided.scatter @!p1 [tilespmem:s17], [sflag:$0x4], $0x400, s22, s24, $0x38;
	[tilespmem:$0x18D00] =	vst v63  }
0x27a: {  	s12 =	sadd.s32 @!p3 s2, s12;
	s17 =	simm.s32 @!p3 $0x900;
	_ =	swait.ge @!p1 [sflag:s26], $0x400  }
0x27b: {  	s22 =	simm.s32 @!p3 $0x80;
	s24 =	simm.s32 @!p3 $0x400;
	[sflag:s26] =	ssyncset.done @!p1 $0x0  }
0x27c: {  	[sflag:s26] =	ssyncadd.s32 @!p1 $0xFFFFFC00;
	s26 =	sshll.u32 @!p2 s14, $0xA;
	s14 =	sshll.u32 @!p2 s14, $0x7  }
0x27d: {  	[tilespmem:s17], [sflag:$0x4] =	stream.strided.gather @!p3 [hbm4b:s12+s22], $0x400, s24, s22, $0x38;
	[tilespmem:$0x18D00] =	vst v63  }
0x27e: {  	s26 =	sand.u32 @!p2 $0xFFFFE000, s26;
	s14 =	sand.u32 @!p2 $0x380, s14;
	_ =	swait.ge @!p3 [sflag:s25], $0x400  }
0x27f: {  	p1 =	slt.s32 s15, $0x7D64;
	s14 =	sor.u32 @!p2 s14, s26;
	[sflag:s25] =	ssyncset.done @!p3 $0x0  }
0x280: {  	s12 =	simm.s32 $0x180;
	s14 =	sshrl.u32 @!p2 s14, $0x3;
	[sflag:s25] =	ssyncadd.s32 @!p3 $0xFFFFFC00  }
0x281: {  	[hbm4b:s16+s22] =	stream.strided.scatter @!p3 [tilespmem:s17], [sflag:$0x4], $0x400, s24, s22, $0x38;
	[tilespmem:$0x18D00] =	vst v63  }
0x282: {  	s14 =	sadd.s32 @!p2 s2, s14;
	s22 =	simm.s32 @!p2 $0x900;
	_ =	swait.ge @!p3 [sflag:s25], $0x400  }
0x283: {  	s24 =	simm.s32 @!p2 $0x400;
	s17 =	simm.s32 @!p2 $0x4;
	[sflag:s25] =	ssyncset.done @!p3 $0x0  }
0x284: {  	[sflag:s25] =	ssyncadd.s32 @!p3 $0xFFFFFC00;
	s25 =	simm.s32 @!p2 $0x80;
	p3 =	slt.s32 s8, $0x7D64  }
0x285: {  	[tilespmem:s22], [sflag:$0x4] =	stream.strided.gather @!p2 [hbm4b:s14+s25], $0x400, s24, s25, $0x38;
	[tilespmem:$0x18D00] =	vst v63  }
0x286: {  	s14 =	sadd.s32 @!p2 $0x0, s18;
	s8 =	sadd.s32 @!p3 $0xFFFF829C, s8;
	_ =	swait.ge @!p2 [sflag:s17], $0x400  }
0x287: {  	s26 =	sadd.s32 @!p2 $0x50, s14;
	s14 =	sshll.u32 @!p3 s8, $0xA;
	s8 =	sshll.u32 @!p3 s8, $0x7  }
0x288: {  	[sflag:s17] =	ssyncset.done @!p2 $0x0;
	s16 =	sand.u32 @!p3 $0xFFFFE000, s14;
	s28 =	sand.u32 @!p3 $0x380, s8  }
0x289: {  	s8 =	simm.s32 @!p3 $0x900;
	s14 =	simm.s32 $0x0;
	[sflag:s17] =	ssyncadd.s32 @!p2 $0xFFFFFC00  }
.LBB2_2:
0x28a: {  	[hbm4b:s26+s25] =	stream.strided.scatter @!p2 [tilespmem:s22], [sflag:$0x4], $0x400, s24, s25, $0x38;
	[tilespmem:$0x18D00] =	vst v63  }
0x28b: {  	s22 =	smov.u32 s11  }
0x28c: {  	s16 =	sor.u32 @!p3 s28, s16;
	s24 =	simm.s32 @!p3 $0x400;
	_ =	swait.ge @!p2 [sflag:s17], $0x400  }
0x28d: {  	s25 =	simm.s32 @!p3 $0x80;
	s16 =	sshrl.u32 @!p3 s16, $0x3;
	[sflag:s17] =	ssyncset.done @!p2 $0x0  }
0x28e: {  	s16 =	sadd.s32 @!p3 s2, s16;
	[sflag:s17] =	ssyncadd.s32 @!p2 $0xFFFFFC00;
	s17 =	simm.s32 @!p3 $0x4  }
0x28f: {  	[tilespmem:s8], [sflag:$0x4] =	stream.strided.gather @!p3 [hbm4b:s16+s25], $0x400, s24, s25, $0x38;
	[tilespmem:$0x18D00] =	vst v63  }
0x290: {  	s15 =	sadd.s32 @!p1 $0xFFFF829C, s15;
	s16 =	sadd.s32 @!p3 s14, s18;
	_ =	swait.ge @!p3 [sflag:s17], $0x400  }
0x291: {  	s26 =	sshll.u32 @!p1 s15, $0xA;
	s16 =	sadd.s32 @!p3 $0x60, s16;
	[sflag:s17] =	ssyncset.done @!p3 $0x0  }
0x292: {  	s15 =	sshll.u32 @!p1 s15, $0x7;
	s26 =	sand.u32 @!p1 $0xFFFFE000, s26;
	[sflag:s17] =	ssyncadd.s32 @!p3 $0xFFFFFC00  }
0x293: {  	[hbm4b:s16+s25] =	stream.strided.scatter @!p3 [tilespmem:s8], [sflag:$0x4], $0x400, s24, s25, $0x38;
	[tilespmem:$0x18D00] =	vst v63  }
0x294: {  	s8 =	sand.u32 @!p1 $0x380, s15;
	s15 =	simm.s32 @!p1 $0x900;
	_ =	swait.ge @!p3 [sflag:s17], $0x400  }
0x295: {  	s16 =	simm.s32 @!p1 $0x400;
	s8 =	sor.u32 @!p1 s8, s26;
	[sflag:s17] =	ssyncset.done @!p3 $0x0  }
0x296: {  	s8 =	sshrl.u32 @!p1 s8, $0x3;
	[sflag:s17] =	ssyncadd.s32 @!p3 $0xFFFFFC00;
	s17 =	simm.s32 @!p1 $0x80  }
0x297: {  	s14 =	sadd.s32 @!p1 s14, s18;
	s24 =	simm.s32 @!p1 $0x4;
	s8 =	sadd.s32 @!p1 s2, s8  }
0x298: {  	[tilespmem:s15], [sflag:$0x4] =	stream.strided.gather @!p1 [hbm4b:s8+s17], $0x400, s16, s17, $0x38;
	[tilespmem:$0x18D00] =	vst v63  }
0x299: {  	s11 =	sadd.s32 $0x800, s11;
	s8 =	sadd.s32 @!p1 $0x70, s14;
	_ =	swait.ge @!p1 [sflag:s24], $0x400  }
0x29a: {  	p0 =	sne.s32 s11, $0x8000;
	s14 =	smov.u32 s22;
	[sflag:s24] =	ssyncset.done @!p1 $0x0  }
0x29b: {  	s22 =	simm.s32 @!p1 $0x3;
	[sflag:s24] =	ssyncadd.s32 @!p1 $0xFFFFFC00  }
0x29c: {  	[hbm4b:s8+s17] =	stream.strided.scatter @!p1 [tilespmem:s15], [sflag:$0x3], $0x400, s16, s17, $0x38;
	[tilespmem:$0x18D00] =	vst v63  }
0x29d: {  	_ =	swait.ge @!p1 [sflag:s22], $0x400  }
0x29e: {  	[sflag:s22] =	ssyncset.done @!p1 $0x0  }
0x29f: {  	[sflag:s22] =	ssyncadd.s32 @!p1 $0xFFFFFC00  }
0x2a0: {  	v3 =	vld [tilespmem:s12+$0x0];
	_ =	sdelay $0x4  }
0x2a1: {  	(v2sf) =	vpush v3, $0x2  }
0x2a2: {  	(v2sf) =	vpush v3, $0x1  }
0x2a3: {  	(v2sf) =	vpush v3, $0x0  }
0x2a4: {  	(v2sf) =	vpush v3, $0x3  }
0x2a5: {  	(v2sf) =	vpush v3, $0x4;
	_ =	sdelay $0x1  }
0x2a6: {  	(v2sf) =	vpush v3, $0x5  }
0x2a7: {  	(v2sf) =	vpush v3, $0x6;
	_ =	sdelay $0x7  }
0x2a8: {  	s25 =	spop (v2sf)  }
0x2a9: {  	s24 =	spop (v2sf)  }
0x2aa: {  	s8 =	spop (v2sf)  }
0x2ab: {  	p2 =	slt.s32 s8, $0x7D64;
	s22 =	spop (v2sf)  }
0x2ac: {  	s15 =	sadd.s32 @!p2 $0xFFFF829C, s8;
	s26 =	simm.s32 @!p2 $0x900;
	s16 =	spop (v2sf)  }
0x2ad: {  	p3 =	slt.s32 s25, $0x7D64;
	s28 =	simm.s32 @!p2 $0x4;
	p1 =	slt.s32 s16, $0x7D64  }
0x2ae: {  	s17 =	simm.s32 @!p3 $0x4;
	s29 =	sshll.u32 @!p2 s15, $0x7;
	s8 =	spop (v2sf)  }
0x2af: {  	s30 =	sshll.u32 @!p2 s15, $0xA;
	s29 =	sand.u32 @!p2 $0x380, s29;
	s15 =	spop (v2sf)  }
0x2b0: {  	s31 =	simm.s32 @!p2 $0x400;
	s0 =	sadd.s32 @!p2 s14, s19;
	s30 =	sand.u32 @!p2 $0xFFFFE000, s30  }
0x2b1: {  	p5 =	slt.s32 s24, $0x7D64;
	s29 =	sor.u32 @!p2 s29, s30;
	s30 =	simm.s32 @!p2 $0x80  }
0x2b2: {  	s3 =	sadd.s32 @!p5 $0xFFFF829C, s24;
	s24 =	simm.s32 @!p5 $0x4;
	s29 =	sshrl.u32 @!p2 s29, $0x3  }
0x2b3: {  	s21 =	sshll.u32 @!p5 s3, $0xA;
	s3 =	sshll.u32 @!p5 s3, $0x7;
	s29 =	sadd.s32 @!p2 s2, s29  }
0x2b4: {  	s23 =	simm.s32 @!p5 $0x900;
	s21 =	sand.u32 @!p5 $0xFFFFE000, s21;
	s3 =	sand.u32 @!p5 $0x380, s3  }
0x2b5: {  	[tilespmem:s26], [sflag:$0x4] =	stream.strided.gather @!p2 [hbm4b:s29+s30], $0x400, s31, s30, $0x38;
	(v2sf) =	vpush v3, $0x7;
	[tilespmem:$0x18D00] =	vst v63  }
0x2b6: {  	s3 =	sor.u32 @!p5 s3, s21;
	s21 =	simm.s32 @!p5 $0x400;
	_ =	swait.ge @!p2 [sflag:s28], $0x400  }
0x2b7: {  	s3 =	sshrl.u32 @!p5 s3, $0x3;
	s29 =	simm.s32 @!p5 $0x80;
	[sflag:s28] =	ssyncset.done @!p2 $0x0  }
0x2b8: {  	s13 =	sadd.s32 @!p5 s14, s19;
	s3 =	sadd.s32 @!p5 s2, s3;
	[sflag:s28] =	ssyncadd.s32 @!p2 $0xFFFFFC00  }
0x2b9: {  	[hbm4b:s0+s30] =	stream.strided.scatter @!p2 [tilespmem:s26], [sflag:$0x4], $0x400, s31, s30, $0x38;
	[tilespmem:$0x18D00] =	vst v63  }
0x2ba: {  	s0 =	sadd.s32 @!p5 $0x10, s13;
	s13 =	sadd.s32 @!p3 $0xFFFF829C, s25;
	_ =	swait.ge @!p2 [sflag:s28], $0x400  }
0x2bb: {  	s25 =	sshll.u32 @!p3 s13, $0xA;
	s13 =	sshll.u32 @!p3 s13, $0x7;
	[sflag:s28] =	ssyncset.done @!p2 $0x0  }
0x2bc: {  	s25 =	sand.u32 @!p3 $0xFFFFE000, s25;
	s13 =	sand.u32 @!p3 $0x380, s13;
	[sflag:s28] =	ssyncadd.s32 @!p2 $0xFFFFFC00  }
0x2bd: {  	[tilespmem:s23], [sflag:$0x4] =	stream.strided.gather @!p5 [hbm4b:s3+s29], $0x400, s21, s29, $0x38;
	[tilespmem:$0x18D00] =	vst v63  }
0x2be: {  	s3 =	sor.u32 @!p3 s13, s25;
	s13 =	simm.s32 @!p3 $0x900;
	_ =	swait.ge @!p5 [sflag:s24], $0x400  }
0x2bf: {  	s26 =	simm.s32 @!p3 $0x400;
	s3 =	sshrl.u32 @!p3 s3, $0x3;
	[sflag:s24] =	ssyncset.done @!p5 $0x0  }
0x2c0: {  	p2 =	slt.s32 s15, $0x7D64;
	s3 =	sadd.s32 @!p3 s2, s3;
	[sflag:s24] =	ssyncadd.s32 @!p5 $0xFFFFFC00  }
0x2c1: {  	[hbm4b:s0+s29] =	stream.strided.scatter @!p5 [tilespmem:s23], [sflag:$0x4], $0x400, s21, s29, $0x38;
	[tilespmem:$0x18D00] =	vst v63  }
0x2c2: {  	_ =	swait.ge @!p5 [sflag:s24], $0x400  }
0x2c3: {  	p4 =	slt.s32 s22, $0x7D64;
	s0 =	sadd.s32 @!p3 s14, s19;
	(v2sf) =	vpush v3, $0x8  }
0x2c4: {  	s21 =	sadd.s32 @!p4 $0xFFFF829C, s22;
	s0 =	sadd.s32 @!p3 $0x20, s0;
	[sflag:s24] =	ssyncset.done @!p5 $0x0  }
0x2c5: {  	s22 =	sshll.u32 @!p4 s21, $0xA;
	s21 =	sshll.u32 @!p4 s21, $0x7;
	s25 =	spop (v2sf)  }
0x2c6: {  	s23 =	simm.s32 @!p3 $0x80;
	s21 =	sand.u32 @!p4 $0x380, s21;
	[sflag:s24] =	ssyncadd.s32 @!p5 $0xFFFFFC00;
	(v2sf) =	vpush v3, $0x9  }
0x2c7: {  	[tilespmem:s13], [sflag:$0x4] =	stream.strided.gather @!p3 [hbm4b:s3+s23], $0x400, s26, s23, $0x38;
	[tilespmem:$0x18D00] =	vst v63  }
0x2c8: {  	s3 =	sand.u32 @!p4 $0xFFFFE000, s22;
	s22 =	simm.s32 @!p4 $0x400;
	_ =	swait.ge @!p3 [sflag:s17], $0x400  }
0x2c9: {  	s3 =	sor.u32 @!p4 s21, s3;
	s21 =	simm.s32 @!p4 $0x80;
	[sflag:s17] =	ssyncset.done @!p3 $0x0  }
0x2ca: {  	s29 =	simm.s32 @!p4 $0x4;
	s3 =	sshrl.u32 @!p4 s3, $0x3;
	[sflag:s17] =	ssyncadd.s32 @!p3 $0xFFFFFC00  }
0x2cb: {  	[hbm4b:s0+s23] =	stream.strided.scatter @!p3 [tilespmem:s13], [sflag:$0x4], $0x400, s26, s23, $0x38;
	[tilespmem:$0x18D00] =	vst v63  }
0x2cc: {  	s0 =	sadd.s32 @!p4 s14, s19;
	s13 =	sadd.s32 @!p1 $0xFFFF829C, s16;
	_ =	swait.ge @!p3 [sflag:s17], $0x400  }
0x2cd: {  	s0 =	sadd.s32 @!p4 $0x30, s0;
	s16 =	sshll.u32 @!p1 s13, $0xA;
	[sflag:s17] =	ssyncset.done @!p3 $0x0;
	(v2sf) =	vpush v3, $0xA  }
0x2ce: {  	s13 =	sshll.u32 @!p1 s13, $0x7;
	s16 =	sand.u32 @!p1 $0xFFFFE000, s16;
	[sflag:s17] =	ssyncadd.s32 @!p3 $0xFFFFFC00;
	(v2sf) =	vpush v3, $0xB  }
0x2cf: {  	s3 =	sadd.s32 @!p4 s2, s3;
	s13 =	sand.u32 @!p1 $0x380, s13;
	s17 =	simm.s32 @!p4 $0x900  }
0x2d0: {  	[tilespmem:s17], [sflag:$0x4] =	stream.strided.gather @!p4 [hbm4b:s3+s21], $0x400, s22, s21, $0x38;
	(v2sf) =	vpush v3, $0xC;
	[tilespmem:$0x18D00] =	vst v63  }
0x2d1: {  	s3 =	sor.u32 @!p1 s13, s16;
	s13 =	simm.s32 @!p1 $0x400;
	_ =	swait.ge @!p4 [sflag:s29], $0x400  }
0x2d2: {  	s3 =	sshrl.u32 @!p1 s3, $0x3;
	[sflag:s29] =	ssyncset.done @!p4 $0x0;
	s28 =	spop (v2sf);
	(v2sf) =	vpush v3, $0xD  }
0x2d3: {  	s16 =	sadd.s32 @!p1 s14, s19;
	s3 =	sadd.s32 @!p1 s2, s3;
	[sflag:s29] =	ssyncadd.s32 @!p4 $0xFFFFFC00  }
0x2d4: {  	[hbm4b:s0+s21] =	stream.strided.scatter @!p4 [tilespmem:s17], [sflag:$0x4], $0x400, s22, s21, $0x38;
	[tilespmem:$0x18D00] =	vst v63  }
0x2d5: {  	_ =	swait.ge @!p4 [sflag:s29], $0x400  }
0x2d6: {  	s0 =	sadd.s32 @!p1 $0x40, s16;
	s24 =	spop (v2sf);
	(v2sf) =	vpush v3, $0xE  }
0x2d7: {  	s16 =	simm.s32 @!p1 $0x80;
	s21 =	simm.s32 @!p1 $0x4;
	[sflag:s29] =	ssyncset.done @!p4 $0x0  }
0x2d8: {  	p3 =	slt.s32 s8, $0x7D64;
	s17 =	simm.s32 @!p1 $0x900;
	[sflag:s29] =	ssyncadd.s32 @!p4 $0xFFFFFC00  }
0x2d9: {  	[tilespmem:s17], [sflag:$0x4] =	stream.strided.gather @!p1 [hbm4b:s3+s16], $0x400, s13, s16, $0x38;
	(v2sf) =	vpush v3, $0xF;
	[tilespmem:$0x18D00] =	vst v63  }
0x2da: {  	s23 =	simm.s32 @!p3 $0x900;
	s3 =	sadd.s32 @!p3 $0xFFFF829C, s8;
	_ =	swait.ge @!p1 [sflag:s21], $0x400  }
0x2db: {  	s30 =	sadd.s32 @!p3 s14, s19;
	s8 =	sshll.u32 @!p3 s3, $0xA;
	[sflag:s21] =	ssyncset.done @!p1 $0x0  }
0x2dc: {  	s22 =	sadd.s32 @!p2 s14, s19;
	s3 =	sshll.u32 @!p3 s3, $0x7;
	s8 =	sand.u32 @!p3 $0xFFFFE000, s8  }
0x2dd: {  	s29 =	sadd.s32 @!p2 $0x60, s22;
	s3 =	sand.u32 @!p3 $0x380, s3;
	s26 =	spop (v2sf)  }
0x2de: {  	s3 =	sor.u32 @!p3 s3, s8;
	[sflag:s21] =	ssyncadd.s32 @!p1 $0xFFFFFC00;
	s22 =	spop (v2sf)  }
0x2df: {  	s31 =	simm.s32 @!p3 $0x400;
	s10 =	simm.s32 @!p3 $0x4;
	s3 =	sshrl.u32 @!p3 s3, $0x3  }
0x2e0: {  	s3 =	sadd.s32 @!p3 s2, s3;
	s8 =	spop (v2sf)  }
0x2e1: {  	[hbm4b:s0+s16] =	stream.strided.scatter @!p1 [tilespmem:s17], [sflag:$0x4], $0x400, s13, s16, $0x38;
	[tilespmem:$0x18D00] =	vst v63  }
0x2e2: {  	_ =	swait.ge @!p1 [sflag:s21], $0x400  }
0x2e3: {  	s0 =	sadd.s32 @!p2 $0xFFFF829C, s15;
	s17 =	spop (v2sf)  }
0x2e4: {  	s13 =	sshll.u32 @!p2 s0, $0xA;
	s0 =	sshll.u32 @!p2 s0, $0x7;
	[sflag:s21] =	ssyncset.done @!p1 $0x0  }
0x2e5: {  	s13 =	sand.u32 @!p2 $0xFFFFE000, s13;
	s0 =	sand.u32 @!p2 $0x380, s0;
	[sflag:s21] =	ssyncadd.s32 @!p1 $0xFFFFFC00  }
0x2e6: {  	s0 =	sor.u32 @!p2 s0, s13;
	s21 =	simm.s32 @!p3 $0x80;
	s16 =	spop (v2sf)  }
0x2e7: {  	[tilespmem:s23], [sflag:$0x4] =	stream.strided.gather @!p3 [hbm4b:s3+s21], $0x400, s31, s21, $0x38;
	[tilespmem:$0x18D00] =	vst v63  }
0x2e8: {  	s0 =	sshrl.u32 @!p2 s0, $0x3;
	s3 =	simm.s32 @!p2 $0x400;
	_ =	swait.ge @!p3 [sflag:s10], $0x400  }
0x2e9: {  	s13 =	simm.s32 @!p2 $0x900;
	[sflag:s10] =	ssyncset.done @!p3 $0x0;
	s15 =	spop (v2sf)  }
0x2ea: {  	s30 =	sadd.s32 @!p3 $0x50, s30;
	p1 =	slt.s32 s25, $0x7D64;
	[sflag:s10] =	ssyncadd.s32 @!p3 $0xFFFFFC00  }
0x2eb: {  	[hbm4b:s30+s21] =	stream.strided.scatter @!p3 [tilespmem:s23], [sflag:$0x4], $0x400, s31, s21, $0x38;
	[tilespmem:$0x18D00] =	vst v63  }
0x2ec: {  	s21 =	simm.s32 @!p2 $0x80;
	s23 =	simm.s32 @!p2 $0x4;
	_ =	swait.ge @!p3 [sflag:s10], $0x400  }
0x2ed: {  	s0 =	sadd.s32 @!p2 s2, s0;
	s25 =	sadd.s32 @!p1 $0xFFFF829C, s25;
	[sflag:s10] =	ssyncset.done @!p3 $0x0  }
0x2ee: {  	[sflag:s10] =	ssyncadd.s32 @!p3 $0xFFFFFC00;
	s10 =	sshll.u32 @!p1 s25, $0xA;
	s25 =	sshll.u32 @!p1 s25, $0x7  }
0x2ef: {  	[tilespmem:s13], [sflag:$0x4] =	stream.strided.gather @!p2 [hbm4b:s0+s21], $0x400, s3, s21, $0x38;
	[tilespmem:$0x18D00] =	vst v63  }
0x2f0: {  	s0 =	sand.u32 @!p1 $0xFFFFE000, s10;
	s10 =	sand.u32 @!p1 $0x380, s25;
	_ =	swait.ge @!p2 [sflag:s23], $0x400  }
0x2f1: {  	s0 =	sor.u32 @!p1 s10, s0;
	s10 =	sadd.s32 @!p1 s14, s19;
	[sflag:s23] =	ssyncset.done @!p2 $0x0  }
0x2f2: {  	s0 =	sshrl.u32 @!p1 s0, $0x3;
	[sflag:s23] =	ssyncadd.s32 @!p2 $0xFFFFFC00  }
0x2f3: {  	[hbm4b:s29+s21] =	stream.strided.scatter @!p2 [tilespmem:s13], [sflag:$0x4], $0x400, s3, s21, $0x38;
	[tilespmem:$0x18D00] =	vst v63  }
0x2f4: {  	s0 =	sadd.s32 @!p1 s2, s0;
	s3 =	simm.s32 @!p1 $0x80;
	_ =	swait.ge @!p2 [sflag:s23], $0x400  }
0x2f5: {  	s13 =	simm.s32 @!p1 $0x900;
	s21 =	simm.s32 @!p1 $0x4;
	[sflag:s23] =	ssyncset.done @!p2 $0x0  }
0x2f6: {  	p4 =	slt.s32 s28, $0x7D64;
	[sflag:s23] =	ssyncadd.s32 @!p2 $0xFFFFFC00;
	p2 =	slt.s32 s22, $0x7D64  }
0x2f7: {  	s25 =	sadd.s32 @!p4 $0xFFFF829C, s28;
	s28 =	sadd.s32 @!p4 s14, s18;
	s23 =	simm.s32 @!p1 $0x400  }
0x2f8: {  	s30 =	sshll.u32 @!p4 s25, $0x7;
	s29 =	sshll.u32 @!p4 s25, $0xA;
	s25 =	simm.s32 @!p2 $0x900  }
0x2f9: {  	[tilespmem:s13], [sflag:$0x4] =	stream.strided.gather @!p1 [hbm4b:s0+s3], $0x400, s23, s3, $0x38;
	[tilespmem:$0x18D00] =	vst v63  }
0x2fa: {  	s0 =	sadd.s32 @!p1 $0x70, s10;
	s10 =	sand.u32 @!p4 $0x380, s30;
	_ =	swait.ge @!p1 [sflag:s21], $0x400  }
0x2fb: {  	p3 =	slt.s32 s24, $0x7D64;
	s29 =	sand.u32 @!p4 $0xFFFFE000, s29;
	[sflag:s21] =	ssyncset.done @!p1 $0x0  }
0x2fc: {  	s10 =	sor.u32 @!p4 s10, s29;
	s29 =	simm.s32 @!p4 $0x900;
	[sflag:s21] =	ssyncadd.s32 @!p1 $0xFFFFFC00  }
0x2fd: {  	[hbm4b:s0+s3] =	stream.strided.scatter @!p1 [tilespmem:s13], [sflag:$0x4], $0x400, s23, s3, $0x38;
	[tilespmem:$0x18D00] =	vst v63  }
0x2fe: {  	s0 =	sshrl.u32 @!p4 s10, $0x3;
	s3 =	simm.s32 @!p4 $0x400;
	_ =	swait.ge @!p1 [sflag:s21], $0x400  }
0x2ff: {  	s10 =	simm.s32 @!p4 $0x80;
	s0 =	sadd.s32 @!p4 s2, s0;
	[sflag:s21] =	ssyncset.done @!p1 $0x0  }
0x300: {  	s13 =	simm.s32 @!p4 $0x4;
	[sflag:s21] =	ssyncadd.s32 @!p1 $0xFFFFFC00;
	s21 =	sadd.s32 @!p3 $0xFFFF829C, s24  }
0x301: {  	p1 =	slt.s32 s26, $0x7D64;
	s23 =	sshll.u32 @!p3 s21, $0xA;
	s21 =	sshll.u32 @!p3 s21, $0x7  }
0x302: {  	s24 =	sadd.s32 @!p1 $0xFFFF829C, s26;
	s23 =	sand.u32 @!p3 $0xFFFFE000, s23;
	s21 =	sand.u32 @!p3 $0x380, s21  }
0x303: {  	s26 =	simm.s32 @!p3 $0x900;
	s21 =	sor.u32 @!p3 s21, s23;
	s23 =	simm.s32 @!p3 $0x400  }
0x304: {  	[tilespmem:s29], [sflag:$0x4] =	stream.strided.gather @!p4 [hbm4b:s0+s10], $0x400, s3, s10, $0x38;
	[tilespmem:$0x18D00] =	vst v63  }
0x305: {  	s0 =	sshrl.u32 @!p3 s21, $0x3;
	s21 =	sadd.s32 @!p3 s14, s18;
	_ =	swait.ge @!p4 [sflag:s13], $0x400  }
0x306: {  	s30 =	simm.s32 @!p3 $0x4;
	s21 =	sadd.s32 @!p3 $0x10, s21;
	[sflag:s13] =	ssyncset.done @!p4 $0x0  }
0x307: {  	s31 =	simm.s32 @!p3 $0x80;
	s0 =	sadd.s32 @!p3 s2, s0;
	[sflag:s13] =	ssyncadd.s32 @!p4 $0xFFFFFC00  }
0x308: {  	[hbm4b:s28+s10] =	stream.strided.scatter @!p4 [tilespmem:s29], [sflag:$0x4], $0x400, s3, s10, $0x38;
	[tilespmem:$0x18D00] =	vst v63  }
0x309: {  	s3 =	sshll.u32 @!p1 s24, $0xA;
	s10 =	sshll.u32 @!p1 s24, $0x7;
	_ =	swait.ge @!p4 [sflag:s13], $0x400  }
0x30a: {  	s3 =	sand.u32 @!p1 $0xFFFFE000, s3;
	s10 =	sand.u32 @!p1 $0x380, s10;
	[sflag:s13] =	ssyncset.done @!p4 $0x0  }
0x30b: {  	s3 =	sor.u32 @!p1 s10, s3;
	s10 =	sadd.s32 @!p1 s14, s18;
	[sflag:s13] =	ssyncadd.s32 @!p4 $0xFFFFFC00  }
0x30c: {  	[tilespmem:s26], [sflag:$0x4] =	stream.strided.gather @!p3 [hbm4b:s0+s31], $0x400, s23, s31, $0x38;
	[tilespmem:$0x18D00] =	vst v63  }
0x30d: {  	s0 =	sshrl.u32 @!p1 s3, $0x3;
	s3 =	sadd.s32 @!p1 $0x20, s10;
	_ =	swait.ge @!p3 [sflag:s30], $0x400  }
0x30e: {  	s10 =	simm.s32 @!p1 $0x80;
	s0 =	sadd.s32 @!p1 s2, s0;
	[sflag:s30] =	ssyncset.done @!p3 $0x0  }
0x30f: {  	s24 =	simm.s32 @!p1 $0x900;
	s13 =	simm.s32 @!p1 $0x400;
	[sflag:s30] =	ssyncadd.s32 @!p3 $0xFFFFFC00  }
0x310: {  	[hbm4b:s21+s31] =	stream.strided.scatter @!p3 [tilespmem:s26], [sflag:$0x4], $0x400, s23, s31, $0x38;
	[tilespmem:$0x18D00] =	vst v63  }
0x311: {  	s22 =	sadd.s32 @!p2 $0xFFFF829C, s22;
	s21 =	simm.s32 @!p1 $0x4;
	_ =	swait.ge @!p3 [sflag:s30], $0x400  }
0x312: {  	s23 =	sshll.u32 @!p2 s22, $0xA;
	s22 =	sshll.u32 @!p2 s22, $0x7;
	[sflag:s30] =	ssyncset.done @!p3 $0x0  }
0x313: {  	s23 =	sand.u32 @!p2 $0xFFFFE000, s23;
	s22 =	sand.u32 @!p2 $0x380, s22;
	[sflag:s30] =	ssyncadd.s32 @!p3 $0xFFFFFC00  }
0x314: {  	[tilespmem:s24], [sflag:$0x4] =	stream.strided.gather @!p1 [hbm4b:s0+s10], $0x400, s13, s10, $0x38;
	[tilespmem:$0x18D00] =	vst v63  }
0x315: {  	s0 =	sor.u32 @!p2 s22, s23;
	s22 =	simm.s32 @!p2 $0x400;
	_ =	swait.ge @!p1 [sflag:s21], $0x400  }
0x316: {  	s23 =	simm.s32 @!p2 $0x80;
	s0 =	sshrl.u32 @!p2 s0, $0x3;
	[sflag:s21] =	ssyncset.done @!p1 $0x0  }
0x317: {  	s26 =	simm.s32 @!p2 $0x4;
	s0 =	sadd.s32 @!p2 s2, s0;
	[sflag:s21] =	ssyncadd.s32 @!p1 $0xFFFFFC00  }
0x318: {  	[hbm4b:s3+s10] =	stream.strided.scatter @!p1 [tilespmem:s24], [sflag:$0x4], $0x400, s13, s10, $0x38;
	[tilespmem:$0x18D00] =	vst v63  }
0x319: {  	s3 =	sadd.s32 @!p2 s14, s18;
	_ =	swait.ge @!p1 [sflag:s21], $0x400  }
0x31a: {  	p3 =	slt.s32 s8, $0x7D64;
	s3 =	sadd.s32 @!p2 $0x30, s3;
	[sflag:s21] =	ssyncset.done @!p1 $0x0  }
0x31b: {  	s8 =	sadd.s32 @!p3 $0xFFFF829C, s8;
	s10 =	sadd.s32 @!p3 s14, s18;
	[sflag:s21] =	ssyncadd.s32 @!p1 $0xFFFFFC00  }
0x31c: {  	s13 =	sshll.u32 @!p3 s8, $0xA;
	s8 =	sshll.u32 @!p3 s8, $0x7;
	s10 =	sadd.s32 @!p3 $0x40, s10  }
0x31d: {  	[tilespmem:s25], [sflag:$0x4] =	stream.strided.gather @!p2 [hbm4b:s0+s23], $0x400, s22, s23, $0x38;
	[tilespmem:$0x18D00] =	vst v63  }
0x31e: {  	s8 =	sand.u32 @!p3 $0x380, s8;
	s0 =	sand.u32 @!p3 $0xFFFFE000, s13;
	_ =	swait.ge @!p2 [sflag:s26], $0x400  }
0x31f: {  	s12 =	sadd.s32 $0x80, s12;
	s0 =	sor.u32 @!p3 s8, s0;
	[sflag:s26] =	ssyncset.done @!p2 $0x0  }
0x320: {  	p1 =	slt.s32 s15, $0x7D64;
	s0 =	sshrl.u32 @!p3 s0, $0x3;
	[sflag:s26] =	ssyncadd.s32 @!p2 $0xFFFFFC00  }
0x321: {  	[hbm4b:s3+s23] =	stream.strided.scatter @!p2 [tilespmem:s25], [sflag:$0x4], $0x400, s22, s23, $0x38;
	[tilespmem:$0x18D00] =	vst v63  }
0x322: {  	s0 =	sadd.s32 @!p3 s2, s0;
	s3 =	simm.s32 @!p3 $0x900;
	_ =	swait.ge @!p2 [sflag:s26], $0x400  }
0x323: {  	s13 =	simm.s32 @!p3 $0x400;
	s8 =	simm.s32 @!p3 $0x80;
	[sflag:s26] =	ssyncset.done @!p2 $0x0  }
0x324: {  	s21 =	simm.s32 @!p3 $0x4;
	[sflag:s26] =	ssyncadd.s32 @!p2 $0xFFFFFC00;
	p2 =	slt.s32 s17, $0x7D64  }
0x325: {  	[tilespmem:s3], [sflag:$0x4] =	stream.strided.gather @!p3 [hbm4b:s0+s8], $0x400, s13, s8, $0x38;
	[tilespmem:$0x18D00] =	vst v63  }
0x326: {  	s0 =	sadd.s32 @!p2 $0xFFFF829C, s17;
	s17 =	simm.s32 @!p2 $0x4;
	_ =	swait.ge @!p3 [sflag:s21], $0x400  }
0x327: {  	s22 =	sshll.u32 @!p2 s0, $0xA;
	s0 =	sshll.u32 @!p2 s0, $0x7;
	[sflag:s21] =	ssyncset.done @!p3 $0x0  }
0x328: {  	s22 =	sand.u32 @!p2 $0xFFFFE000, s22;
	s0 =	sand.u32 @!p2 $0x380, s0;
	[sflag:s21] =	ssyncadd.s32 @!p3 $0xFFFFFC00  }
0x329: {  	[hbm4b:s10+s8] =	stream.strided.scatter @!p3 [tilespmem:s3], [sflag:$0x4], $0x400, s13, s8, $0x38;
	[tilespmem:$0x18D00] =	vst v63  }
0x32a: {  	s0 =	sor.u32 @!p2 s0, s22;
	s22 =	simm.s32 @!p2 $0x900;
	_ =	swait.ge @!p3 [sflag:s21], $0x400  }
0x32b: {  	s24 =	simm.s32 @!p2 $0x400;
	s0 =	sshrl.u32 @!p2 s0, $0x3;
	[sflag:s21] =	ssyncset.done @!p3 $0x0  }
0x32c: {  	s25 =	simm.s32 @!p2 $0x80;
	s0 =	sadd.s32 @!p2 s2, s0;
	[sflag:s21] =	ssyncadd.s32 @!p3 $0xFFFFFC00  }
0x32d: {  	[tilespmem:s22], [sflag:$0x4] =	stream.strided.gather @!p2 [hbm4b:s0+s25], $0x400, s24, s25, $0x38;
	[tilespmem:$0x18D00] =	vst v63  }
.Ltmp0:
0x32e: {  	_ = 	snop;
	(pc) =	sbr.rel @p0 .LBB2_2-.Ltmp0, $4  }
0x32f: {  	p3 =	slt.s32 s16, $0x7D64;
	s0 =	sadd.s32 @!p2 s14, s18;
	_ =	swait.ge @!p2 [sflag:s17], $0x400  }
0x330: {  	s26 =	sadd.s32 @!p2 $0x50, s0;
	s0 =	sadd.s32 @!p3 $0xFFFF829C, s16;
	[sflag:s17] =	ssyncset.done @!p2 $0x0  }
0x331: {  	s3 =	sshll.u32 @!p3 s0, $0xA;
	s0 =	sshll.u32 @!p3 s0, $0x7;
	[sflag:s17] =	ssyncadd.s32 @!p2 $0xFFFFFC00  }
0x332: {  	s8 =	simm.s32 @!p3 $0x900;
	s16 =	sand.u32 @!p3 $0xFFFFE000, s3;
	s28 =	sand.u32 @!p3 $0x380, s0  }
0x333: {  	[hbm4b:s26+s25] =	stream.strided.scatter @!p2 [tilespmem:s22], [sflag:$0x4], $0x400, s24, s25, $0x38;
	[tilespmem:$0x18D00] =	vst v63  }
0x334: {  	s0 =	sor.u32 @!p3 s28, s16;
	s3 =	simm.s32 @!p3 $0x400;
	_ =	swait.ge @!p2 [sflag:s17], $0x400  }
0x335: {  	s10 =	simm.s32 @!p3 $0x80;
	s0 =	sshrl.u32 @!p3 s0, $0x3;
	[sflag:s17] =	ssyncset.done @!p2 $0x0  }
0x336: {  	s11 =	simm.s32 @!p3 $0x4;
	s0 =	sadd.s32 @!p3 s2, s0;
	[sflag:s17] =	ssyncadd.s32 @!p2 $0xFFFFFC00  }
0x337: {  	[tilespmem:s8], [sflag:$0x4] =	stream.strided.gather @!p3 [hbm4b:s0+s10], $0x400, s3, s10, $0x38;
	[tilespmem:$0x18D00] =	vst v63  }
0x338: {  	s12 =	sadd.s32 @!p1 $0xFFFF829C, s15;
	_ =	swait.ge @!p3 [sflag:s11], $0x400  }
0x339: {  	s13 =	sshll.u32 @!p1 s12, $0xA;
	s0 =	sadd.s32 @!p3 s14, s18;
	[sflag:s11] =	ssyncset.done @!p3 $0x0  }
0x33a: {  	s12 =	sshll.u32 @!p1 s12, $0x7;
	s0 =	sadd.s32 @!p3 $0x60, s0;
	[sflag:s11] =	ssyncadd.s32 @!p3 $0xFFFFFC00  }
0x33b: {  	[hbm4b:s0+s10] =	stream.strided.scatter @!p3 [tilespmem:s8], [sflag:$0x4], $0x400, s3, s10, $0x38;
	[tilespmem:$0x18D00] =	vst v63  }
0x33c: {  	s0 =	sand.u32 @!p1 $0xFFFFE000, s13;
	s3 =	sand.u32 @!p1 $0x380, s12;
	s8 =	simm.s32 @!p1 $0x900  }
0x33d: {  	s10 =	simm.s32 @!p1 $0x80;
	_ =	swait.ge @!p3 [sflag:s11], $0x400;
	s0 =	sor.u32 @!p1 s3, s0  }
0x33e: {  	s3 =	simm.s32 @!p1 $0x400;
	[sflag:s11] =	ssyncset.done @!p3 $0x0;
	s0 =	sshrl.u32 @!p1 s0, $0x3  }
0x33f: {  	[sflag:s11] =	ssyncadd.s32 @!p3 $0xFFFFFC00;
	s0 =	sadd.s32 @!p1 s2, s0;
	s11 =	simm.s32 @!p1 $0x4  }
0x340: {  	[tilespmem:s8], [sflag:$0x4] =	stream.strided.gather @!p1 [hbm4b:s0+s10], $0x400, s3, s10, $0x38;
	[tilespmem:$0x18D00] =	vst v63  }
0x341: {  	_ =	swait.ge @!p1 [sflag:s11], $0x400  }
0x342: {  	s0 =	sadd.s32 @!p1 s14, s18;
	[sflag:s11] =	ssyncset.done @!p1 $0x0  }
0x343: {  	s0 =	sadd.s32 @!p1 $0x70, s0;
	[sflag:s11] =	ssyncadd.s32 @!p1 $0xFFFFFC00;
	s11 =	simm.s32 @!p1 $0x3  }
0x344: {  	[hbm4b:s0+s10] =	stream.strided.scatter @!p1 [tilespmem:s8], [sflag:$0x3], $0x400, s3, s10, $0x38;
	[tilespmem:$0x18D00] =	vst v63  }
0x345: {  	_ =	swait.ge @!p1 [sflag:s11], $0x400  }
0x346: {  	s1 =	rddreg [dreg:$0xf]  }
0x347: {  	s31 =	rddreg [dreg:$0xe];
	s1 =	sadd.s32 $0x1, s1  }
0x348: {  	p0 =	sne.s32 s1, s31  }
.Ltmp1:
0x349: {  	_ = 	snop;
	(pc) =	sbr.rel @p0 .LBB2_1-.Ltmp1, $3  }
0x34a: {  	_ =	sdelay $0x1  }
0x34b: {  	[sflag:s11] =	ssyncset.done @!p1 $0x0  }
0x34c: {  	[sflag:s11] =	ssyncadd.s32 @!p1 $0xFFFFFC00  }
0x34d: {  	_ =	sfence.sel $0x180000  }
0x34e: {  	[bflag:$0x0] =	sbarrier.arrive $0xFFFF  }
0x34f: {  	_ =	strace $0x90000047  }
0x350: {  	s0 =	stileid.u32;
	[bflag:$0x2] =	sbarrier.arrive $0xFFFF  }
0x351: {  	p0 =	sne.s32 s0, $0x0;
	s0 =	rddreg [dreg:$0x4]  }
0x352: {  	s0 =	sadd.s32 @!p0 $0x100000, s0  }
0x353: {  	[sflag:s0] =	ssyncadd.tile.s32 @!p0 $0x1;
	_ =	shalt  }
.Lfunc_end2:
_tile_overlayer_lowered:
.L_overlay_start_2:
0x354: {  	(tag) =	ssettag $0x2  }
0x355: {  	s0 =	rddreg [dreg:$0x0];
	s2 =	stileid.u32  }
0x356: {  	s1 =	rddreg [dreg:$0x1];
	p0 =	sne.s32 s2, $0x0  }
0x357: {  	s3 =	rddreg [dreg:$0x2];
	[bflag:$0x3] =	sbarrier.arrive $0xFFFF;
	s2 =	simm.s32 @!p0 $0x1C03  }
0x358: {  	[timem:s3], [sflag:s2] =	dma.local @!p0 [hbm:s0], s1  }
0x359: {  	s0 =	simm.s32 @!p0 $0x3  }
0x35a: {  	_ =	swait.ge @!p0 [sflag:s0], s1  }
0x35b: {  	s1 =	ssub.s32 @!p0 $0x0, s1;
	[sflag:s0] =	ssyncset.done @!p0 $0x0  }
0x35c: {  	[sflag:s0] =	ssyncadd.s32 @!p0 s1  }
0x35d: {  	[bflag:$0x3] =	sbarrier.arrive $0xFFFF  }
0x35e: {  	_ =	shalt  }

</sc_bundles>
